<compile_context>
chip_gen: v7x
topology: tpu7x:2x2x1
jax: 0.10.2.dev20260603
libtpu: 0.0.44.dev20260713+nightly
codegen_flags: <defaults>
</compile_context>

<pallas_src>
import jax
import jax.numpy as jnp
from jax import lax
from jax.experimental import pallas as pl
from jax.experimental.pallas import tpu as pltpu
from jax.experimental.pallas import tpu_sc as plsc

_N = 10000
_E = 320000
_D = 128
_TEMP = 101.0

_NC = 2
_NS = 16
_NW = _NC * _NS
_EPW = _E // _NW
_C = 80
_NCH = _EPW // _C
_NB = (_NCH - 2) // 3
_NPAD = 10240
_SL = _NPAD // _NS
_RB = 624
_RTAIL = _N - _RB * _NS
_R = 2000

_mesh = plsc.VectorSubcoreMesh(core_axis_name="c", subcore_axis_name="s")
_sc_params = pltpu.CompilerParams(needs_layout_passes=False)



def _deg_body(dst_hbm, out_hbm, didx, degbuf, cbuf, sumbuf, dshared):
    cid = lax.axis_index("c")
    sid = lax.axis_index("s")
    wid = sid * _NC + cid
    zeros16 = jnp.zeros((16,), jnp.float32)
    ones16 = jnp.ones((16,), jnp.float32)

    def zb(i, c):
        degbuf[pl.ds(i * 16, 16)] = zeros16
        return c
    lax.fori_loop(0, _NPAD // 16, zb, 0)

    pltpu.sync_copy(dst_hbm.at[pl.ds(pl.multiple_of(wid * _EPW, 8), _EPW)], didx)

    def eb(i, c):
        idx = didx[pl.ds(i * 16, 16)]
        plsc.addupdate_scatter(degbuf, [idx], ones16)
        return c
    lax.fori_loop(0, _EPW // 16, eb, 0)

    pltpu.sync_copy(degbuf, dshared.at[pl.ds(pl.multiple_of(sid * _NPAD, 128), _NPAD)])
    plsc.subcore_barrier()
    for t in range(_NS):
        pltpu.sync_copy(
            dshared.at[pl.ds(pl.multiple_of(t * _NPAD + sid * _SL, 128), _SL)],
            cbuf.at[pl.ds(t * _SL, _SL)])

    def sb(j, c):
        acc = cbuf[pl.ds(j * 16, 16)]
        for t in range(1, _NS):
            acc = acc + cbuf[pl.ds(t * _SL + j * 16, 16)]
        sumbuf[pl.ds(j * 16, 16)] = acc
        return c
    lax.fori_loop(0, _SL // 16, sb, 0)

    pltpu.sync_copy(
        sumbuf,
        out_hbm.at[pl.ds(pl.multiple_of(cid * _NPAD + sid * _SL, 128), _SL)])


_deg_call = pl.kernel(
    _deg_body,
    out_type=jax.ShapeDtypeStruct((_NC * _NPAD,), jnp.float32),
    mesh=_mesh,
    scratch_types=[
        pltpu.VMEM((_EPW,), jnp.int32),
        pltpu.VMEM((_NPAD,), jnp.float32),
        pltpu.VMEM((_NS * _SL,), jnp.float32),
        pltpu.VMEM((_SL,), jnp.float32),
        pltpu.VMEM_SHARED((_NS * _NPAD,), jnp.float32),
    ],
    compiler_params=_sc_params,
)


def _scat_body(yn_hbm, src_hbm, dst_hbm, out_hbm, sidx, didxa, didxb, didxc,
               rowsa, rowsb, rowsc, acc, gsema, gsemb, gsemc,
               isema, isemb, isemc):
    cid = lax.axis_index("c")
    sid = lax.axis_index("s")
    wid = sid * _NC + cid
    r0 = pl.multiple_of(sid * _RB, 8)
    pltpu.sync_copy(yn_hbm.at[pl.ds(r0, _RB)], acc.at[pl.ds(r0, _RB)])

    @pl.when(sid == _NS - 1)
    def _():
        pltpu.sync_copy(yn_hbm.at[pl.ds(_RB * _NS, _RTAIL)],
                        acc.at[pl.ds(_RB * _NS, _RTAIL)])

    pltpu.sync_copy(src_hbm.at[wid], sidx)
    plsc.subcore_barrier()
    base = wid * _EPW

    def fire(g, rows, gsem, didx, isem):
        gd = pltpu.async_copy(yn_hbm.at[sidx.at[g]], rows, gsem)
        off = pl.multiple_of(base + g * _C, 8)
        idd = pltpu.async_copy(dst_hbm.at[pl.ds(off, _C)], didx, isem)
        return gd, idd

    def drain(rows, gsem, didx, isem):
        pltpu.make_async_copy(yn_hbm.at[pl.ds(0, _C)], rows, gsem).wait()
        pltpu.make_async_copy(dst_hbm.at[pl.ds(0, _C)], didx, isem).wait()

    def scat(rows, didx):
        pltpu.sync_copy(rows, acc.at[didx], add=True)

    fire(0, rowsa, gsema, didxa, isema)
    fire(1, rowsb, gsemb, didxb, isemb)
    fire(2, rowsc, gsemc, didxc, isemc)

    def body(t, c):
        g = t * 3
        drain(rowsa, gsema, didxa, isema)
        scat(rowsa, didxa)
        fire(g + 3, rowsa, gsema, didxa, isema)
        drain(rowsb, gsemb, didxb, isemb)
        scat(rowsb, didxb)
        fire(g + 4, rowsb, gsemb, didxb, isemb)
        drain(rowsc, gsemc, didxc, isemc)
        scat(rowsc, didxc)

        @pl.when(t < _NB - 1)
        def _():
            fire(g + 5, rowsc, gsemc, didxc, isemc)
        return c
    lax.fori_loop(0, _NB, body, 0)

    drain(rowsa, gsema, didxa, isema)
    scat(rowsa, didxa)
    drain(rowsb, gsemb, didxb, isemb)
    scat(rowsb, didxb)

    plsc.subcore_barrier()
    pltpu.sync_copy(acc.at[pl.ds(r0, _RB)], out_hbm.at[cid, pl.ds(r0, _RB)])

    @pl.when(sid == _NS - 1)
    def _():
        pltpu.sync_copy(acc.at[pl.ds(_RB * _NS, _RTAIL)],
                        out_hbm.at[cid, pl.ds(_RB * _NS, _RTAIL)])


_scat_call = pl.kernel(
    _scat_body,
    out_type=jax.ShapeDtypeStruct((_NC, _N, _D), jnp.float32),
    mesh=_mesh,
    scratch_types=(
        [pltpu.VMEM((_NCH, _C), jnp.int32)]
        + [pltpu.VMEM((_C,), jnp.int32)] * 3
        + [pltpu.VMEM((_C, _D), jnp.float32)] * 3
        + [pltpu.VMEM_SHARED((_N, _D), jnp.float32)]
        + [pltpu.SemaphoreType.DMA] * 6
    ),
    compiler_params=_sc_params,
)



def _prep_body(deg_ref, x_ref, dis_ref, xn_ref):
    deg = deg_ref[0] + deg_ref[1] + 1.0
    dis = lax.rsqrt(deg)
    dis_ref[...] = dis
    xn_ref[...] = x_ref[...] * dis


_prep_call = pl.pallas_call(
    _prep_body,
    grid=(_N // _R,),
    in_specs=[
        pl.BlockSpec((_NC, _R, 1), lambda i: (0, i, 0)),
        pl.BlockSpec((_R, _D), lambda i: (i, 0)),
    ],
    out_specs=[
        pl.BlockSpec((_R, 1), lambda i: (i, 0)),
        pl.BlockSpec((_R, _D), lambda i: (i, 0)),
    ],
    out_shape=[
        jax.ShapeDtypeStruct((_N, 1), jnp.float32),
        jax.ShapeDtypeStruct((_N, _D), jnp.float32),
    ],
)


def _ct(lhs, rhs):
    return lax.dot_general(lhs, rhs, (((1,), (1,)), ((), ())),
                           preferred_element_type=jnp.float32)


def _gated_experts(dis_ref, yn_ref, s_ref, tf_ref, G_ref, W_ref, b_ref):
    dis = dis_ref[...]
    agg = dis * (s_ref[0] + s_ref[1] - yn_ref[...])
    logits = _ct(tf_ref[...], G_ref[...]) * (1.0 / _TEMP)
    m = jnp.max(logits, axis=-1, keepdims=True)
    e = jnp.exp(logits - m)
    gate = e / jnp.sum(e, axis=-1, keepdims=True)
    h = jnp.zeros_like(agg)
    for i in range(3):
        eo = jnp.maximum(_ct(agg, W_ref[i]) + b_ref[i], 0.0)
        h = h + gate[:, i:i + 1] * eo
    return h, dis


def _layer1_body(dis_ref, yn_ref, s_ref, tf_ref, G_ref, W_ref, b_ref, out_ref):
    h, dis = _gated_experts(dis_ref, yn_ref, s_ref, tf_ref, G_ref, W_ref, b_ref)
    out_ref[...] = h * dis


def _layer2_body(dis_ref, yn_ref, s_ref, tf_ref, G_ref, W_ref, b_ref,
                 fcW_ref, fcb_ref, out_ref):
    h, _ = _gated_experts(dis_ref, yn_ref, s_ref, tf_ref, G_ref, W_ref, b_ref)
    out_ref[...] = _ct(h, fcW_ref[...]) + fcb_ref[...]


_layer_in_specs = [
    pl.BlockSpec((_R, 1), lambda i: (i, 0)),
    pl.BlockSpec((_R, _D), lambda i: (i, 0)),
    pl.BlockSpec((_NC, _R, _D), lambda i: (0, i, 0)),
    pl.BlockSpec((_R, 4), lambda i: (i, 0)),
    pl.BlockSpec((3, 4), lambda i: (0, 0)),
    pl.BlockSpec((3, _D, _D), lambda i: (0, 0, 0)),
    pl.BlockSpec((3, _D), lambda i: (0, 0)),
]

_layer1_call = pl.pallas_call(
    _layer1_body,
    grid=(_N // _R,),
    in_specs=_layer_in_specs,
    out_specs=pl.BlockSpec((_R, _D), lambda i: (i, 0)),
    out_shape=jax.ShapeDtypeStruct((_N, _D), jnp.float32),
)

_layer2_call = pl.pallas_call(
    _layer2_body,
    grid=(_N // _R,),
    in_specs=_layer_in_specs + [
        pl.BlockSpec((_D, _D), lambda i: (0, 0)),
        pl.BlockSpec((1, _D), lambda i: (0, 0)),
    ],
    out_specs=pl.BlockSpec((_R, _D), lambda i: (i, 0)),
    out_shape=jax.ShapeDtypeStruct((_N, _D), jnp.float32),
)


def kernel(x, edge_index, top_features, W1, b1, W2, b2, G1, G2, fcW, fcb):
    src = edge_index[0]
    dst = edge_index[1]
    src3 = src.reshape(_NW, _NCH, _C)

    deg2 = _deg_call(dst).reshape(_NC, _NPAD)[:, :_N].reshape(_NC, _N, 1)
    dis, xn = _prep_call(deg2, x)

    s1 = _scat_call(xn, src3, dst)
    hn = _layer1_call(dis, xn, s1, top_features, G1, W1, b1)

    s2 = _scat_call(hn, src3, dst)
    return _layer2_call(dis, hn, s2, top_features, G2, W2, b2,
                        fcW, fcb.reshape(1, _D))

# --- scband reference (transcript-rebuilt; emitter-appended) ---
"""Pipeline reference for scband-camo-e-gnn-7086696038966 (READ-ONLY COPY).

The authoritative reference and input builder live on the scoring server;
editing this copy changes nothing except your own understanding.
"""

import jax, jax.numpy as jnp
import numpy as np

N = 10000
E = 320000
D = 128
TOP = 4
EXPERTS = 3
TEMP = 101.0  # batch counter = 0 on first call: 100 - 0/(200*0.01) + 1.0


def setup_inputs(seed: int = 0) -> dict:
    key = jax.random.key(seed)
    ks = jax.random.split(key, 12)
    scale = 0.05
    x = jax.random.normal(ks[0], (N, D), dtype=jnp.float32)
    edge_index = jax.random.randint(ks[1], (2, E), 0, N, dtype=jnp.int32)
    top_features = jax.random.normal(ks[2], (N, TOP), dtype=jnp.float32)
    W1 = jax.random.normal(ks[3], (EXPERTS, D, D), dtype=jnp.float32) * scale
    b1 = jnp.zeros((EXPERTS, D), dtype=jnp.float32)
    W2 = jax.random.normal(ks[4], (EXPERTS, D, D), dtype=jnp.float32) * scale
    b2 = jnp.zeros((EXPERTS, D), dtype=jnp.float32)
    G1 = jax.random.normal(ks[5], (EXPERTS, TOP), dtype=jnp.float32) * scale
    G2 = jax.random.normal(ks[6], (EXPERTS, TOP), dtype=jnp.float32) * scale
    fcW = jax.random.normal(ks[7], (D, D), dtype=jnp.float32) * scale
    fcb = jnp.zeros((D,), dtype=jnp.float32)
    return {"x": x, "edge_index": edge_index, "top_features": top_features,
            "W1": W1, "b1": b1, "W2": W2, "b2": b2, "G1": G1, "G2": G2,
            "fcW": fcW, "fcb": fcb}


def gcn_conv(x, edge_index, W, b):
    # Faithful GCNConv: add self-loops, symmetric normalization, linear transform,
    # message = norm * h[src], scatter-add to dst, add bias.
    n = x.shape[0]
    loop = jnp.arange(n, dtype=edge_index.dtype)
    src = jnp.concatenate([edge_index[0], loop])
    dst = jnp.concatenate([edge_index[1], loop])
    deg = jnp.zeros((n,), dtype=x.dtype).at[dst].add(1.0)
    dis = jnp.where(deg > 0, deg ** -0.5, 0.0)
    norm = dis[src] * dis[dst]
    h = x @ W.T
    msg = h[src] * norm[:, None]
    out = jnp.zeros_like(h).at[dst].add(msg)
    return out + b


def camoe_layer(x, edge_index, gate_features, Ws, bs, G, temp):
    gate = jax.nn.softmax((gate_features @ G.T) / temp, axis=-1)
    out = jnp.zeros((x.shape[0], Ws.shape[1]), dtype=x.dtype)
    for i in range(Ws.shape[0]):
        eo = jax.nn.relu(gcn_conv(x, edge_index, Ws[i], bs[i]))
        out = out + gate[:, i][:, None] * eo
    return out


def reference(x, edge_index, top_features, W1, b1, W2, b2, G1, G2, fcW, fcb):
    # eval mode: dropout is identity; node_classification=True so no pooling.
    h = camoe_layer(x, edge_index, top_features, W1, b1, G1, TEMP)
    h = camoe_layer(h, edge_index, top_features, W2, b2, G2, TEMP)
    return h @ fcW.T + fcb

if __name__ == "__main__":
    import jax
    _d = setup_inputs()
    print(jax.jit(kernel)(*tuple(_d.values())))

</pallas_src>

<mosaic_0001>
#map = affine_map<(d0, d1) -> (0)>
module attributes {stable_mosaic.version = 14 : i64} {
  func.func @_deg_body(%arg0: i32, %arg1: i32, %arg2: memref<320000xi32, #tpu.memory_space<hbm>>, %arg3: memref<20480xf32, #tpu.memory_space<hbm>>, %arg4: memref<10000xi32, #tpu.memory_space<vmem>>, %arg5: memref<10240xf32, #tpu.memory_space<vmem>>, %arg6: memref<10240xf32, #tpu.memory_space<vmem>>, %arg7: memref<640xf32, #tpu.memory_space<vmem>>, %arg8: memref<163840xf32, #tpu.memory_space<vmem_shared>>) attributes {dimension_semantics = [#tpu.dimension_semantics<core_parallel>, #tpu.dimension_semantics<subcore_parallel>], iteration_bounds = array<i64: 2, 16>, scalar_prefetch = 0 : i64, scratch_operands = 5 : i64, tpu.core_type = #tpu.core_type<sc_vector_subcore>, window_params = [{transform_indices = #map}, {transform_indices = #map}]} {
    %mul3A = arith.constant 2 : i32
    %mul3A_0 = arith.muli %arg1, %mul3A : i32
    %add3A = arith.addi %mul3A_0, %arg0 : i32
    %broadcast_in_dim3A = arith.constant 0.000000e+00 : f32
    %broadcast_in_dim3A_1 = vector.broadcast %broadcast_in_dim3A : f32 to vector<16xf32>
    %broadcast_in_dim3A_2 = arith.constant 1.000000e+00 : f32
    %broadcast_in_dim3A_3 = vector.broadcast %broadcast_in_dim3A_2 : f32 to vector<16xf32>
    %scan3A = arith.constant 0 : i32
    %scan3A_4 = arith.constant 0 : i32
    %scan3A_5 = arith.constant 640 : i32
    %scan3A_6 = arith.addi %scan3A_4, %scan3A_5 : i32
    %scan3A_7 = arith.constant 1 : i32
    scf.for %scan3A_112 = %scan3A_4 to %scan3A_6 step %scan3A_7  : i32 {
      %mul3A_113 = arith.constant 16 : i32
      %mul3A_114 = arith.muli %scan3A_112, %mul3A_113 : i32
      %swap3A = arith.index_cast %mul3A_114 : i32 to index
      %swap3A_115 = tpu.vector_load %arg5[%swap3A] {strides = array<i32>} : memref<10240xf32, #tpu.memory_space<vmem>>, vector<16xf32>,
      tpu.vector_store %arg5[%swap3A], %broadcast_in_dim3A_1 {strides = array<i32>} : memref<10240xf32, #tpu.memory_space<vmem>>, vector<16xf32>,
    }
    %scan3A_8 = arith.constant 640 : i32
    %mul3A_9 = arith.constant 10000 : i32
    %mul3A_10 = arith.muli %add3A, %mul3A_9 : i32
    %multiple_of3A = tpu.assume_multiple %mul3A_10, 8 : i32
    "tpu.region"() ({
      %run_scoped3A = tpu.sem_alloc : memref<!tpu.dma_semaphore, #tpu.memory_space<semaphore_mem>>
      %dma_start3A = tpu.memref_slice %arg2[%multiple_of3A] : memref<320000xi32, #tpu.memory_space<hbm>> -> memref<10000xi32, #tpu.memory_space<hbm>>
      %dma_start3A_112 = tpu.memref_slice %arg2[%multiple_of3A] : memref<320000xi32, #tpu.memory_space<hbm>> -> memref<10000xi32, #tpu.memory_space<hbm>>
      tpu.enqueue_dma source(%dma_start3A_112 : memref<10000xi32, #tpu.memory_space<hbm>>) target(%arg4 : memref<10000xi32, #tpu.memory_space<vmem>>) target_semaphore(%run_scoped3A : memref<!tpu.dma_semaphore, #tpu.memory_space<semaphore_mem>>)
      %dma_wait3A = tpu.memref_slice %arg2[%multiple_of3A] : memref<320000xi32, #tpu.memory_space<hbm>> -> memref<10000xi32, #tpu.memory_space<hbm>>
      %dma_wait3A_113 = tpu.memref_slice %arg2[%multiple_of3A] : memref<320000xi32, #tpu.memory_space<hbm>> -> memref<10000xi32, #tpu.memory_space<hbm>>
      tpu.wait_dma2 semaphore(%run_scoped3A : memref<!tpu.dma_semaphore, #tpu.memory_space<semaphore_mem>>) src(%dma_wait3A_113 : memref<10000xi32, #tpu.memory_space<hbm>>) dst(%arg4 : memref<10000xi32, #tpu.memory_space<vmem>>)
      tpu.yield
    }) : () -> ()
    %scan3A_11 = arith.constant 0 : i32
    %scan3A_12 = arith.constant 0 : i32
    %scan3A_13 = arith.constant 625 : i32
    %scan3A_14 = arith.addi %scan3A_12, %scan3A_13 : i32
    %scan3A_15 = arith.constant 1 : i32
    scf.for %scan3A_112 = %scan3A_12 to %scan3A_14 step %scan3A_15  : i32 {
      %mul3A_113 = arith.constant 16 : i32
      %mul3A_114 = arith.muli %scan3A_112, %mul3A_113 : i32
      %get3A = arith.index_cast %mul3A_114 : i32 to index
      %get3A_115 = tpu.vector_load %arg4[%get3A] {strides = array<i32>} : memref<10000xi32, #tpu.memory_space<vmem>>, vector<16xi32>,
      tpu.vector_store_idx %arg5[%get3A_115], %broadcast_in_dim3A_3 {add = true} : memref<10240xf32, #tpu.memory_space<vmem>>[vector<16xi32>], vector<16xf32>,
    }
    %scan3A_16 = arith.constant 625 : i32
    %mul3A_17 = arith.constant 10240 : i32
    %mul3A_18 = arith.muli %arg1, %mul3A_17 : i32
    %multiple_of3A_19 = tpu.assume_multiple %mul3A_18, 128 : i32
    "tpu.region"() ({
      %run_scoped3A = tpu.sem_alloc : memref<!tpu.dma_semaphore, #tpu.memory_space<semaphore_mem>>
      %dma_start3A = tpu.memref_slice %arg8[%multiple_of3A_19] : memref<163840xf32, #tpu.memory_space<vmem_shared>> -> memref<10240xf32, #tpu.memory_space<vmem_shared>>
      %dma_start3A_112 = tpu.memref_slice %arg8[%multiple_of3A_19] : memref<163840xf32, #tpu.memory_space<vmem_shared>> -> memref<10240xf32, #tpu.memory_space<vmem_shared>>
      tpu.enqueue_dma source(%arg5 : memref<10240xf32, #tpu.memory_space<vmem>>) target(%dma_start3A_112 : memref<10240xf32, #tpu.memory_space<vmem_shared>>) target_semaphore(%run_scoped3A : memref<!tpu.dma_semaphore, #tpu.memory_space<semaphore_mem>>)
      %dma_wait3A = tpu.memref_slice %arg8[%multiple_of3A_19] : memref<163840xf32, #tpu.memory_space<vmem_shared>> -> memref<10240xf32, #tpu.memory_space<vmem_shared>>
      %dma_wait3A_113 = tpu.memref_slice %arg8[%multiple_of3A_19] : memref<163840xf32, #tpu.memory_space<vmem_shared>> -> memref<10240xf32, #tpu.memory_space<vmem_shared>>
      tpu.wait_dma2 semaphore(%run_scoped3A : memref<!tpu.dma_semaphore, #tpu.memory_space<semaphore_mem>>) src(%arg5 : memref<10240xf32, #tpu.memory_space<vmem>>) dst(%dma_wait3A_113 : memref<10240xf32, #tpu.memory_space<vmem_shared>>)
      tpu.yield
    }) : () -> ()
    %barrier3A = arith.constant 0 : index
    tpu.barrier barrier_id(%barrier3A)
    %mul3A_20 = arith.constant 640 : i32
    %mul3A_21 = arith.muli %arg1, %mul3A_20 : i32
    %add3A_22 = arith.constant 0 : i32
    %add3A_23 = arith.addi %add3A_22, %mul3A_21 : i32
    %multiple_of3A_24 = tpu.assume_multiple %add3A_23, 128 : i32
    "tpu.region"() ({
      %run_scoped3A = tpu.sem_alloc : memref<!tpu.dma_semaphore, #tpu.memory_space<semaphore_mem>>
      %dma_start3A = arith.constant 0 : i32
      %dma_start3A_112 = tpu.memref_slice %arg6[%dma_start3A] : memref<10240xf32, #tpu.memory_space<vmem>> -> memref<640xf32, #tpu.memory_space<vmem>>
      %dma_start3A_113 = tpu.memref_slice %arg8[%multiple_of3A_24] : memref<163840xf32, #tpu.memory_space<vmem_shared>> -> memref<640xf32, #tpu.memory_space<vmem_shared>>
      %dma_start3A_114 = arith.constant 0 : i32
      %dma_start3A_115 = tpu.memref_slice %arg6[%dma_start3A_114] : memref<10240xf32, #tpu.memory_space<vmem>> -> memref<640xf32, #tpu.memory_space<vmem>>
      %dma_start3A_116 = tpu.memref_slice %arg8[%multiple_of3A_24] : memref<163840xf32, #tpu.memory_space<vmem_shared>> -> memref<640xf32, #tpu.memory_space<vmem_shared>>
      tpu.enqueue_dma source(%dma_start3A_116 : memref<640xf32, #tpu.memory_space<vmem_shared>>) target(%dma_start3A_115 : memref<640xf32, #tpu.memory_space<vmem>>) target_semaphore(%run_scoped3A : memref<!tpu.dma_semaphore, #tpu.memory_space<semaphore_mem>>)
      %dma_wait3A = arith.constant 0 : i32
      %dma_wait3A_117 = tpu.memref_slice %arg6[%dma_wait3A] : memref<10240xf32, #tpu.memory_space<vmem>> -> memref<640xf32, #tpu.memory_space<vmem>>
      %dma_wait3A_118 = tpu.memref_slice %arg8[%multiple_of3A_24] : memref<163840xf32, #tpu.memory_space<vmem_shared>> -> memref<640xf32, #tpu.memory_space<vmem_shared>>
      %dma_wait3A_119 = arith.constant 0 : i32
      %dma_wait3A_120 = tpu.memref_slice %arg6[%dma_wait3A_119] : memref<10240xf32, #tpu.memory_space<vmem>> -> memref<640xf32, #tpu.memory_space<vmem>>
      %dma_wait3A_121 = tpu.memref_slice %arg8[%multiple_of3A_24] : memref<163840xf32, #tpu.memory_space<vmem_shared>> -> memref<640xf32, #tpu.memory_space<vmem_shared>>
      tpu.wait_dma2 semaphore(%run_scoped3A : memref<!tpu.dma_semaphore, #tpu.memory_space<semaphore_mem>>) src(%dma_wait3A_121 : memref<640xf32, #tpu.memory_space<vmem_shared>>) dst(%dma_wait3A_120 : memref<640xf32, #tpu.memory_space<vmem>>)
      tpu.yield
    }) : () -> ()
    %mul3A_25 = arith.constant 640 : i32
    %mul3A_26 = arith.muli %arg1, %mul3A_25 : i32
    %add3A_27 = arith.constant 10240 : i32
    %add3A_28 = arith.addi %add3A_27, %mul3A_26 : i32
    %multiple_of3A_29 = tpu.assume_multiple %add3A_28, 128 : i32
    "tpu.region"() ({
      %run_scoped3A = tpu.sem_alloc : memref<!tpu.dma_semaphore, #tpu.memory_space<semaphore_mem>>
      %dma_start3A = arith.constant 640 : i32
      %dma_start3A_112 = tpu.memref_slice %arg6[%dma_start3A] : memref<10240xf32, #tpu.memory_space<vmem>> -> memref<640xf32, #tpu.memory_space<vmem>>
      %dma_start3A_113 = tpu.memref_slice %arg8[%multiple_of3A_29] : memref<163840xf32, #tpu.memory_space<vmem_shared>> -> memref<640xf32, #tpu.memory_space<vmem_shared>>
      %dma_start3A_114 = arith.constant 640 : i32
      %dma_start3A_115 = tpu.memref_slice %arg6[%dma_start3A_114] : memref<10240xf32, #tpu.memory_space<vmem>> -> memref<640xf32, #tpu.memory_space<vmem>>
      %dma_start3A_116 = tpu.memref_slice %arg8[%multiple_of3A_29] : memref<163840xf32, #tpu.memory_space<vmem_shared>> -> memref<640xf32, #tpu.memory_space<vmem_shared>>
      tpu.enqueue_dma source(%dma_start3A_116 : memref<640xf32, #tpu.memory_space<vmem_shared>>) target(%dma_start3A_115 : memref<640xf32, #tpu.memory_space<vmem>>) target_semaphore(%run_scoped3A : memref<!tpu.dma_semaphore, #tpu.memory_space<semaphore_mem>>)
      %dma_wait3A = arith.constant 640 : i32
      %dma_wait3A_117 = tpu.memref_slice %arg6[%dma_wait3A] : memref<10240xf32, #tpu.memory_space<vmem>> -> memref<640xf32, #tpu.memory_space<vmem>>
      %dma_wait3A_118 = tpu.memref_slice %arg8[%multiple_of3A_29] : memref<163840xf32, #tpu.memory_space<vmem_shared>> -> memref<640xf32, #tpu.memory_space<vmem_shared>>
      %dma_wait3A_119 = arith.constant 640 : i32
      %dma_wait3A_120 = tpu.memref_slice %arg6[%dma_wait3A_119] : memref<10240xf32, #tpu.memory_space<vmem>> -> memref<640xf32, #tpu.memory_space<vmem>>
      %dma_wait3A_121 = tpu.memref_slice %arg8[%multiple_of3A_29] : memref<163840xf32, #tpu.memory_space<vmem_shared>> -> memref<640xf32, #tpu.memory_space<vmem_shared>>
      tpu.wait_dma2 semaphore(%run_scoped3A : memref<!tpu.dma_semaphore, #tpu.memory_space<semaphore_mem>>) src(%dma_wait3A_121 : memref<640xf32, #tpu.memory_space<vmem_shared>>) dst(%dma_wait3A_120 : memref<640xf32, #tpu.memory_space<vmem>>)
      tpu.yield
    }) : () -> ()
    %mul3A_30 = arith.constant 640 : i32
    %mul3A_31 = arith.muli %arg1, %mul3A_30 : i32
    %add3A_32 = arith.constant 20480 : i32
    %add3A_33 = arith.addi %add3A_32, %mul3A_31 : i32
    %multiple_of3A_34 = tpu.assume_multiple %add3A_33, 128 : i32
    "tpu.region"() ({
      %run_scoped3A = tpu.sem_alloc : memref<!tpu.dma_semaphore, #tpu.memory_space<semaphore_mem>>
      %dma_start3A = arith.constant 1280 : i32
      %dma_start3A_112 = tpu.memref_slice %arg6[%dma_start3A] : memref<10240xf32, #tpu.memory_space<vmem>> -> memref<640xf32, #tpu.memory_space<vmem>>
      %dma_start3A_113 = tpu.memref_slice %arg8[%multiple_of3A_34] : memref<163840xf32, #tpu.memory_space<vmem_shared>> -> memref<640xf32, #tpu.memory_space<vmem_shared>>
      %dma_start3A_114 = arith.constant 1280 : i32
      %dma_start3A_115 = tpu.memref_slice %arg6[%dma_start3A_114] : memref<10240xf32, #tpu.memory_space<vmem>> -> memref<640xf32, #tpu.memory_space<vmem>>
      %dma_start3A_116 = tpu.memref_slice %arg8[%multiple_of3A_34] : memref<163840xf32, #tpu.memory_space<vmem_shared>> -> memref<640xf32, #tpu.memory_space<vmem_shared>>
      tpu.enqueue_dma source(%dma_start3A_116 : memref<640xf32, #tpu.memory_space<vmem_shared>>) target(%dma_start3A_115 : memref<640xf32, #tpu.memory_space<vmem>>) target_semaphore(%run_scoped3A : memref<!tpu.dma_semaphore, #tpu.memory_space<semaphore_mem>>)
      %dma_wait3A = arith.constant 1280 : i32
      %dma_wait3A_117 = tpu.memref_slice %arg6[%dma_wait3A] : memref<10240xf32, #tpu.memory_space<vmem>> -> memref<640xf32, #tpu.memory_space<vmem>>
      %dma_wait3A_118 = tpu.memref_slice %arg8[%multiple_of3A_34] : memref<163840xf32, #tpu.memory_space<vmem_shared>> -> memref<640xf32, #tpu.memory_space<vmem_shared>>
      %dma_wait3A_119 = arith.constant 1280 : i32
      %dma_wait3A_120 = tpu.memref_slice %arg6[%dma_wait3A_119] : memref<10240xf32, #tpu.memory_space<vmem>> -> memref<640xf32, #tpu.memory_space<vmem>>
      %dma_wait3A_121 = tpu.memref_slice %arg8[%multiple_of3A_34] : memref<163840xf32, #tpu.memory_space<vmem_shared>> -> memref<640xf32, #tpu.memory_space<vmem_shared>>
      tpu.wait_dma2 semaphore(%run_scoped3A : memref<!tpu.dma_semaphore, #tpu.memory_space<semaphore_mem>>) src(%dma_wait3A_121 : memref<640xf32, #tpu.memory_space<vmem_shared>>) dst(%dma_wait3A_120 : memref<640xf32, #tpu.memory_space<vmem>>)
      tpu.yield
    }) : () -> ()
    %mul3A_35 = arith.constant 640 : i32
    %mul3A_36 = arith.muli %arg1, %mul3A_35 : i32
    %add3A_37 = arith.constant 30720 : i32
    %add3A_38 = arith.addi %add3A_37, %mul3A_36 : i32
    %multiple_of3A_39 = tpu.assume_multiple %add3A_38, 128 : i32
    "tpu.region"() ({
      %run_scoped3A = tpu.sem_alloc : memref<!tpu.dma_semaphore, #tpu.memory_space<semaphore_mem>>
      %dma_start3A = arith.constant 1920 : i32
      %dma_start3A_112 = tpu.memref_slice %arg6[%dma_start3A] : memref<10240xf32, #tpu.memory_space<vmem>> -> memref<640xf32, #tpu.memory_space<vmem>>
      %dma_start3A_113 = tpu.memref_slice %arg8[%multiple_of3A_39] : memref<163840xf32, #tpu.memory_space<vmem_shared>> -> memref<640xf32, #tpu.memory_space<vmem_shared>>
      %dma_start3A_114 = arith.constant 1920 : i32
      %dma_start3A_115 = tpu.memref_slice %arg6[%dma_start3A_114] : memref<10240xf32, #tpu.memory_space<vmem>> -> memref<640xf32, #tpu.memory_space<vmem>>
      %dma_start3A_116 = tpu.memref_slice %arg8[%multiple_of3A_39] : memref<163840xf32, #tpu.memory_space<vmem_shared>> -> memref<640xf32, #tpu.memory_space<vmem_shared>>
      tpu.enqueue_dma source(%dma_start3A_116 : memref<640xf32, #tpu.memory_space<vmem_shared>>) target(%dma_start3A_115 : memref<640xf32, #tpu.memory_space<vmem>>) target_semaphore(%run_scoped3A : memref<!tpu.dma_semaphore, #tpu.memory_space<semaphore_mem>>)
      %dma_wait3A = arith.constant 1920 : i32
      %dma_wait3A_117 = tpu.memref_slice %arg6[%dma_wait3A] : memref<10240xf32, #tpu.memory_space<vmem>> -> memref<640xf32, #tpu.memory_space<vmem>>
      %dma_wait3A_118 = tpu.memref_slice %arg8[%multiple_of3A_39] : memref<163840xf32, #tpu.memory_space<vmem_shared>> -> memref<640xf32, #tpu.memory_space<vmem_shared>>
      %dma_wait3A_119 = arith.constant 1920 : i32
      %dma_wait3A_120 = tpu.memref_slice %arg6[%dma_wait3A_119] : memref<10240xf32, #tpu.memory_space<vmem>> -> memref<640xf32, #tpu.memory_space<vmem>>
      %dma_wait3A_121 = tpu.memref_slice %arg8[%multiple_of3A_39] : memref<163840xf32, #tpu.memory_space<vmem_shared>> -> memref<640xf32, #tpu.memory_space<vmem_shared>>
      tpu.wait_dma2 semaphore(%run_scoped3A : memref<!tpu.dma_semaphore, #tpu.memory_space<semaphore_mem>>) src(%dma_wait3A_121 : memref<640xf32, #tpu.memory_space<vmem_shared>>) dst(%dma_wait3A_120 : memref<640xf32, #tpu.memory_space<vmem>>)
      tpu.yield
    }) : () -> ()
    %mul3A_40 = arith.constant 640 : i32
    %mul3A_41 = arith.muli %arg1, %mul3A_40 : i32
    %add3A_42 = arith.constant 40960 : i32
    %add3A_43 = arith.addi %add3A_42, %mul3A_41 : i32
    %multiple_of3A_44 = tpu.assume_multiple %add3A_43, 128 : i32
    "tpu.region"() ({
      %run_scoped3A = tpu.sem_alloc : memref<!tpu.dma_semaphore, #tpu.memory_space<semaphore_mem>>
      %dma_start3A = arith.constant 2560 : i32
      %dma_start3A_112 = tpu.memref_slice %arg6[%dma_start3A] : memref<10240xf32, #tpu.memory_space<vmem>> -> memref<640xf32, #tpu.memory_space<vmem>>
      %dma_start3A_113 = tpu.memref_slice %arg8[%multiple_of3A_44] : memref<163840xf32, #tpu.memory_space<vmem_shared>> -> memref<640xf32, #tpu.memory_space<vmem_shared>>
      %dma_start3A_114 = arith.constant 2560 : i32
      %dma_start3A_115 = tpu.memref_slice %arg6[%dma_start3A_114] : memref<10240xf32, #tpu.memory_space<vmem>> -> memref<640xf32, #tpu.memory_space<vmem>>
      %dma_start3A_116 = tpu.memref_slice %arg8[%multiple_of3A_44] : memref<163840xf32, #tpu.memory_space<vmem_shared>> -> memref<640xf32, #tpu.memory_space<vmem_shared>>
      tpu.enqueue_dma source(%dma_start3A_116 : memref<640xf32, #tpu.memory_space<vmem_shared>>) target(%dma_start3A_115 : memref<640xf32, #tpu.memory_space<vmem>>) target_semaphore(%run_scoped3A : memref<!tpu.dma_semaphore, #tpu.memory_space<semaphore_mem>>)
      %dma_wait3A = arith.constant 2560 : i32
      %dma_wait3A_117 = tpu.memref_slice %arg6[%dma_wait3A] : memref<10240xf32, #tpu.memory_space<vmem>> -> memref<640xf32, #tpu.memory_space<vmem>>
      %dma_wait3A_118 = tpu.memref_slice %arg8[%multiple_of3A_44] : memref<163840xf32, #tpu.memory_space<vmem_shared>> -> memref<640xf32, #tpu.memory_space<vmem_shared>>
      %dma_wait3A_119 = arith.constant 2560 : i32
      %dma_wait3A_120 = tpu.memref_slice %arg6[%dma_wait3A_119] : memref<10240xf32, #tpu.memory_space<vmem>> -> memref<640xf32, #tpu.memory_space<vmem>>
      %dma_wait3A_121 = tpu.memref_slice %arg8[%multiple_of3A_44] : memref<163840xf32, #tpu.memory_space<vmem_shared>> -> memref<640xf32, #tpu.memory_space<vmem_shared>>
      tpu.wait_dma2 semaphore(%run_scoped3A : memref<!tpu.dma_semaphore, #tpu.memory_space<semaphore_mem>>) src(%dma_wait3A_121 : memref<640xf32, #tpu.memory_space<vmem_shared>>) dst(%dma_wait3A_120 : memref<640xf32, #tpu.memory_space<vmem>>)
      tpu.yield
    }) : () -> ()
    %mul3A_45 = arith.constant 640 : i32
    %mul3A_46 = arith.muli %arg1, %mul3A_45 : i32
    %add3A_47 = arith.constant 51200 : i32
    %add3A_48 = arith.addi %add3A_47, %mul3A_46 : i32
    %multiple_of3A_49 = tpu.assume_multiple %add3A_48, 128 : i32
    "tpu.region"() ({
      %run_scoped3A = tpu.sem_alloc : memref<!tpu.dma_semaphore, #tpu.memory_space<semaphore_mem>>
      %dma_start3A = arith.constant 3200 : i32
      %dma_start3A_112 = tpu.memref_slice %arg6[%dma_start3A] : memref<10240xf32, #tpu.memory_space<vmem>> -> memref<640xf32, #tpu.memory_space<vmem>>
      %dma_start3A_113 = tpu.memref_slice %arg8[%multiple_of3A_49] : memref<163840xf32, #tpu.memory_space<vmem_shared>> -> memref<640xf32, #tpu.memory_space<vmem_shared>>
      %dma_start3A_114 = arith.constant 3200 : i32
      %dma_start3A_115 = tpu.memref_slice %arg6[%dma_start3A_114] : memref<10240xf32, #tpu.memory_space<vmem>> -> memref<640xf32, #tpu.memory_space<vmem>>
      %dma_start3A_116 = tpu.memref_slice %arg8[%multiple_of3A_49] : memref<163840xf32, #tpu.memory_space<vmem_shared>> -> memref<640xf32, #tpu.memory_space<vmem_shared>>
      tpu.enqueue_dma source(%dma_start3A_116 : memref<640xf32, #tpu.memory_space<vmem_shared>>) target(%dma_start3A_115 : memref<640xf32, #tpu.memory_space<vmem>>) target_semaphore(%run_scoped3A : memref<!tpu.dma_semaphore, #tpu.memory_space<semaphore_mem>>)
      %dma_wait3A = arith.constant 3200 : i32
      %dma_wait3A_117 = tpu.memref_slice %arg6[%dma_wait3A] : memref<10240xf32, #tpu.memory_space<vmem>> -> memref<640xf32, #tpu.memory_space<vmem>>
      %dma_wait3A_118 = tpu.memref_slice %arg8[%multiple_of3A_49] : memref<163840xf32, #tpu.memory_space<vmem_shared>> -> memref<640xf32, #tpu.memory_space<vmem_shared>>
      %dma_wait3A_119 = arith.constant 3200 : i32
      %dma_wait3A_120 = tpu.memref_slice %arg6[%dma_wait3A_119] : memref<10240xf32, #tpu.memory_space<vmem>> -> memref<640xf32, #tpu.memory_space<vmem>>
      %dma_wait3A_121 = tpu.memref_slice %arg8[%multiple_of3A_49] : memref<163840xf32, #tpu.memory_space<vmem_shared>> -> memref<640xf32, #tpu.memory_space<vmem_shared>>
      tpu.wait_dma2 semaphore(%run_scoped3A : memref<!tpu.dma_semaphore, #tpu.memory_space<semaphore_mem>>) src(%dma_wait3A_121 : memref<640xf32, #tpu.memory_space<vmem_shared>>) dst(%dma_wait3A_120 : memref<640xf32, #tpu.memory_space<vmem>>)
      tpu.yield
    }) : () -> ()
    %mul3A_50 = arith.constant 640 : i32
    %mul3A_51 = arith.muli %arg1, %mul3A_50 : i32
    %add3A_52 = arith.constant 61440 : i32
    %add3A_53 = arith.addi %add3A_52, %mul3A_51 : i32
    %multiple_of3A_54 = tpu.assume_multiple %add3A_53, 128 : i32
    "tpu.region"() ({
      %run_scoped3A = tpu.sem_alloc : memref<!tpu.dma_semaphore, #tpu.memory_space<semaphore_mem>>
      %dma_start3A = arith.constant 3840 : i32
      %dma_start3A_112 = tpu.memref_slice %arg6[%dma_start3A] : memref<10240xf32, #tpu.memory_space<vmem>> -> memref<640xf32, #tpu.memory_space<vmem>>
      %dma_start3A_113 = tpu.memref_slice %arg8[%multiple_of3A_54] : memref<163840xf32, #tpu.memory_space<vmem_shared>> -> memref<640xf32, #tpu.memory_space<vmem_shared>>
      %dma_start3A_114 = arith.constant 3840 : i32
      %dma_start3A_115 = tpu.memref_slice %arg6[%dma_start3A_114] : memref<10240xf32, #tpu.memory_space<vmem>> -> memref<640xf32, #tpu.memory_space<vmem>>
      %dma_start3A_116 = tpu.memref_slice %arg8[%multiple_of3A_54] : memref<163840xf32, #tpu.memory_space<vmem_shared>> -> memref<640xf32, #tpu.memory_space<vmem_shared>>
      tpu.enqueue_dma source(%dma_start3A_116 : memref<640xf32, #tpu.memory_space<vmem_shared>>) target(%dma_start3A_115 : memref<640xf32, #tpu.memory_space<vmem>>) target_semaphore(%run_scoped3A : memref<!tpu.dma_semaphore, #tpu.memory_space<semaphore_mem>>)
      %dma_wait3A = arith.constant 3840 : i32
      %dma_wait3A_117 = tpu.memref_slice %arg6[%dma_wait3A] : memref<10240xf32, #tpu.memory_space<vmem>> -> memref<640xf32, #tpu.memory_space<vmem>>
      %dma_wait3A_118 = tpu.memref_slice %arg8[%multiple_of3A_54] : memref<163840xf32, #tpu.memory_space<vmem_shared>> -> memref<640xf32, #tpu.memory_space<vmem_shared>>
      %dma_wait3A_119 = arith.constant 3840 : i32
      %dma_wait3A_120 = tpu.memref_slice %arg6[%dma_wait3A_119] : memref<10240xf32, #tpu.memory_space<vmem>> -> memref<640xf32, #tpu.memory_space<vmem>>
      %dma_wait3A_121 = tpu.memref_slice %arg8[%multiple_of3A_54] : memref<163840xf32, #tpu.memory_space<vmem_shared>> -> memref<640xf32, #tpu.memory_space<vmem_shared>>
      tpu.wait_dma2 semaphore(%run_scoped3A : memref<!tpu.dma_semaphore, #tpu.memory_space<semaphore_mem>>) src(%dma_wait3A_121 : memref<640xf32, #tpu.memory_space<vmem_shared>>) dst(%dma_wait3A_120 : memref<640xf32, #tpu.memory_space<vmem>>)
      tpu.yield
    }) : () -> ()
    %mul3A_55 = arith.constant 640 : i32
    %mul3A_56 = arith.muli %arg1, %mul3A_55 : i32
    %add3A_57 = arith.constant 71680 : i32
    %add3A_58 = arith.addi %add3A_57, %mul3A_56 : i32
    %multiple_of3A_59 = tpu.assume_multiple %add3A_58, 128 : i32
    "tpu.region"() ({
      %run_scoped3A = tpu.sem_alloc : memref<!tpu.dma_semaphore, #tpu.memory_space<semaphore_mem>>
      %dma_start3A = arith.constant 4480 : i32
      %dma_start3A_112 = tpu.memref_slice %arg6[%dma_start3A] : memref<10240xf32, #tpu.memory_space<vmem>> -> memref<640xf32, #tpu.memory_space<vmem>>
      %dma_start3A_113 = tpu.memref_slice %arg8[%multiple_of3A_59] : memref<163840xf32, #tpu.memory_space<vmem_shared>> -> memref<640xf32, #tpu.memory_space<vmem_shared>>
      %dma_start3A_114 = arith.constant 4480 : i32
      %dma_start3A_115 = tpu.memref_slice %arg6[%dma_start3A_114] : memref<10240xf32, #tpu.memory_space<vmem>> -> memref<640xf32, #tpu.memory_space<vmem>>
      %dma_start3A_116 = tpu.memref_slice %arg8[%multiple_of3A_59] : memref<163840xf32, #tpu.memory_space<vmem_shared>> -> memref<640xf32, #tpu.memory_space<vmem_shared>>
      tpu.enqueue_dma source(%dma_start3A_116 : memref<640xf32, #tpu.memory_space<vmem_shared>>) target(%dma_start3A_115 : memref<640xf32, #tpu.memory_space<vmem>>) target_semaphore(%run_scoped3A : memref<!tpu.dma_semaphore, #tpu.memory_space<semaphore_mem>>)
      %dma_wait3A = arith.constant 4480 : i32
      %dma_wait3A_117 = tpu.memref_slice %arg6[%dma_wait3A] : memref<10240xf32, #tpu.memory_space<vmem>> -> memref<640xf32, #tpu.memory_space<vmem>>
      %dma_wait3A_118 = tpu.memref_slice %arg8[%multiple_of3A_59] : memref<163840xf32, #tpu.memory_space<vmem_shared>> -> memref<640xf32, #tpu.memory_space<vmem_shared>>
      %dma_wait3A_119 = arith.constant 4480 : i32
      %dma_wait3A_120 = tpu.memref_slice %arg6[%dma_wait3A_119] : memref<10240xf32, #tpu.memory_space<vmem>> -> memref<640xf32, #tpu.memory_space<vmem>>
      %dma_wait3A_121 = tpu.memref_slice %arg8[%multiple_of3A_59] : memref<163840xf32, #tpu.memory_space<vmem_shared>> -> memref<640xf32, #tpu.memory_space<vmem_shared>>
      tpu.wait_dma2 semaphore(%run_scoped3A : memref<!tpu.dma_semaphore, #tpu.memory_space<semaphore_mem>>) src(%dma_wait3A_121 : memref<640xf32, #tpu.memory_space<vmem_shared>>) dst(%dma_wait3A_120 : memref<640xf32, #tpu.memory_space<vmem>>)
      tpu.yield
    }) : () -> ()
    %mul3A_60 = arith.constant 640 : i32
    %mul3A_61 = arith.muli %arg1, %mul3A_60 : i32
    %add3A_62 = arith.constant 81920 : i32
    %add3A_63 = arith.addi %add3A_62, %mul3A_61 : i32
    %multiple_of3A_64 = tpu.assume_multiple %add3A_63, 128 : i32
    "tpu.region"() ({
      %run_scoped3A = tpu.sem_alloc : memref<!tpu.dma_semaphore, #tpu.memory_space<semaphore_mem>>
      %dma_start3A = arith.constant 5120 : i32
      %dma_start3A_112 = tpu.memref_slice %arg6[%dma_start3A] : memref<10240xf32, #tpu.memory_space<vmem>> -> memref<640xf32, #tpu.memory_space<vmem>>
      %dma_start3A_113 = tpu.memref_slice %arg8[%multiple_of3A_64] : memref<163840xf32, #tpu.memory_space<vmem_shared>> -> memref<640xf32, #tpu.memory_space<vmem_shared>>
      %dma_start3A_114 = arith.constant 5120 : i32
      %dma_start3A_115 = tpu.memref_slice %arg6[%dma_start3A_114] : memref<10240xf32, #tpu.memory_space<vmem>> -> memref<640xf32, #tpu.memory_space<vmem>>
      %dma_start3A_116 = tpu.memref_slice %arg8[%multiple_of3A_64] : memref<163840xf32, #tpu.memory_space<vmem_shared>> -> memref<640xf32, #tpu.memory_space<vmem_shared>>
      tpu.enqueue_dma source(%dma_start3A_116 : memref<640xf32, #tpu.memory_space<vmem_shared>>) target(%dma_start3A_115 : memref<640xf32, #tpu.memory_space<vmem>>) target_semaphore(%run_scoped3A : memref<!tpu.dma_semaphore, #tpu.memory_space<semaphore_mem>>)
      %dma_wait3A = arith.constant 5120 : i32
      %dma_wait3A_117 = tpu.memref_slice %arg6[%dma_wait3A] : memref<10240xf32, #tpu.memory_space<vmem>> -> memref<640xf32, #tpu.memory_space<vmem>>
      %dma_wait3A_118 = tpu.memref_slice %arg8[%multiple_of3A_64] : memref<163840xf32, #tpu.memory_space<vmem_shared>> -> memref<640xf32, #tpu.memory_space<vmem_shared>>
      %dma_wait3A_119 = arith.constant 5120 : i32
      %dma_wait3A_120 = tpu.memref_slice %arg6[%dma_wait3A_119] : memref<10240xf32, #tpu.memory_space<vmem>> -> memref<640xf32, #tpu.memory_space<vmem>>
      %dma_wait3A_121 = tpu.memref_slice %arg8[%multiple_of3A_64] : memref<163840xf32, #tpu.memory_space<vmem_shared>> -> memref<640xf32, #tpu.memory_space<vmem_shared>>
      tpu.wait_dma2 semaphore(%run_scoped3A : memref<!tpu.dma_semaphore, #tpu.memory_space<semaphore_mem>>) src(%dma_wait3A_121 : memref<640xf32, #tpu.memory_space<vmem_shared>>) dst(%dma_wait3A_120 : memref<640xf32, #tpu.memory_space<vmem>>)
      tpu.yield
    }) : () -> ()
    %mul3A_65 = arith.constant 640 : i32
    %mul3A_66 = arith.muli %arg1, %mul3A_65 : i32
    %add3A_67 = arith.constant 92160 : i32
    %add3A_68 = arith.addi %add3A_67, %mul3A_66 : i32
    %multiple_of3A_69 = tpu.assume_multiple %add3A_68, 128 : i32
    "tpu.region"() ({
      %run_scoped3A = tpu.sem_alloc : memref<!tpu.dma_semaphore, #tpu.memory_space<semaphore_mem>>
      %dma_start3A = arith.constant 5760 : i32
      %dma_start3A_112 = tpu.memref_slice %arg6[%dma_start3A] : memref<10240xf32, #tpu.memory_space<vmem>> -> memref<640xf32, #tpu.memory_space<vmem>>
      %dma_start3A_113 = tpu.memref_slice %arg8[%multiple_of3A_69] : memref<163840xf32, #tpu.memory_space<vmem_shared>> -> memref<640xf32, #tpu.memory_space<vmem_shared>>
      %dma_start3A_114 = arith.constant 5760 : i32
      %dma_start3A_115 = tpu.memref_slice %arg6[%dma_start3A_114] : memref<10240xf32, #tpu.memory_space<vmem>> -> memref<640xf32, #tpu.memory_space<vmem>>
      %dma_start3A_116 = tpu.memref_slice %arg8[%multiple_of3A_69] : memref<163840xf32, #tpu.memory_space<vmem_shared>> -> memref<640xf32, #tpu.memory_space<vmem_shared>>
      tpu.enqueue_dma source(%dma_start3A_116 : memref<640xf32, #tpu.memory_space<vmem_shared>>) target(%dma_start3A_115 : memref<640xf32, #tpu.memory_space<vmem>>) target_semaphore(%run_scoped3A : memref<!tpu.dma_semaphore, #tpu.memory_space<semaphore_mem>>)
      %dma_wait3A = arith.constant 5760 : i32
      %dma_wait3A_117 = tpu.memref_slice %arg6[%dma_wait3A] : memref<10240xf32, #tpu.memory_space<vmem>> -> memref<640xf32, #tpu.memory_space<vmem>>
      %dma_wait3A_118 = tpu.memref_slice %arg8[%multiple_of3A_69] : memref<163840xf32, #tpu.memory_space<vmem_shared>> -> memref<640xf32, #tpu.memory_space<vmem_shared>>
      %dma_wait3A_119 = arith.constant 5760 : i32
      %dma_wait3A_120 = tpu.memref_slice %arg6[%dma_wait3A_119] : memref<10240xf32, #tpu.memory_space<vmem>> -> memref<640xf32, #tpu.memory_space<vmem>>
      %dma_wait3A_121 = tpu.memref_slice %arg8[%multiple_of3A_69] : memref<163840xf32, #tpu.memory_space<vmem_shared>> -> memref<640xf32, #tpu.memory_space<vmem_shared>>
      tpu.wait_dma2 semaphore(%run_scoped3A : memref<!tpu.dma_semaphore, #tpu.memory_space<semaphore_mem>>) src(%dma_wait3A_121 : memref<640xf32, #tpu.memory_space<vmem_shared>>) dst(%dma_wait3A_120 : memref<640xf32, #tpu.memory_space<vmem>>)
      tpu.yield
    }) : () -> ()
    %mul3A_70 = arith.constant 640 : i32
    %mul3A_71 = arith.muli %arg1, %mul3A_70 : i32
    %add3A_72 = arith.constant 102400 : i32
    %add3A_73 = arith.addi %add3A_72, %mul3A_71 : i32
    %multiple_of3A_74 = tpu.assume_multiple %add3A_73, 128 : i32
    "tpu.region"() ({
      %run_scoped3A = tpu.sem_alloc : memref<!tpu.dma_semaphore, #tpu.memory_space<semaphore_mem>>
      %dma_start3A = arith.constant 6400 : i32
      %dma_start3A_112 = tpu.memref_slice %arg6[%dma_start3A] : memref<10240xf32, #tpu.memory_space<vmem>> -> memref<640xf32, #tpu.memory_space<vmem>>
      %dma_start3A_113 = tpu.memref_slice %arg8[%multiple_of3A_74] : memref<163840xf32, #tpu.memory_space<vmem_shared>> -> memref<640xf32, #tpu.memory_space<vmem_shared>>
      %dma_start3A_114 = arith.constant 6400 : i32
      %dma_start3A_115 = tpu.memref_slice %arg6[%dma_start3A_114] : memref<10240xf32, #tpu.memory_space<vmem>> -> memref<640xf32, #tpu.memory_space<vmem>>
      %dma_start3A_116 = tpu.memref_slice %arg8[%multiple_of3A_74] : memref<163840xf32, #tpu.memory_space<vmem_shared>> -> memref<640xf32, #tpu.memory_space<vmem_shared>>
      tpu.enqueue_dma source(%dma_start3A_116 : memref<640xf32, #tpu.memory_space<vmem_shared>>) target(%dma_start3A_115 : memref<640xf32, #tpu.memory_space<vmem>>) target_semaphore(%run_scoped3A : memref<!tpu.dma_semaphore, #tpu.memory_space<semaphore_mem>>)
      %dma_wait3A = arith.constant 6400 : i32
      %dma_wait3A_117 = tpu.memref_slice %arg6[%dma_wait3A] : memref<10240xf32, #tpu.memory_space<vmem>> -> memref<640xf32, #tpu.memory_space<vmem>>
      %dma_wait3A_118 = tpu.memref_slice %arg8[%multiple_of3A_74] : memref<163840xf32, #tpu.memory_space<vmem_shared>> -> memref<640xf32, #tpu.memory_space<vmem_shared>>
      %dma_wait3A_119 = arith.constant 6400 : i32
      %dma_wait3A_120 = tpu.memref_slice %arg6[%dma_wait3A_119] : memref<10240xf32, #tpu.memory_space<vmem>> -> memref<640xf32, #tpu.memory_space<vmem>>
      %dma_wait3A_121 = tpu.memref_slice %arg8[%multiple_of3A_74] : memref<163840xf32, #tpu.memory_space<vmem_shared>> -> memref<640xf32, #tpu.memory_space<vmem_shared>>
      tpu.wait_dma2 semaphore(%run_scoped3A : memref<!tpu.dma_semaphore, #tpu.memory_space<semaphore_mem>>) src(%dma_wait3A_121 : memref<640xf32, #tpu.memory_space<vmem_shared>>) dst(%dma_wait3A_120 : memref<640xf32, #tpu.memory_space<vmem>>)
      tpu.yield
    }) : () -> ()
    %mul3A_75 = arith.constant 640 : i32
    %mul3A_76 = arith.muli %arg1, %mul3A_75 : i32
    %add3A_77 = arith.constant 112640 : i32
    %add3A_78 = arith.addi %add3A_77, %mul3A_76 : i32
    %multiple_of3A_79 = tpu.assume_multiple %add3A_78, 128 : i32
    "tpu.region"() ({
      %run_scoped3A = tpu.sem_alloc : memref<!tpu.dma_semaphore, #tpu.memory_space<semaphore_mem>>
      %dma_start3A = arith.constant 7040 : i32
      %dma_start3A_112 = tpu.memref_slice %arg6[%dma_start3A] : memref<10240xf32, #tpu.memory_space<vmem>> -> memref<640xf32, #tpu.memory_space<vmem>>
      %dma_start3A_113 = tpu.memref_slice %arg8[%multiple_of3A_79] : memref<163840xf32, #tpu.memory_space<vmem_shared>> -> memref<640xf32, #tpu.memory_space<vmem_shared>>
      %dma_start3A_114 = arith.constant 7040 : i32
      %dma_start3A_115 = tpu.memref_slice %arg6[%dma_start3A_114] : memref<10240xf32, #tpu.memory_space<vmem>> -> memref<640xf32, #tpu.memory_space<vmem>>
      %dma_start3A_116 = tpu.memref_slice %arg8[%multiple_of3A_79] : memref<163840xf32, #tpu.memory_space<vmem_shared>> -> memref<640xf32, #tpu.memory_space<vmem_shared>>
      tpu.enqueue_dma source(%dma_start3A_116 : memref<640xf32, #tpu.memory_space<vmem_shared>>) target(%dma_start3A_115 : memref<640xf32, #tpu.memory_space<vmem>>) target_semaphore(%run_scoped3A : memref<!tpu.dma_semaphore, #tpu.memory_space<semaphore_mem>>)
      %dma_wait3A = arith.constant 7040 : i32
      %dma_wait3A_117 = tpu.memref_slice %arg6[%dma_wait3A] : memref<10240xf32, #tpu.memory_space<vmem>> -> memref<640xf32, #tpu.memory_space<vmem>>
      %dma_wait3A_118 = tpu.memref_slice %arg8[%multiple_of3A_79] : memref<163840xf32, #tpu.memory_space<vmem_shared>> -> memref<640xf32, #tpu.memory_space<vmem_shared>>
      %dma_wait3A_119 = arith.constant 7040 : i32
      %dma_wait3A_120 = tpu.memref_slice %arg6[%dma_wait3A_119] : memref<10240xf32, #tpu.memory_space<vmem>> -> memref<640xf32, #tpu.memory_space<vmem>>
      %dma_wait3A_121 = tpu.memref_slice %arg8[%multiple_of3A_79] : memref<163840xf32, #tpu.memory_space<vmem_shared>> -> memref<640xf32, #tpu.memory_space<vmem_shared>>
      tpu.wait_dma2 semaphore(%run_scoped3A : memref<!tpu.dma_semaphore, #tpu.memory_space<semaphore_mem>>) src(%dma_wait3A_121 : memref<640xf32, #tpu.memory_space<vmem_shared>>) dst(%dma_wait3A_120 : memref<640xf32, #tpu.memory_space<vmem>>)
      tpu.yield
    }) : () -> ()
    %mul3A_80 = arith.constant 640 : i32
    %mul3A_81 = arith.muli %arg1, %mul3A_80 : i32
    %add3A_82 = arith.constant 122880 : i32
    %add3A_83 = arith.addi %add3A_82, %mul3A_81 : i32
    %multiple_of3A_84 = tpu.assume_multiple %add3A_83, 128 : i32
    "tpu.region"() ({
      %run_scoped3A = tpu.sem_alloc : memref<!tpu.dma_semaphore, #tpu.memory_space<semaphore_mem>>
      %dma_start3A = arith.constant 7680 : i32
      %dma_start3A_112 = tpu.memref_slice %arg6[%dma_start3A] : memref<10240xf32, #tpu.memory_space<vmem>> -> memref<640xf32, #tpu.memory_space<vmem>>
      %dma_start3A_113 = tpu.memref_slice %arg8[%multiple_of3A_84] : memref<163840xf32, #tpu.memory_space<vmem_shared>> -> memref<640xf32, #tpu.memory_space<vmem_shared>>
      %dma_start3A_114 = arith.constant 7680 : i32
      %dma_start3A_115 = tpu.memref_slice %arg6[%dma_start3A_114] : memref<10240xf32, #tpu.memory_space<vmem>> -> memref<640xf32, #tpu.memory_space<vmem>>
      %dma_start3A_116 = tpu.memref_slice %arg8[%multiple_of3A_84] : memref<163840xf32, #tpu.memory_space<vmem_shared>> -> memref<640xf32, #tpu.memory_space<vmem_shared>>
      tpu.enqueue_dma source(%dma_start3A_116 : memref<640xf32, #tpu.memory_space<vmem_shared>>) target(%dma_start3A_115 : memref<640xf32, #tpu.memory_space<vmem>>) target_semaphore(%run_scoped3A : memref<!tpu.dma_semaphore, #tpu.memory_space<semaphore_mem>>)
      %dma_wait3A = arith.constant 7680 : i32
      %dma_wait3A_117 = tpu.memref_slice %arg6[%dma_wait3A] : memref<10240xf32, #tpu.memory_space<vmem>> -> memref<640xf32, #tpu.memory_space<vmem>>
      %dma_wait3A_118 = tpu.memref_slice %arg8[%multiple_of3A_84] : memref<163840xf32, #tpu.memory_space<vmem_shared>> -> memref<640xf32, #tpu.memory_space<vmem_shared>>
      %dma_wait3A_119 = arith.constant 7680 : i32
      %dma_wait3A_120 = tpu.memref_slice %arg6[%dma_wait3A_119] : memref<10240xf32, #tpu.memory_space<vmem>> -> memref<640xf32, #tpu.memory_space<vmem>>
      %dma_wait3A_121 = tpu.memref_slice %arg8[%multiple_of3A_84] : memref<163840xf32, #tpu.memory_space<vmem_shared>> -> memref<640xf32, #tpu.memory_space<vmem_shared>>
      tpu.wait_dma2 semaphore(%run_scoped3A : memref<!tpu.dma_semaphore, #tpu.memory_space<semaphore_mem>>) src(%dma_wait3A_121 : memref<640xf32, #tpu.memory_space<vmem_shared>>) dst(%dma_wait3A_120 : memref<640xf32, #tpu.memory_space<vmem>>)
      tpu.yield
    }) : () -> ()
    %mul3A_85 = arith.constant 640 : i32
    %mul3A_86 = arith.muli %arg1, %mul3A_85 : i32
    %add3A_87 = arith.constant 133120 : i32
    %add3A_88 = arith.addi %add3A_87, %mul3A_86 : i32
    %multiple_of3A_89 = tpu.assume_multiple %add3A_88, 128 : i32
    "tpu.region"() ({
      %run_scoped3A = tpu.sem_alloc : memref<!tpu.dma_semaphore, #tpu.memory_space<semaphore_mem>>
      %dma_start3A = arith.constant 8320 : i32
      %dma_start3A_112 = tpu.memref_slice %arg6[%dma_start3A] : memref<10240xf32, #tpu.memory_space<vmem>> -> memref<640xf32, #tpu.memory_space<vmem>>
      %dma_start3A_113 = tpu.memref_slice %arg8[%multiple_of3A_89] : memref<163840xf32, #tpu.memory_space<vmem_shared>> -> memref<640xf32, #tpu.memory_space<vmem_shared>>
      %dma_start3A_114 = arith.constant 8320 : i32
      %dma_start3A_115 = tpu.memref_slice %arg6[%dma_start3A_114] : memref<10240xf32, #tpu.memory_space<vmem>> -> memref<640xf32, #tpu.memory_space<vmem>>
      %dma_start3A_116 = tpu.memref_slice %arg8[%multiple_of3A_89] : memref<163840xf32, #tpu.memory_space<vmem_shared>> -> memref<640xf32, #tpu.memory_space<vmem_shared>>
      tpu.enqueue_dma source(%dma_start3A_116 : memref<640xf32, #tpu.memory_space<vmem_shared>>) target(%dma_start3A_115 : memref<640xf32, #tpu.memory_space<vmem>>) target_semaphore(%run_scoped3A : memref<!tpu.dma_semaphore, #tpu.memory_space<semaphore_mem>>)
      %dma_wait3A = arith.constant 8320 : i32
      %dma_wait3A_117 = tpu.memref_slice %arg6[%dma_wait3A] : memref<10240xf32, #tpu.memory_space<vmem>> -> memref<640xf32, #tpu.memory_space<vmem>>
      %dma_wait3A_118 = tpu.memref_slice %arg8[%multiple_of3A_89] : memref<163840xf32, #tpu.memory_space<vmem_shared>> -> memref<640xf32, #tpu.memory_space<vmem_shared>>
      %dma_wait3A_119 = arith.constant 8320 : i32
      %dma_wait3A_120 = tpu.memref_slice %arg6[%dma_wait3A_119] : memref<10240xf32, #tpu.memory_space<vmem>> -> memref<640xf32, #tpu.memory_space<vmem>>
      %dma_wait3A_121 = tpu.memref_slice %arg8[%multiple_of3A_89] : memref<163840xf32, #tpu.memory_space<vmem_shared>> -> memref<640xf32, #tpu.memory_space<vmem_shared>>
      tpu.wait_dma2 semaphore(%run_scoped3A : memref<!tpu.dma_semaphore, #tpu.memory_space<semaphore_mem>>) src(%dma_wait3A_121 : memref<640xf32, #tpu.memory_space<vmem_shared>>) dst(%dma_wait3A_120 : memref<640xf32, #tpu.memory_space<vmem>>)
      tpu.yield
    }) : () -> ()
    %mul3A_90 = arith.constant 640 : i32
    %mul3A_91 = arith.muli %arg1, %mul3A_90 : i32
    %add3A_92 = arith.constant 143360 : i32
    %add3A_93 = arith.addi %add3A_92, %mul3A_91 : i32
    %multiple_of3A_94 = tpu.assume_multiple %add3A_93, 128 : i32
    "tpu.region"() ({
      %run_scoped3A = tpu.sem_alloc : memref<!tpu.dma_semaphore, #tpu.memory_space<semaphore_mem>>
      %dma_start3A = arith.constant 8960 : i32
      %dma_start3A_112 = tpu.memref_slice %arg6[%dma_start3A] : memref<10240xf32, #tpu.memory_space<vmem>> -> memref<640xf32, #tpu.memory_space<vmem>>
      %dma_start3A_113 = tpu.memref_slice %arg8[%multiple_of3A_94] : memref<163840xf32, #tpu.memory_space<vmem_shared>> -> memref<640xf32, #tpu.memory_space<vmem_shared>>
      %dma_start3A_114 = arith.constant 8960 : i32
      %dma_start3A_115 = tpu.memref_slice %arg6[%dma_start3A_114] : memref<10240xf32, #tpu.memory_space<vmem>> -> memref<640xf32, #tpu.memory_space<vmem>>
      %dma_start3A_116 = tpu.memref_slice %arg8[%multiple_of3A_94] : memref<163840xf32, #tpu.memory_space<vmem_shared>> -> memref<640xf32, #tpu.memory_space<vmem_shared>>
      tpu.enqueue_dma source(%dma_start3A_116 : memref<640xf32, #tpu.memory_space<vmem_shared>>) target(%dma_start3A_115 : memref<640xf32, #tpu.memory_space<vmem>>) target_semaphore(%run_scoped3A : memref<!tpu.dma_semaphore, #tpu.memory_space<semaphore_mem>>)
      %dma_wait3A = arith.constant 8960 : i32
      %dma_wait3A_117 = tpu.memref_slice %arg6[%dma_wait3A] : memref<10240xf32, #tpu.memory_space<vmem>> -> memref<640xf32, #tpu.memory_space<vmem>>
      %dma_wait3A_118 = tpu.memref_slice %arg8[%multiple_of3A_94] : memref<163840xf32, #tpu.memory_space<vmem_shared>> -> memref<640xf32, #tpu.memory_space<vmem_shared>>
      %dma_wait3A_119 = arith.constant 8960 : i32
      %dma_wait3A_120 = tpu.memref_slice %arg6[%dma_wait3A_119] : memref<10240xf32, #tpu.memory_space<vmem>> -> memref<640xf32, #tpu.memory_space<vmem>>
      %dma_wait3A_121 = tpu.memref_slice %arg8[%multiple_of3A_94] : memref<163840xf32, #tpu.memory_space<vmem_shared>> -> memref<640xf32, #tpu.memory_space<vmem_shared>>
      tpu.wait_dma2 semaphore(%run_scoped3A : memref<!tpu.dma_semaphore, #tpu.memory_space<semaphore_mem>>) src(%dma_wait3A_121 : memref<640xf32, #tpu.memory_space<vmem_shared>>) dst(%dma_wait3A_120 : memref<640xf32, #tpu.memory_space<vmem>>)
      tpu.yield
    }) : () -> ()
    %mul3A_95 = arith.constant 640 : i32
    %mul3A_96 = arith.muli %arg1, %mul3A_95 : i32
    %add3A_97 = arith.constant 153600 : i32
    %add3A_98 = arith.addi %add3A_97, %mul3A_96 : i32
    %multiple_of3A_99 = tpu.assume_multiple %add3A_98, 128 : i32
    "tpu.region"() ({
      %run_scoped3A = tpu.sem_alloc : memref<!tpu.dma_semaphore, #tpu.memory_space<semaphore_mem>>
      %dma_start3A = arith.constant 9600 : i32
      %dma_start3A_112 = tpu.memref_slice %arg6[%dma_start3A] : memref<10240xf32, #tpu.memory_space<vmem>> -> memref<640xf32, #tpu.memory_space<vmem>>
      %dma_start3A_113 = tpu.memref_slice %arg8[%multiple_of3A_99] : memref<163840xf32, #tpu.memory_space<vmem_shared>> -> memref<640xf32, #tpu.memory_space<vmem_shared>>
      %dma_start3A_114 = arith.constant 9600 : i32
      %dma_start3A_115 = tpu.memref_slice %arg6[%dma_start3A_114] : memref<10240xf32, #tpu.memory_space<vmem>> -> memref<640xf32, #tpu.memory_space<vmem>>
      %dma_start3A_116 = tpu.memref_slice %arg8[%multiple_of3A_99] : memref<163840xf32, #tpu.memory_space<vmem_shared>> -> memref<640xf32, #tpu.memory_space<vmem_shared>>
      tpu.enqueue_dma source(%dma_start3A_116 : memref<640xf32, #tpu.memory_space<vmem_shared>>) target(%dma_start3A_115 : memref<640xf32, #tpu.memory_space<vmem>>) target_semaphore(%run_scoped3A : memref<!tpu.dma_semaphore, #tpu.memory_space<semaphore_mem>>)
      %dma_wait3A = arith.constant 9600 : i32
      %dma_wait3A_117 = tpu.memref_slice %arg6[%dma_wait3A] : memref<10240xf32, #tpu.memory_space<vmem>> -> memref<640xf32, #tpu.memory_space<vmem>>
      %dma_wait3A_118 = tpu.memref_slice %arg8[%multiple_of3A_99] : memref<163840xf32, #tpu.memory_space<vmem_shared>> -> memref<640xf32, #tpu.memory_space<vmem_shared>>
      %dma_wait3A_119 = arith.constant 9600 : i32
      %dma_wait3A_120 = tpu.memref_slice %arg6[%dma_wait3A_119] : memref<10240xf32, #tpu.memory_space<vmem>> -> memref<640xf32, #tpu.memory_space<vmem>>
      %dma_wait3A_121 = tpu.memref_slice %arg8[%multiple_of3A_99] : memref<163840xf32, #tpu.memory_space<vmem_shared>> -> memref<640xf32, #tpu.memory_space<vmem_shared>>
      tpu.wait_dma2 semaphore(%run_scoped3A : memref<!tpu.dma_semaphore, #tpu.memory_space<semaphore_mem>>) src(%dma_wait3A_121 : memref<640xf32, #tpu.memory_space<vmem_shared>>) dst(%dma_wait3A_120 : memref<640xf32, #tpu.memory_space<vmem>>)
      tpu.yield
    }) : () -> ()
    %scan3A_100 = arith.constant 0 : i32
    %scan3A_101 = arith.constant 0 : i32
    %scan3A_102 = arith.constant 40 : i32
    %scan3A_103 = arith.addi %scan3A_101, %scan3A_102 : i32
    %scan3A_104 = arith.constant 1 : i32
    scf.for %scan3A_112 = %scan3A_101 to %scan3A_103 step %scan3A_104  : i32 {
      %mul3A_113 = arith.constant 16 : i32
      %mul3A_114 = arith.muli %scan3A_112, %mul3A_113 : i32
      %get3A = arith.index_cast %mul3A_114 : i32 to index
      %get3A_115 = tpu.vector_load %arg6[%get3A] {strides = array<i32>} : memref<10240xf32, #tpu.memory_space<vmem>>, vector<16xf32>,
      %mul3A_116 = arith.constant 16 : i32
      %mul3A_117 = arith.muli %scan3A_112, %mul3A_116 : i32
      %add3A_118 = arith.constant 640 : i32
      %add3A_119 = arith.addi %add3A_118, %mul3A_117 : i32
      %get3A_120 = arith.index_cast %add3A_119 : i32 to index
      %get3A_121 = tpu.vector_load %arg6[%get3A_120] {strides = array<i32>} : memref<10240xf32, #tpu.memory_space<vmem>>, vector<16xf32>,
      %add3A_122 = arith.addf %get3A_115, %get3A_121 : vector<16xf32>
      %mul3A_123 = arith.constant 16 : i32
      %mul3A_124 = arith.muli %scan3A_112, %mul3A_123 : i32
      %add3A_125 = arith.constant 1280 : i32
      %add3A_126 = arith.addi %add3A_125, %mul3A_124 : i32
      %get3A_127 = arith.index_cast %add3A_126 : i32 to index
      %get3A_128 = tpu.vector_load %arg6[%get3A_127] {strides = array<i32>} : memref<10240xf32, #tpu.memory_space<vmem>>, vector<16xf32>,
      %add3A_129 = arith.addf %add3A_122, %get3A_128 : vector<16xf32>
      %mul3A_130 = arith.constant 16 : i32
      %mul3A_131 = arith.muli %scan3A_112, %mul3A_130 : i32
      %add3A_132 = arith.constant 1920 : i32
      %add3A_133 = arith.addi %add3A_132, %mul3A_131 : i32
      %get3A_134 = arith.index_cast %add3A_133 : i32 to index
      %get3A_135 = tpu.vector_load %arg6[%get3A_134] {strides = array<i32>} : memref<10240xf32, #tpu.memory_space<vmem>>, vector<16xf32>,
      %add3A_136 = arith.addf %add3A_129, %get3A_135 : vector<16xf32>
      %mul3A_137 = arith.constant 16 : i32
      %mul3A_138 = arith.muli %scan3A_112, %mul3A_137 : i32
      %add3A_139 = arith.constant 2560 : i32
      %add3A_140 = arith.addi %add3A_139, %mul3A_138 : i32
      %get3A_141 = arith.index_cast %add3A_140 : i32 to index
      %get3A_142 = tpu.vector_load %arg6[%get3A_141] {strides = array<i32>} : memref<10240xf32, #tpu.memory_space<vmem>>, vector<16xf32>,
      %add3A_143 = arith.addf %add3A_136, %get3A_142 : vector<16xf32>
      %mul3A_144 = arith.constant 16 : i32
      %mul3A_145 = arith.muli %scan3A_112, %mul3A_144 : i32
      %add3A_146 = arith.constant 3200 : i32
      %add3A_147 = arith.addi %add3A_146, %mul3A_145 : i32
      %get3A_148 = arith.index_cast %add3A_147 : i32 to index
      %get3A_149 = tpu.vector_load %arg6[%get3A_148] {strides = array<i32>} : memref<10240xf32, #tpu.memory_space<vmem>>, vector<16xf32>,
      %add3A_150 = arith.addf %add3A_143, %get3A_149 : vector<16xf32>
      %mul3A_151 = arith.constant 16 : i32
      %mul3A_152 = arith.muli %scan3A_112, %mul3A_151 : i32
      %add3A_153 = arith.constant 3840 : i32
      %add3A_154 = arith.addi %add3A_153, %mul3A_152 : i32
      %get3A_155 = arith.index_cast %add3A_154 : i32 to index
      %get3A_156 = tpu.vector_load %arg6[%get3A_155] {strides = array<i32>} : memref<10240xf32, #tpu.memory_space<vmem>>, vector<16xf32>,
      %add3A_157 = arith.addf %add3A_150, %get3A_156 : vector<16xf32>
      %mul3A_158 = arith.constant 16 : i32
      %mul3A_159 = arith.muli %scan3A_112, %mul3A_158 : i32
      %add3A_160 = arith.constant 4480 : i32
      %add3A_161 = arith.addi %add3A_160, %mul3A_159 : i32
      %get3A_162 = arith.index_cast %add3A_161 : i32 to index
      %get3A_163 = tpu.vector_load %arg6[%get3A_162] {strides = array<i32>} : memref<10240xf32, #tpu.memory_space<vmem>>, vector<16xf32>,
      %add3A_164 = arith.addf %add3A_157, %get3A_163 : vector<16xf32>
      %mul3A_165 = arith.constant 16 : i32
      %mul3A_166 = arith.muli %scan3A_112, %mul3A_165 : i32
      %add3A_167 = arith.constant 5120 : i32
      %add3A_168 = arith.addi %add3A_167, %mul3A_166 : i32
      %get3A_169 = arith.index_cast %add3A_168 : i32 to index
      %get3A_170 = tpu.vector_load %arg6[%get3A_169] {strides = array<i32>} : memref<10240xf32, #tpu.memory_space<vmem>>, vector<16xf32>,
      %add3A_171 = arith.addf %add3A_164, %get3A_170 : vector<16xf32>
      %mul3A_172 = arith.constant 16 : i32
      %mul3A_173 = arith.muli %scan3A_112, %mul3A_172 : i32
      %add3A_174 = arith.constant 5760 : i32
      %add3A_175 = arith.addi %add3A_174, %mul3A_173 : i32
      %get3A_176 = arith.index_cast %add3A_175 : i32 to index
      %get3A_177 = tpu.vector_load %arg6[%get3A_176] {strides = array<i32>} : memref<10240xf32, #tpu.memory_space<vmem>>, vector<16xf32>,
      %add3A_178 = arith.addf %add3A_171, %get3A_177 : vector<16xf32>
      %mul3A_179 = arith.constant 16 : i32
      %mul3A_180 = arith.muli %scan3A_112, %mul3A_179 : i32
      %add3A_181 = arith.constant 6400 : i32
      %add3A_182 = arith.addi %add3A_181, %mul3A_180 : i32
      %get3A_183 = arith.index_cast %add3A_182 : i32 to index
      %get3A_184 = tpu.vector_load %arg6[%get3A_183] {strides = array<i32>} : memref<10240xf32, #tpu.memory_space<vmem>>, vector<16xf32>,
      %add3A_185 = arith.addf %add3A_178, %get3A_184 : vector<16xf32>
      %mul3A_186 = arith.constant 16 : i32
      %mul3A_187 = arith.muli %scan3A_112, %mul3A_186 : i32
      %add3A_188 = arith.constant 7040 : i32
      %add3A_189 = arith.addi %add3A_188, %mul3A_187 : i32
      %get3A_190 = arith.index_cast %add3A_189 : i32 to index
      %get3A_191 = tpu.vector_load %arg6[%get3A_190] {strides = array<i32>} : memref<10240xf32, #tpu.memory_space<vmem>>, vector<16xf32>,
      %add3A_192 = arith.addf %add3A_185, %get3A_191 : vector<16xf32>
      %mul3A_193 = arith.constant 16 : i32
      %mul3A_194 = arith.muli %scan3A_112, %mul3A_193 : i32
      %add3A_195 = arith.constant 7680 : i32
      %add3A_196 = arith.addi %add3A_195, %mul3A_194 : i32
      %get3A_197 = arith.index_cast %add3A_196 : i32 to index
      %get3A_198 = tpu.vector_load %arg6[%get3A_197] {strides = array<i32>} : memref<10240xf32, #tpu.memory_space<vmem>>, vector<16xf32>,
      %add3A_199 = arith.addf %add3A_192, %get3A_198 : vector<16xf32>
      %mul3A_200 = arith.constant 16 : i32
      %mul3A_201 = arith.muli %scan3A_112, %mul3A_200 : i32
      %add3A_202 = arith.constant 8320 : i32
      %add3A_203 = arith.addi %add3A_202, %mul3A_201 : i32
      %get3A_204 = arith.index_cast %add3A_203 : i32 to index
      %get3A_205 = tpu.vector_load %arg6[%get3A_204] {strides = array<i32>} : memref<10240xf32, #tpu.memory_space<vmem>>, vector<16xf32>,
      %add3A_206 = arith.addf %add3A_199, %get3A_205 : vector<16xf32>
      %mul3A_207 = arith.constant 16 : i32
      %mul3A_208 = arith.muli %scan3A_112, %mul3A_207 : i32
      %add3A_209 = arith.constant 8960 : i32
      %add3A_210 = arith.addi %add3A_209, %mul3A_208 : i32
      %get3A_211 = arith.index_cast %add3A_210 : i32 to index
      %get3A_212 = tpu.vector_load %arg6[%get3A_211] {strides = array<i32>} : memref<10240xf32, #tpu.memory_space<vmem>>, vector<16xf32>,
      %add3A_213 = arith.addf %add3A_206, %get3A_212 : vector<16xf32>
      %mul3A_214 = arith.constant 16 : i32
      %mul3A_215 = arith.muli %scan3A_112, %mul3A_214 : i32
      %add3A_216 = arith.constant 9600 : i32
      %add3A_217 = arith.addi %add3A_216, %mul3A_215 : i32
      %get3A_218 = arith.index_cast %add3A_217 : i32 to index
      %get3A_219 = tpu.vector_load %arg6[%get3A_218] {strides = array<i32>} : memref<10240xf32, #tpu.memory_space<vmem>>, vector<16xf32>,
      %add3A_220 = arith.addf %add3A_213, %get3A_219 : vector<16xf32>
      %mul3A_221 = arith.constant 16 : i32
      %mul3A_222 = arith.muli %scan3A_112, %mul3A_221 : i32
      %swap3A = arith.index_cast %mul3A_222 : i32 to index
      %swap3A_223 = tpu.vector_load %arg7[%swap3A] {strides = array<i32>} : memref<640xf32, #tpu.memory_space<vmem>>, vector<16xf32>,
      tpu.vector_store %arg7[%swap3A], %add3A_220 {strides = array<i32>} : memref<640xf32, #tpu.memory_space<vmem>>, vector<16xf32>,
    }
    %scan3A_105 = arith.constant 40 : i32
    %mul3A_106 = arith.constant 10240 : i32
    %mul3A_107 = arith.muli %arg0, %mul3A_106 : i32
    %mul3A_108 = arith.constant 640 : i32
    %mul3A_109 = arith.muli %arg1, %mul3A_108 : i32
    %add3A_110 = arith.addi %mul3A_107, %mul3A_109 : i32
    %multiple_of3A_111 = tpu.assume_multiple %add3A_110, 128 : i32
    "tpu.region"() ({
      %run_scoped3A = tpu.sem_alloc : memref<!tpu.dma_semaphore, #tpu.memory_space<semaphore_mem>>
      %dma_start3A = tpu.memref_slice %arg3[%multiple_of3A_111] : memref<20480xf32, #tpu.memory_space<hbm>> -> memref<640xf32, #tpu.memory_space<hbm>>
      %dma_start3A_112 = tpu.memref_slice %arg3[%multiple_of3A_111] : memref<20480xf32, #tpu.memory_space<hbm>> -> memref<640xf32, #tpu.memory_space<hbm>>
      tpu.enqueue_dma source(%arg7 : memref<640xf32, #tpu.memory_space<vmem>>) target(%dma_start3A_112 : memref<640xf32, #tpu.memory_space<hbm>>) target_semaphore(%run_scoped3A : memref<!tpu.dma_semaphore, #tpu.memory_space<semaphore_mem>>)
      %dma_wait3A = tpu.memref_slice %arg3[%multiple_of3A_111] : memref<20480xf32, #tpu.memory_space<hbm>> -> memref<640xf32, #tpu.memory_space<hbm>>
      %dma_wait3A_113 = tpu.memref_slice %arg3[%multiple_of3A_111] : memref<20480xf32, #tpu.memory_space<hbm>> -> memref<640xf32, #tpu.memory_space<hbm>>
      tpu.wait_dma2 semaphore(%run_scoped3A : memref<!tpu.dma_semaphore, #tpu.memory_space<semaphore_mem>>) src(%arg7 : memref<640xf32, #tpu.memory_space<vmem>>) dst(%dma_wait3A_113 : memref<640xf32, #tpu.memory_space<hbm>>)
      tpu.yield
    }) : () -> ()
    return
  }
}

#map = affine_map<(d0, d1) -> (0, 0)>
#map1 = affine_map<(d0, d1) -> (0, 0, 0)>
#map2 = affine_map<(d0, d1) -> (0)>
module attributes {stable_mosaic.version = 14 : i64} {
  func.func @_scat_body(%arg0: i32, %arg1: i32, %arg2: memref<10000x128xf32, #tpu.memory_space<hbm>>, %arg3: memref<32x125x80xi32, #tpu.memory_space<hbm>>, %arg4: memref<320000xi32, #tpu.memory_space<hbm>>, %arg5: memref<2x10000x128xf32, #tpu.memory_space<hbm>>, %arg6: memref<125x80xi32, #tpu.memory_space<vmem>>, %arg7: memref<80xi32, #tpu.memory_space<vmem>>, %arg8: memref<80xi32, #tpu.memory_space<vmem>>, %arg9: memref<80xi32, #tpu.memory_space<vmem>>, %arg10: memref<80x128xf32, #tpu.memory_space<vmem>>, %arg11: memref<80x128xf32, #tpu.memory_space<vmem>>, %arg12: memref<80x128xf32, #tpu.memory_space<vmem>>, %arg13: memref<10000x128xf32, #tpu.memory_space<vmem_shared>>, %arg14: memref<!tpu.dma_semaphore, #tpu.memory_space<semaphore_mem>>, %arg15: memref<!tpu.dma_semaphore, #tpu.memory_space<semaphore_mem>>, %arg16: memref<!tpu.dma_semaphore, #tpu.memory_space<semaphore_mem>>, %arg17: memref<!tpu.dma_semaphore, #tpu.memory_space<semaphore_mem>>, %arg18: memref<!tpu.dma_semaphore, #tpu.memory_space<semaphore_mem>>, %arg19: memref<!tpu.dma_semaphore, #tpu.memory_space<semaphore_mem>>) attributes {dimension_semantics = [#tpu.dimension_semantics<core_parallel>, #tpu.dimension_semantics<subcore_parallel>], iteration_bounds = array<i64: 2, 16>, scalar_prefetch = 0 : i64, scratch_operands = 14 : i64, tpu.core_type = #tpu.core_type<sc_vector_subcore>, window_params = [{transform_indices = #map}, {transform_indices = #map1}, {transform_indices = #map2}, {transform_indices = #map1}]} {
    %mul3A = arith.constant 2 : i32
    %mul3A_0 = arith.muli %arg1, %mul3A : i32
    %add3A = arith.addi %mul3A_0, %arg0 : i32
    %mul3A_1 = arith.constant 624 : i32
    %mul3A_2 = arith.muli %arg1, %mul3A_1 : i32
    %multiple_of3A = tpu.assume_multiple %mul3A_2, 8 : i32
    "tpu.region"() ({
      %run_scoped3A = tpu.sem_alloc : memref<!tpu.dma_semaphore, #tpu.memory_space<semaphore_mem>>
      %dma_start3A_72 = arith.constant 0 : i32
      %dma_start3A_73 = tpu.memref_slice %arg13[%multiple_of3A, %dma_start3A_72] : memref<10000x128xf32, #tpu.memory_space<vmem_shared>> -> memref<624x128xf32, #tpu.memory_space<vmem_shared>>
      %dma_start3A_74 = arith.constant 0 : i32
      %dma_start3A_75 = tpu.memref_slice %arg2[%multiple_of3A, %dma_start3A_74] : memref<10000x128xf32, #tpu.memory_space<hbm>> -> memref<624x128xf32, #tpu.memory_space<hbm>>
      tpu.enqueue_dma source(%dma_start3A_75 : memref<624x128xf32, #tpu.memory_space<hbm>>) target(%dma_start3A_73 : memref<624x128xf32, #tpu.memory_space<vmem_shared>>) target_semaphore(%run_scoped3A : memref<!tpu.dma_semaphore, #tpu.memory_space<semaphore_mem>>)
      %dma_wait3A_76 = arith.constant 0 : i32
      %dma_wait3A_77 = tpu.memref_slice %arg13[%multiple_of3A, %dma_wait3A_76] : memref<10000x128xf32, #tpu.memory_space<vmem_shared>> -> memref<624x128xf32, #tpu.memory_space<vmem_shared>>
      %dma_wait3A_78 = arith.constant 0 : i32
      %dma_wait3A_79 = tpu.memref_slice %arg2[%multiple_of3A, %dma_wait3A_78] : memref<10000x128xf32, #tpu.memory_space<hbm>> -> memref<624x128xf32, #tpu.memory_space<hbm>>
      tpu.wait_dma2 semaphore(%run_scoped3A : memref<!tpu.dma_semaphore, #tpu.memory_space<semaphore_mem>>) src(%dma_wait3A_79 : memref<624x128xf32, #tpu.memory_space<hbm>>) dst(%dma_wait3A_77 : memref<624x128xf32, #tpu.memory_space<vmem_shared>>)
      tpu.yield
    }) : () -> ()
    %eq3A = arith.constant 15 : i32
    %eq3A_3 = arith.cmpi eq, %arg1, %eq3A : i32
    %convert_element_type3A = arith.extui %eq3A_3 : i1 to i32
    %cond3A = arith.constant 0 : i32
    %cond3A_4 = arith.cmpi ne, %convert_element_type3A, %cond3A : i32
    scf.if %cond3A_4 {
      "tpu.region"() ({
        %run_scoped3A = tpu.sem_alloc : memref<!tpu.dma_semaphore, #tpu.memory_space<semaphore_mem>>
        %dma_start3A_72 = arith.constant 9984 : i32
        %dma_start3A_73 = arith.constant 0 : i32
        %dma_start3A_74 = tpu.memref_slice %arg13[%dma_start3A_72, %dma_start3A_73] : memref<10000x128xf32, #tpu.memory_space<vmem_shared>> -> memref<16x128xf32, #tpu.memory_space<vmem_shared>>
        %dma_start3A_75 = arith.constant 9984 : i32
        %dma_start3A_76 = arith.constant 0 : i32
        %dma_start3A_77 = tpu.memref_slice %arg2[%dma_start3A_75, %dma_start3A_76] : memref<10000x128xf32, #tpu.memory_space<hbm>> -> memref<16x128xf32, #tpu.memory_space<hbm>>
        tpu.enqueue_dma source(%dma_start3A_77 : memref<16x128xf32, #tpu.memory_space<hbm>>) target(%dma_start3A_74 : memref<16x128xf32, #tpu.memory_space<vmem_shared>>) target_semaphore(%run_scoped3A : memref<!tpu.dma_semaphore, #tpu.memory_space<semaphore_mem>>)
        %dma_wait3A_78 = arith.constant 9984 : i32
        %dma_wait3A_79 = arith.constant 0 : i32
        %dma_wait3A_80 = tpu.memref_slice %arg13[%dma_wait3A_78, %dma_wait3A_79] : memref<10000x128xf32, #tpu.memory_space<vmem_shared>> -> memref<16x128xf32, #tpu.memory_space<vmem_shared>>
        %dma_wait3A_81 = arith.constant 9984 : i32
        %dma_wait3A_82 = arith.constant 0 : i32
        %dma_wait3A_83 = tpu.memref_slice %arg2[%dma_wait3A_81, %dma_wait3A_82] : memref<10000x128xf32, #tpu.memory_space<hbm>> -> memref<16x128xf32, #tpu.memory_space<hbm>>
        tpu.wait_dma2 semaphore(%run_scoped3A : memref<!tpu.dma_semaphore, #tpu.memory_space<semaphore_mem>>) src(%dma_wait3A_83 : memref<16x128xf32, #tpu.memory_space<hbm>>) dst(%dma_wait3A_80 : memref<16x128xf32, #tpu.memory_space<vmem_shared>>)
        tpu.yield
      }) : () -> ()
    } else {
    }
    "tpu.region"() ({
      %run_scoped3A = tpu.sem_alloc : memref<!tpu.dma_semaphore, #tpu.memory_space<semaphore_mem>>
      %dma_start3A_72 = arith.constant 0 : i32
      %dma_start3A_73 = arith.constant 0 : i32
      %dma_start3A_74 = tpu.memref_slice %arg3[%add3A, %dma_start3A_72, %dma_start3A_73] : memref<32x125x80xi32, #tpu.memory_space<hbm>> -> memref<1x125x80xi32, #tpu.memory_space<hbm>>
      %dma_start3A_75 = tpu.memref_squeeze %dma_start3A_74 : memref<1x125x80xi32, #tpu.memory_space<hbm>> -> memref<125x80xi32, #tpu.memory_space<hbm>>
      %dma_start3A_76 = arith.constant 0 : i32
      %dma_start3A_77 = arith.constant 0 : i32
      %dma_start3A_78 = tpu.memref_slice %arg3[%add3A, %dma_start3A_76, %dma_start3A_77] : memref<32x125x80xi32, #tpu.memory_space<hbm>> -> memref<1x125x80xi32, #tpu.memory_space<hbm>>
      %dma_start3A_79 = tpu.memref_squeeze %dma_start3A_78 : memref<1x125x80xi32, #tpu.memory_space<hbm>> -> memref<125x80xi32, #tpu.memory_space<hbm>>
      tpu.enqueue_dma source(%dma_start3A_79 : memref<125x80xi32, #tpu.memory_space<hbm>>) target(%arg6 : memref<125x80xi32, #tpu.memory_space<vmem>>) target_semaphore(%run_scoped3A : memref<!tpu.dma_semaphore, #tpu.memory_space<semaphore_mem>>)
      %dma_wait3A_80 = arith.constant 0 : i32
      %dma_wait3A_81 = arith.constant 0 : i32
      %dma_wait3A_82 = tpu.memref_slice %arg3[%add3A, %dma_wait3A_80, %dma_wait3A_81] : memref<32x125x80xi32, #tpu.memory_space<hbm>> -> memref<1x125x80xi32, #tpu.memory_space<hbm>>
      %dma_wait3A_83 = tpu.memref_squeeze %dma_wait3A_82 : memref<1x125x80xi32, #tpu.memory_space<hbm>> -> memref<125x80xi32, #tpu.memory_space<hbm>>
      %dma_wait3A_84 = arith.constant 0 : i32
      %dma_wait3A_85 = arith.constant 0 : i32
      %dma_wait3A_86 = tpu.memref_slice %arg3[%add3A, %dma_wait3A_84, %dma_wait3A_85] : memref<32x125x80xi32, #tpu.memory_space<hbm>> -> memref<1x125x80xi32, #tpu.memory_space<hbm>>
      %dma_wait3A_87 = tpu.memref_squeeze %dma_wait3A_86 : memref<1x125x80xi32, #tpu.memory_space<hbm>> -> memref<125x80xi32, #tpu.memory_space<hbm>>
      tpu.wait_dma2 semaphore(%run_scoped3A : memref<!tpu.dma_semaphore, #tpu.memory_space<semaphore_mem>>) src(%dma_wait3A_87 : memref<125x80xi32, #tpu.memory_space<hbm>>) dst(%arg6 : memref<125x80xi32, #tpu.memory_space<vmem>>)
      tpu.yield
    }) : () -> ()
    %barrier3A = arith.constant 0 : index
    tpu.barrier barrier_id(%barrier3A)
    %mul3A_5 = arith.constant 10000 : i32
    %mul3A_6 = arith.muli %add3A, %mul3A_5 : i32
    %dma_start3A = arith.constant 0 : i32
    %dma_start3A_7 = arith.constant 0 : i32
    %dma_start3A_8 = tpu.memref_slice %arg6[%dma_start3A, %dma_start3A_7] : memref<125x80xi32, #tpu.memory_space<vmem>> -> memref<1x80xi32, #tpu.memory_space<vmem>>
    %dma_start3A_9 = tpu.memref_squeeze %dma_start3A_8 : memref<1x80xi32, #tpu.memory_space<vmem>> -> memref<80xi32, #tpu.memory_space<vmem>>
    %dma_start3A_10 = arith.constant 0 : i32
    %dma_start3A_11 = arith.constant 0 : i32
    %dma_start3A_12 = tpu.memref_slice %arg2[%dma_start3A_10, %dma_start3A_11] : memref<10000x128xf32, #tpu.memory_space<hbm>> -> memref<10000x128xf32, #tpu.memory_space<hbm>>
    tpu.enqueue_indirect_dma source(%dma_start3A_12 : memref<10000x128xf32, #tpu.memory_space<hbm>>) target(%arg10 : memref<80x128xf32, #tpu.memory_space<vmem>>) offsets(%dma_start3A_9 : memref<80xi32, #tpu.memory_space<vmem>>) semaphore(%arg14 : memref<!tpu.dma_semaphore, #tpu.memory_space<semaphore_mem>>)
    %add3A_13 = arith.constant 0 : i32
    %add3A_14 = arith.addi %mul3A_6, %add3A_13 : i32
    %multiple_of3A_15 = tpu.assume_multiple %add3A_14, 8 : i32
    %dma_start3A_16 = tpu.memref_slice %arg4[%multiple_of3A_15] : memref<320000xi32, #tpu.memory_space<hbm>> -> memref<80xi32, #tpu.memory_space<hbm>>
    %dma_start3A_17 = tpu.memref_slice %arg4[%multiple_of3A_15] : memref<320000xi32, #tpu.memory_space<hbm>> -> memref<80xi32, #tpu.memory_space<hbm>>
    tpu.enqueue_dma source(%dma_start3A_17 : memref<80xi32, #tpu.memory_space<hbm>>) target(%arg7 : memref<80xi32, #tpu.memory_space<vmem>>) target_semaphore(%arg17 : memref<!tpu.dma_semaphore, #tpu.memory_space<semaphore_mem>>)
    %dma_start3A_18 = arith.constant 1 : i32
    %dma_start3A_19 = arith.constant 0 : i32
    %dma_start3A_20 = tpu.memref_slice %arg6[%dma_start3A_18, %dma_start3A_19] : memref<125x80xi32, #tpu.memory_space<vmem>> -> memref<1x80xi32, #tpu.memory_space<vmem>>
    %dma_start3A_21 = tpu.memref_squeeze %dma_start3A_20 : memref<1x80xi32, #tpu.memory_space<vmem>> -> memref<80xi32, #tpu.memory_space<vmem>>
    %dma_start3A_22 = arith.constant 0 : i32
    %dma_start3A_23 = arith.constant 0 : i32
    %dma_start3A_24 = tpu.memref_slice %arg2[%dma_start3A_22, %dma_start3A_23] : memref<10000x128xf32, #tpu.memory_space<hbm>> -> memref<10000x128xf32, #tpu.memory_space<hbm>>
    tpu.enqueue_indirect_dma source(%dma_start3A_24 : memref<10000x128xf32, #tpu.memory_space<hbm>>) target(%arg11 : memref<80x128xf32, #tpu.memory_space<vmem>>) offsets(%dma_start3A_21 : memref<80xi32, #tpu.memory_space<vmem>>) semaphore(%arg15 : memref<!tpu.dma_semaphore, #tpu.memory_space<semaphore_mem>>)
    %add3A_25 = arith.constant 80 : i32
    %add3A_26 = arith.addi %mul3A_6, %add3A_25 : i32
    %multiple_of3A_27 = tpu.assume_multiple %add3A_26, 8 : i32
    %dma_start3A_28 = tpu.memref_slice %arg4[%multiple_of3A_27] : memref<320000xi32, #tpu.memory_space<hbm>> -> memref<80xi32, #tpu.memory_space<hbm>>
    %dma_start3A_29 = tpu.memref_slice %arg4[%multiple_of3A_27] : memref<320000xi32, #tpu.memory_space<hbm>> -> memref<80xi32, #tpu.memory_space<hbm>>
    tpu.enqueue_dma source(%dma_start3A_29 : memref<80xi32, #tpu.memory_space<hbm>>) target(%arg8 : memref<80xi32, #tpu.memory_space<vmem>>) target_semaphore(%arg18 : memref<!tpu.dma_semaphore, #tpu.memory_space<semaphore_mem>>)
    %dma_start3A_30 = arith.constant 2 : i32
    %dma_start3A_31 = arith.constant 0 : i32
    %dma_start3A_32 = tpu.memref_slice %arg6[%dma_start3A_30, %dma_start3A_31] : memref<125x80xi32, #tpu.memory_space<vmem>> -> memref<1x80xi32, #tpu.memory_space<vmem>>
    %dma_start3A_33 = tpu.memref_squeeze %dma_start3A_32 : memref<1x80xi32, #tpu.memory_space<vmem>> -> memref<80xi32, #tpu.memory_space<vmem>>
    %dma_start3A_34 = arith.constant 0 : i32
    %dma_start3A_35 = arith.constant 0 : i32
    %dma_start3A_36 = tpu.memref_slice %arg2[%dma_start3A_34, %dma_start3A_35] : memref<10000x128xf32, #tpu.memory_space<hbm>> -> memref<10000x128xf32, #tpu.memory_space<hbm>>
    tpu.enqueue_indirect_dma source(%dma_start3A_36 : memref<10000x128xf32, #tpu.memory_space<hbm>>) target(%arg12 : memref<80x128xf32, #tpu.memory_space<vmem>>) offsets(%dma_start3A_33 : memref<80xi32, #tpu.memory_space<vmem>>) semaphore(%arg16 : memref<!tpu.dma_semaphore, #tpu.memory_space<semaphore_mem>>)
    %add3A_37 = arith.constant 160 : i32
    %add3A_38 = arith.addi %mul3A_6, %add3A_37 : i32
    %multiple_of3A_39 = tpu.assume_multiple %add3A_38, 8 : i32
    %dma_start3A_40 = tpu.memref_slice %arg4[%multiple_of3A_39] : memref<320000xi32, #tpu.memory_space<hbm>> -> memref<80xi32, #tpu.memory_space<hbm>>
    %dma_start3A_41 = tpu.memref_slice %arg4[%multiple_of3A_39] : memref<320000xi32, #tpu.memory_space<hbm>> -> memref<80xi32, #tpu.memory_space<hbm>>
    tpu.enqueue_dma source(%dma_start3A_41 : memref<80xi32, #tpu.memory_space<hbm>>) target(%arg9 : memref<80xi32, #tpu.memory_space<vmem>>) target_semaphore(%arg19 : memref<!tpu.dma_semaphore, #tpu.memory_space<semaphore_mem>>)
    %scan3A = arith.constant 0 : i32
    %scan3A_42 = arith.constant 0 : i32
    %scan3A_43 = arith.constant 41 : i32
    %scan3A_44 = arith.addi %scan3A_42, %scan3A_43 : i32
    %scan3A_45 = arith.constant 1 : i32
    scf.for %scan3A_72 = %scan3A_42 to %scan3A_44 step %scan3A_45  : i32 {
      %mul3A_73 = arith.constant 3 : i32
      %mul3A_74 = arith.muli %scan3A_72, %mul3A_73 : i32
      %dma_wait3A_75 = arith.constant 0 : i32
      %dma_wait3A_76 = arith.constant 0 : i32
      %dma_wait3A_77 = tpu.memref_slice %arg2[%dma_wait3A_75, %dma_wait3A_76] : memref<10000x128xf32, #tpu.memory_space<hbm>> -> memref<80x128xf32, #tpu.memory_space<hbm>>
      %dma_wait3A_78 = arith.constant 0 : i32
      %dma_wait3A_79 = arith.constant 0 : i32
      %dma_wait3A_80 = tpu.memref_slice %arg2[%dma_wait3A_78, %dma_wait3A_79] : memref<10000x128xf32, #tpu.memory_space<hbm>> -> memref<80x128xf32, #tpu.memory_space<hbm>>
      tpu.wait_dma2 semaphore(%arg14 : memref<!tpu.dma_semaphore, #tpu.memory_space<semaphore_mem>>) src(%dma_wait3A_80 : memref<80x128xf32, #tpu.memory_space<hbm>>) dst(%arg10 : memref<80x128xf32, #tpu.memory_space<vmem>>)
      %dma_wait3A_81 = arith.constant 0 : i32
      %dma_wait3A_82 = tpu.memref_slice %arg4[%dma_wait3A_81] : memref<320000xi32, #tpu.memory_space<hbm>> -> memref<80xi32, #tpu.memory_space<hbm>>
      %dma_wait3A_83 = arith.constant 0 : i32
      %dma_wait3A_84 = tpu.memref_slice %arg4[%dma_wait3A_83] : memref<320000xi32, #tpu.memory_space<hbm>> -> memref<80xi32, #tpu.memory_space<hbm>>
      tpu.wait_dma2 semaphore(%arg17 : memref<!tpu.dma_semaphore, #tpu.memory_space<semaphore_mem>>) src(%dma_wait3A_84 : memref<80xi32, #tpu.memory_space<hbm>>) dst(%arg7 : memref<80xi32, #tpu.memory_space<vmem>>)
      "tpu.region"() ({
        %run_scoped3A = tpu.sem_alloc : memref<!tpu.dma_semaphore, #tpu.memory_space<semaphore_mem>>
        %dma_start3A_137 = arith.constant 0 : i32
        %dma_start3A_138 = arith.constant 0 : i32
        %dma_start3A_139 = tpu.memref_slice %arg13[%dma_start3A_137, %dma_start3A_138] : memref<10000x128xf32, #tpu.memory_space<vmem_shared>> -> memref<10000x128xf32, #tpu.memory_space<vmem_shared>>
        tpu.enqueue_indirect_dma source(%arg10 : memref<80x128xf32, #tpu.memory_space<vmem>>) target(%dma_start3A_139 : memref<10000x128xf32, #tpu.memory_space<vmem_shared>>) offsets(%arg7 : memref<80xi32, #tpu.memory_space<vmem>>) semaphore(%run_scoped3A : memref<!tpu.dma_semaphore, #tpu.memory_space<semaphore_mem>>) {add = true}
        %dma_wait3A_140 = arith.constant 0 : i32
        %dma_wait3A_141 = arith.constant 0 : i32
        %dma_wait3A_142 = tpu.memref_slice %arg13[%dma_wait3A_140, %dma_wait3A_141] : memref<10000x128xf32, #tpu.memory_space<vmem_shared>> -> memref<10000x128xf32, #tpu.memory_space<vmem_shared>>
        tpu.wait_indirect_dma semaphore(%run_scoped3A : memref<!tpu.dma_semaphore, #tpu.memory_space<semaphore_mem>>) src(%arg10 : memref<80x128xf32, #tpu.memory_space<vmem>>) dst(%dma_wait3A_142 : memref<10000x128xf32, #tpu.memory_space<vmem_shared>>)
        tpu.yield
      }) : () -> ()
      %add3A_85 = arith.constant 3 : i32
      %add3A_86 = arith.addi %mul3A_74, %add3A_85 : i32
      %dma_start3A_87 = arith.constant 0 : i32
      %dma_start3A_88 = tpu.memref_slice %arg6[%add3A_86, %dma_start3A_87] : memref<125x80xi32, #tpu.memory_space<vmem>> -> memref<1x80xi32, #tpu.memory_space<vmem>>
      %dma_start3A_89 = tpu.memref_squeeze %dma_start3A_88 : memref<1x80xi32, #tpu.memory_space<vmem>> -> memref<80xi32, #tpu.memory_space<vmem>>
      %dma_start3A_90 = arith.constant 0 : i32
      %dma_start3A_91 = arith.constant 0 : i32
      %dma_start3A_92 = tpu.memref_slice %arg2[%dma_start3A_90, %dma_start3A_91] : memref<10000x128xf32, #tpu.memory_space<hbm>> -> memref<10000x128xf32, #tpu.memory_space<hbm>>
      tpu.enqueue_indirect_dma source(%dma_start3A_92 : memref<10000x128xf32, #tpu.memory_space<hbm>>) target(%arg10 : memref<80x128xf32, #tpu.memory_space<vmem>>) offsets(%dma_start3A_89 : memref<80xi32, #tpu.memory_space<vmem>>) semaphore(%arg14 : memref<!tpu.dma_semaphore, #tpu.memory_space<semaphore_mem>>)
      %mul3A_93 = arith.constant 80 : i32
      %mul3A_94 = arith.muli %add3A_86, %mul3A_93 : i32
      %add3A_95 = arith.addi %mul3A_6, %mul3A_94 : i32
      %multiple_of3A_96 = tpu.assume_multiple %add3A_95, 8 : i32
      %dma_start3A_97 = tpu.memref_slice %arg4[%multiple_of3A_96] : memref<320000xi32, #tpu.memory_space<hbm>> -> memref<80xi32, #tpu.memory_space<hbm>>
      %dma_start3A_98 = tpu.memref_slice %arg4[%multiple_of3A_96] : memref<320000xi32, #tpu.memory_space<hbm>> -> memref<80xi32, #tpu.memory_space<hbm>>
      tpu.enqueue_dma source(%dma_start3A_98 : memref<80xi32, #tpu.memory_space<hbm>>) target(%arg7 : memref<80xi32, #tpu.memory_space<vmem>>) target_semaphore(%arg17 : memref<!tpu.dma_semaphore, #tpu.memory_space<semaphore_mem>>)
      %dma_wait3A_99 = arith.constant 0 : i32
      %dma_wait3A_100 = arith.constant 0 : i32
      %dma_wait3A_101 = tpu.memref_slice %arg2[%dma_wait3A_99, %dma_wait3A_100] : memref<10000x128xf32, #tpu.memory_space<hbm>> -> memref<80x128xf32, #tpu.memory_space<hbm>>
      %dma_wait3A_102 = arith.constant 0 : i32
      %dma_wait3A_103 = arith.constant 0 : i32
      %dma_wait3A_104 = tpu.memref_slice %arg2[%dma_wait3A_102, %dma_wait3A_103] : memref<10000x128xf32, #tpu.memory_space<hbm>> -> memref<80x128xf32, #tpu.memory_space<hbm>>
      tpu.wait_dma2 semaphore(%arg15 : memref<!tpu.dma_semaphore, #tpu.memory_space<semaphore_mem>>) src(%dma_wait3A_104 : memref<80x128xf32, #tpu.memory_space<hbm>>) dst(%arg11 : memref<80x128xf32, #tpu.memory_space<vmem>>)
      %dma_wait3A_105 = arith.constant 0 : i32
      %dma_wait3A_106 = tpu.memref_slice %arg4[%dma_wait3A_105] : memref<320000xi32, #tpu.memory_space<hbm>> -> memref<80xi32, #tpu.memory_space<hbm>>
      %dma_wait3A_107 = arith.constant 0 : i32
      %dma_wait3A_108 = tpu.memref_slice %arg4[%dma_wait3A_107] : memref<320000xi32, #tpu.memory_space<hbm>> -> memref<80xi32, #tpu.memory_space<hbm>>
      tpu.wait_dma2 semaphore(%arg18 : memref<!tpu.dma_semaphore, #tpu.memory_space<semaphore_mem>>) src(%dma_wait3A_108 : memref<80xi32, #tpu.memory_space<hbm>>) dst(%arg8 : memref<80xi32, #tpu.memory_space<vmem>>)
      "tpu.region"() ({
        %run_scoped3A = tpu.sem_alloc : memref<!tpu.dma_semaphore, #tpu.memory_space<semaphore_mem>>
        %dma_start3A_137 = arith.constant 0 : i32
        %dma_start3A_138 = arith.constant 0 : i32
        %dma_start3A_139 = tpu.memref_slice %arg13[%dma_start3A_137, %dma_start3A_138] : memref<10000x128xf32, #tpu.memory_space<vmem_shared>> -> memref<10000x128xf32, #tpu.memory_space<vmem_shared>>
        tpu.enqueue_indirect_dma source(%arg11 : memref<80x128xf32, #tpu.memory_space<vmem>>) target(%dma_start3A_139 : memref<10000x128xf32, #tpu.memory_space<vmem_shared>>) offsets(%arg8 : memref<80xi32, #tpu.memory_space<vmem>>) semaphore(%run_scoped3A : memref<!tpu.dma_semaphore, #tpu.memory_space<semaphore_mem>>) {add = true}
        %dma_wait3A_140 = arith.constant 0 : i32
        %dma_wait3A_141 = arith.constant 0 : i32
        %dma_wait3A_142 = tpu.memref_slice %arg13[%dma_wait3A_140, %dma_wait3A_141] : memref<10000x128xf32, #tpu.memory_space<vmem_shared>> -> memref<10000x128xf32, #tpu.memory_space<vmem_shared>>
        tpu.wait_indirect_dma semaphore(%run_scoped3A : memref<!tpu.dma_semaphore, #tpu.memory_space<semaphore_mem>>) src(%arg11 : memref<80x128xf32, #tpu.memory_space<vmem>>) dst(%dma_wait3A_142 : memref<10000x128xf32, #tpu.memory_space<vmem_shared>>)
        tpu.yield
      }) : () -> ()
      %add3A_109 = arith.constant 4 : i32
      %add3A_110 = arith.addi %mul3A_74, %add3A_109 : i32
      %dma_start3A_111 = arith.constant 0 : i32
      %dma_start3A_112 = tpu.memref_slice %arg6[%add3A_110, %dma_start3A_111] : memref<125x80xi32, #tpu.memory_space<vmem>> -> memref<1x80xi32, #tpu.memory_space<vmem>>
      %dma_start3A_113 = tpu.memref_squeeze %dma_start3A_112 : memref<1x80xi32, #tpu.memory_space<vmem>> -> memref<80xi32, #tpu.memory_space<vmem>>
      %dma_start3A_114 = arith.constant 0 : i32
      %dma_start3A_115 = arith.constant 0 : i32
      %dma_start3A_116 = tpu.memref_slice %arg2[%dma_start3A_114, %dma_start3A_115] : memref<10000x128xf32, #tpu.memory_space<hbm>> -> memref<10000x128xf32, #tpu.memory_space<hbm>>
      tpu.enqueue_indirect_dma source(%dma_start3A_116 : memref<10000x128xf32, #tpu.memory_space<hbm>>) target(%arg11 : memref<80x128xf32, #tpu.memory_space<vmem>>) offsets(%dma_start3A_113 : memref<80xi32, #tpu.memory_space<vmem>>) semaphore(%arg15 : memref<!tpu.dma_semaphore, #tpu.memory_space<semaphore_mem>>)
      %mul3A_117 = arith.constant 80 : i32
      %mul3A_118 = arith.muli %add3A_110, %mul3A_117 : i32
      %add3A_119 = arith.addi %mul3A_6, %mul3A_118 : i32
      %multiple_of3A_120 = tpu.assume_multiple %add3A_119, 8 : i32
      %dma_start3A_121 = tpu.memref_slice %arg4[%multiple_of3A_120] : memref<320000xi32, #tpu.memory_space<hbm>> -> memref<80xi32, #tpu.memory_space<hbm>>
      %dma_start3A_122 = tpu.memref_slice %arg4[%multiple_of3A_120] : memref<320000xi32, #tpu.memory_space<hbm>> -> memref<80xi32, #tpu.memory_space<hbm>>
      tpu.enqueue_dma source(%dma_start3A_122 : memref<80xi32, #tpu.memory_space<hbm>>) target(%arg8 : memref<80xi32, #tpu.memory_space<vmem>>) target_semaphore(%arg18 : memref<!tpu.dma_semaphore, #tpu.memory_space<semaphore_mem>>)
      %dma_wait3A_123 = arith.constant 0 : i32
      %dma_wait3A_124 = arith.constant 0 : i32
      %dma_wait3A_125 = tpu.memref_slice %arg2[%dma_wait3A_123, %dma_wait3A_124] : memref<10000x128xf32, #tpu.memory_space<hbm>> -> memref<80x128xf32, #tpu.memory_space<hbm>>
      %dma_wait3A_126 = arith.constant 0 : i32
      %dma_wait3A_127 = arith.constant 0 : i32
      %dma_wait3A_128 = tpu.memref_slice %arg2[%dma_wait3A_126, %dma_wait3A_127] : memref<10000x128xf32, #tpu.memory_space<hbm>> -> memref<80x128xf32, #tpu.memory_space<hbm>>
      tpu.wait_dma2 semaphore(%arg16 : memref<!tpu.dma_semaphore, #tpu.memory_space<semaphore_mem>>) src(%dma_wait3A_128 : memref<80x128xf32, #tpu.memory_space<hbm>>) dst(%arg12 : memref<80x128xf32, #tpu.memory_space<vmem>>)
      %dma_wait3A_129 = arith.constant 0 : i32
      %dma_wait3A_130 = tpu.memref_slice %arg4[%dma_wait3A_129] : memref<320000xi32, #tpu.memory_space<hbm>> -> memref<80xi32, #tpu.memory_space<hbm>>
      %dma_wait3A_131 = arith.constant 0 : i32
      %dma_wait3A_132 = tpu.memref_slice %arg4[%dma_wait3A_131] : memref<320000xi32, #tpu.memory_space<hbm>> -> memref<80xi32, #tpu.memory_space<hbm>>
      tpu.wait_dma2 semaphore(%arg19 : memref<!tpu.dma_semaphore, #tpu.memory_space<semaphore_mem>>) src(%dma_wait3A_132 : memref<80xi32, #tpu.memory_space<hbm>>) dst(%arg9 : memref<80xi32, #tpu.memory_space<vmem>>)
      "tpu.region"() ({
        %run_scoped3A = tpu.sem_alloc : memref<!tpu.dma_semaphore, #tpu.memory_space<semaphore_mem>>
        %dma_start3A_137 = arith.constant 0 : i32
        %dma_start3A_138 = arith.constant 0 : i32
        %dma_start3A_139 = tpu.memref_slice %arg13[%dma_start3A_137, %dma_start3A_138] : memref<10000x128xf32, #tpu.memory_space<vmem_shared>> -> memref<10000x128xf32, #tpu.memory_space<vmem_shared>>
        tpu.enqueue_indirect_dma source(%arg12 : memref<80x128xf32, #tpu.memory_space<vmem>>) target(%dma_start3A_139 : memref<10000x128xf32, #tpu.memory_space<vmem_shared>>) offsets(%arg9 : memref<80xi32, #tpu.memory_space<vmem>>) semaphore(%run_scoped3A : memref<!tpu.dma_semaphore, #tpu.memory_space<semaphore_mem>>) {add = true}
        %dma_wait3A_140 = arith.constant 0 : i32
        %dma_wait3A_141 = arith.constant 0 : i32
        %dma_wait3A_142 = tpu.memref_slice %arg13[%dma_wait3A_140, %dma_wait3A_141] : memref<10000x128xf32, #tpu.memory_space<vmem_shared>> -> memref<10000x128xf32, #tpu.memory_space<vmem_shared>>
        tpu.wait_indirect_dma semaphore(%run_scoped3A : memref<!tpu.dma_semaphore, #tpu.memory_space<semaphore_mem>>) src(%arg12 : memref<80x128xf32, #tpu.memory_space<vmem>>) dst(%dma_wait3A_142 : memref<10000x128xf32, #tpu.memory_space<vmem_shared>>)
        tpu.yield
      }) : () -> ()
      %lt3A = arith.constant 40 : i32
      %lt3A_133 = arith.cmpi slt, %scan3A_72, %lt3A : i32
      %convert_element_type3A_134 = arith.extui %lt3A_133 : i1 to i32
      %cond3A_135 = arith.constant 0 : i32
      %cond3A_136 = arith.cmpi ne, %convert_element_type3A_134, %cond3A_135 : i32
      scf.if %cond3A_136 {
        %add3A_137 = arith.constant 5 : i32
        %add3A_138 = arith.addi %mul3A_74, %add3A_137 : i32
        %dma_start3A_139 = arith.constant 0 : i32
        %dma_start3A_140 = tpu.memref_slice %arg6[%add3A_138, %dma_start3A_139] : memref<125x80xi32, #tpu.memory_space<vmem>> -> memref<1x80xi32, #tpu.memory_space<vmem>>
        %dma_start3A_141 = tpu.memref_squeeze %dma_start3A_140 : memref<1x80xi32, #tpu.memory_space<vmem>> -> memref<80xi32, #tpu.memory_space<vmem>>
        %dma_start3A_142 = arith.constant 0 : i32
        %dma_start3A_143 = arith.constant 0 : i32
        %dma_start3A_144 = tpu.memref_slice %arg2[%dma_start3A_142, %dma_start3A_143] : memref<10000x128xf32, #tpu.memory_space<hbm>> -> memref<10000x128xf32, #tpu.memory_space<hbm>>
        tpu.enqueue_indirect_dma source(%dma_start3A_144 : memref<10000x128xf32, #tpu.memory_space<hbm>>) target(%arg12 : memref<80x128xf32, #tpu.memory_space<vmem>>) offsets(%dma_start3A_141 : memref<80xi32, #tpu.memory_space<vmem>>) semaphore(%arg16 : memref<!tpu.dma_semaphore, #tpu.memory_space<semaphore_mem>>)
        %mul3A_145 = arith.constant 80 : i32
        %mul3A_146 = arith.muli %add3A_138, %mul3A_145 : i32
        %add3A_147 = arith.addi %mul3A_6, %mul3A_146 : i32
        %multiple_of3A_148 = tpu.assume_multiple %add3A_147, 8 : i32
        %dma_start3A_149 = tpu.memref_slice %arg4[%multiple_of3A_148] : memref<320000xi32, #tpu.memory_space<hbm>> -> memref<80xi32, #tpu.memory_space<hbm>>
        %dma_start3A_150 = tpu.memref_slice %arg4[%multiple_of3A_148] : memref<320000xi32, #tpu.memory_space<hbm>> -> memref<80xi32, #tpu.memory_space<hbm>>
        tpu.enqueue_dma source(%dma_start3A_150 : memref<80xi32, #tpu.memory_space<hbm>>) target(%arg9 : memref<80xi32, #tpu.memory_space<vmem>>) target_semaphore(%arg19 : memref<!tpu.dma_semaphore, #tpu.memory_space<semaphore_mem>>)
      } else {
      }
    }
    %scan3A_46 = arith.constant 41 : i32
    %dma_wait3A = arith.constant 0 : i32
    %dma_wait3A_47 = arith.constant 0 : i32
    %dma_wait3A_48 = tpu.memref_slice %arg2[%dma_wait3A, %dma_wait3A_47] : memref<10000x128xf32, #tpu.memory_space<hbm>> -> memref<80x128xf32, #tpu.memory_space<hbm>>
    %dma_wait3A_49 = arith.constant 0 : i32
    %dma_wait3A_50 = arith.constant 0 : i32
    %dma_wait3A_51 = tpu.memref_slice %arg2[%dma_wait3A_49, %dma_wait3A_50] : memref<10000x128xf32, #tpu.memory_space<hbm>> -> memref<80x128xf32, #tpu.memory_space<hbm>>
    tpu.wait_dma2 semaphore(%arg14 : memref<!tpu.dma_semaphore, #tpu.memory_space<semaphore_mem>>) src(%dma_wait3A_51 : memref<80x128xf32, #tpu.memory_space<hbm>>) dst(%arg10 : memref<80x128xf32, #tpu.memory_space<vmem>>)
    %dma_wait3A_52 = arith.constant 0 : i32
    %dma_wait3A_53 = tpu.memref_slice %arg4[%dma_wait3A_52] : memref<320000xi32, #tpu.memory_space<hbm>> -> memref<80xi32, #tpu.memory_space<hbm>>
    %dma_wait3A_54 = arith.constant 0 : i32
    %dma_wait3A_55 = tpu.memref_slice %arg4[%dma_wait3A_54] : memref<320000xi32, #tpu.memory_space<hbm>> -> memref<80xi32, #tpu.memory_space<hbm>>
    tpu.wait_dma2 semaphore(%arg17 : memref<!tpu.dma_semaphore, #tpu.memory_space<semaphore_mem>>) src(%dma_wait3A_55 : memref<80xi32, #tpu.memory_space<hbm>>) dst(%arg7 : memref<80xi32, #tpu.memory_space<vmem>>)
    "tpu.region"() ({
      %run_scoped3A = tpu.sem_alloc : memref<!tpu.dma_semaphore, #tpu.memory_space<semaphore_mem>>
      %dma_start3A_72 = arith.constant 0 : i32
      %dma_start3A_73 = arith.constant 0 : i32
      %dma_start3A_74 = tpu.memref_slice %arg13[%dma_start3A_72, %dma_start3A_73] : memref<10000x128xf32, #tpu.memory_space<vmem_shared>> -> memref<10000x128xf32, #tpu.memory_space<vmem_shared>>
      tpu.enqueue_indirect_dma source(%arg10 : memref<80x128xf32, #tpu.memory_space<vmem>>) target(%dma_start3A_74 : memref<10000x128xf32, #tpu.memory_space<vmem_shared>>) offsets(%arg7 : memref<80xi32, #tpu.memory_space<vmem>>) semaphore(%run_scoped3A : memref<!tpu.dma_semaphore, #tpu.memory_space<semaphore_mem>>) {add = true}
      %dma_wait3A_75 = arith.constant 0 : i32
      %dma_wait3A_76 = arith.constant 0 : i32
      %dma_wait3A_77 = tpu.memref_slice %arg13[%dma_wait3A_75, %dma_wait3A_76] : memref<10000x128xf32, #tpu.memory_space<vmem_shared>> -> memref<10000x128xf32, #tpu.memory_space<vmem_shared>>
      tpu.wait_indirect_dma semaphore(%run_scoped3A : memref<!tpu.dma_semaphore, #tpu.memory_space<semaphore_mem>>) src(%arg10 : memref<80x128xf32, #tpu.memory_space<vmem>>) dst(%dma_wait3A_77 : memref<10000x128xf32, #tpu.memory_space<vmem_shared>>)
      tpu.yield
    }) : () -> ()
    %dma_wait3A_56 = arith.constant 0 : i32
    %dma_wait3A_57 = arith.constant 0 : i32
    %dma_wait3A_58 = tpu.memref_slice %arg2[%dma_wait3A_56, %dma_wait3A_57] : memref<10000x128xf32, #tpu.memory_space<hbm>> -> memref<80x128xf32, #tpu.memory_space<hbm>>
    %dma_wait3A_59 = arith.constant 0 : i32
    %dma_wait3A_60 = arith.constant 0 : i32
    %dma_wait3A_61 = tpu.memref_slice %arg2[%dma_wait3A_59, %dma_wait3A_60] : memref<10000x128xf32, #tpu.memory_space<hbm>> -> memref<80x128xf32, #tpu.memory_space<hbm>>
    tpu.wait_dma2 semaphore(%arg15 : memref<!tpu.dma_semaphore, #tpu.memory_space<semaphore_mem>>) src(%dma_wait3A_61 : memref<80x128xf32, #tpu.memory_space<hbm>>) dst(%arg11 : memref<80x128xf32, #tpu.memory_space<vmem>>)
    %dma_wait3A_62 = arith.constant 0 : i32
    %dma_wait3A_63 = tpu.memref_slice %arg4[%dma_wait3A_62] : memref<320000xi32, #tpu.memory_space<hbm>> -> memref<80xi32, #tpu.memory_space<hbm>>
    %dma_wait3A_64 = arith.constant 0 : i32
    %dma_wait3A_65 = tpu.memref_slice %arg4[%dma_wait3A_64] : memref<320000xi32, #tpu.memory_space<hbm>> -> memref<80xi32, #tpu.memory_space<hbm>>
    tpu.wait_dma2 semaphore(%arg18 : memref<!tpu.dma_semaphore, #tpu.memory_space<semaphore_mem>>) src(%dma_wait3A_65 : memref<80xi32, #tpu.memory_space<hbm>>) dst(%arg8 : memref<80xi32, #tpu.memory_space<vmem>>)
    "tpu.region"() ({
      %run_scoped3A = tpu.sem_alloc : memref<!tpu.dma_semaphore, #tpu.memory_space<semaphore_mem>>
      %dma_start3A_72 = arith.constant 0 : i32
      %dma_start3A_73 = arith.constant 0 : i32
      %dma_start3A_74 = tpu.memref_slice %arg13[%dma_start3A_72, %dma_start3A_73] : memref<10000x128xf32, #tpu.memory_space<vmem_shared>> -> memref<10000x128xf32, #tpu.memory_space<vmem_shared>>
      tpu.enqueue_indirect_dma source(%arg11 : memref<80x128xf32, #tpu.memory_space<vmem>>) target(%dma_start3A_74 : memref<10000x128xf32, #tpu.memory_space<vmem_shared>>) offsets(%arg8 : memref<80xi32, #tpu.memory_space<vmem>>) semaphore(%run_scoped3A : memref<!tpu.dma_semaphore, #tpu.memory_space<semaphore_mem>>) {add = true}
      %dma_wait3A_75 = arith.constant 0 : i32
      %dma_wait3A_76 = arith.constant 0 : i32
      %dma_wait3A_77 = tpu.memref_slice %arg13[%dma_wait3A_75, %dma_wait3A_76] : memref<10000x128xf32, #tpu.memory_space<vmem_shared>> -> memref<10000x128xf32, #tpu.memory_space<vmem_shared>>
      tpu.wait_indirect_dma semaphore(%run_scoped3A : memref<!tpu.dma_semaphore, #tpu.memory_space<semaphore_mem>>) src(%arg11 : memref<80x128xf32, #tpu.memory_space<vmem>>) dst(%dma_wait3A_77 : memref<10000x128xf32, #tpu.memory_space<vmem_shared>>)
      tpu.yield
    }) : () -> ()
    %barrier3A_66 = arith.constant 0 : index
    tpu.barrier barrier_id(%barrier3A_66)
    "tpu.region"() ({
      %run_scoped3A = tpu.sem_alloc : memref<!tpu.dma_semaphore, #tpu.memory_space<semaphore_mem>>
      %dma_start3A_72 = arith.constant 0 : i32
      %dma_start3A_73 = tpu.memref_slice %arg5[%arg0, %multiple_of3A, %dma_start3A_72] : memref<2x10000x128xf32, #tpu.memory_space<hbm>> -> memref<1x624x128xf32, #tpu.memory_space<hbm>>
      %dma_start3A_74 = tpu.memref_squeeze %dma_start3A_73 : memref<1x624x128xf32, #tpu.memory_space<hbm>> -> memref<624x128xf32, #tpu.memory_space<hbm>>
      %dma_start3A_75 = arith.constant 0 : i32
      %dma_start3A_76 = tpu.memref_slice %arg13[%multiple_of3A, %dma_start3A_75] : memref<10000x128xf32, #tpu.memory_space<vmem_shared>> -> memref<624x128xf32, #tpu.memory_space<vmem_shared>>
      tpu.enqueue_dma source(%dma_start3A_76 : memref<624x128xf32, #tpu.memory_space<vmem_shared>>) target(%dma_start3A_74 : memref<624x128xf32, #tpu.memory_space<hbm>>) target_semaphore(%run_scoped3A : memref<!tpu.dma_semaphore, #tpu.memory_space<semaphore_mem>>)
      %dma_wait3A_77 = arith.constant 0 : i32
      %dma_wait3A_78 = tpu.memref_slice %arg5[%arg0, %multiple_of3A, %dma_wait3A_77] : memref<2x10000x128xf32, #tpu.memory_space<hbm>> -> memref<1x624x128xf32, #tpu.memory_space<hbm>>
      %dma_wait3A_79 = tpu.memref_squeeze %dma_wait3A_78 : memref<1x624x128xf32, #tpu.memory_space<hbm>> -> memref<624x128xf32, #tpu.memory_space<hbm>>
      %dma_wait3A_80 = arith.constant 0 : i32
      %dma_wait3A_81 = tpu.memref_slice %arg13[%multiple_of3A, %dma_wait3A_80] : memref<10000x128xf32, #tpu.memory_space<vmem_shared>> -> memref<624x128xf32, #tpu.memory_space<vmem_shared>>
      tpu.wait_dma2 semaphore(%run_scoped3A : memref<!tpu.dma_semaphore, #tpu.memory_space<semaphore_mem>>) src(%dma_wait3A_81 : memref<624x128xf32, #tpu.memory_space<vmem_shared>>) dst(%dma_wait3A_79 : memref<624x128xf32, #tpu.memory_space<hbm>>)
      tpu.yield
    }) : () -> ()
    %eq3A_67 = arith.constant 15 : i32
    %eq3A_68 = arith.cmpi eq, %arg1, %eq3A_67 : i32
    %convert_element_type3A_69 = arith.extui %eq3A_68 : i1 to i32
    %cond3A_70 = arith.constant 0 : i32
    %cond3A_71 = arith.cmpi ne, %convert_element_type3A_69, %cond3A_70 : i32
    scf.if %cond3A_71 {
      "tpu.region"() ({
        %run_scoped3A = tpu.sem_alloc : memref<!tpu.dma_semaphore, #tpu.memory_space<semaphore_mem>>
        %dma_start3A_72 = arith.constant 9984 : i32
        %dma_start3A_73 = arith.constant 0 : i32
        %dma_start3A_74 = tpu.memref_slice %arg5[%arg0, %dma_start3A_72, %dma_start3A_73] : memref<2x10000x128xf32, #tpu.memory_space<hbm>> -> memref<1x16x128xf32, #tpu.memory_space<hbm>>
        %dma_start3A_75 = tpu.memref_squeeze %dma_start3A_74 : memref<1x16x128xf32, #tpu.memory_space<hbm>> -> memref<16x128xf32, #tpu.memory_space<hbm>>
        %dma_start3A_76 = arith.constant 9984 : i32
        %dma_start3A_77 = arith.constant 0 : i32
        %dma_start3A_78 = tpu.memref_slice %arg13[%dma_start3A_76, %dma_start3A_77] : memref<10000x128xf32, #tpu.memory_space<vmem_shared>> -> memref<16x128xf32, #tpu.memory_space<vmem_shared>>
        tpu.enqueue_dma source(%dma_start3A_78 : memref<16x128xf32, #tpu.memory_space<vmem_shared>>) target(%dma_start3A_75 : memref<16x128xf32, #tpu.memory_space<hbm>>) target_semaphore(%run_scoped3A : memref<!tpu.dma_semaphore, #tpu.memory_space<semaphore_mem>>)
        %dma_wait3A_79 = arith.constant 9984 : i32
        %dma_wait3A_80 = arith.constant 0 : i32
        %dma_wait3A_81 = tpu.memref_slice %arg5[%arg0, %dma_wait3A_79, %dma_wait3A_80] : memref<2x10000x128xf32, #tpu.memory_space<hbm>> -> memref<1x16x128xf32, #tpu.memory_space<hbm>>
        %dma_wait3A_82 = tpu.memref_squeeze %dma_wait3A_81 : memref<1x16x128xf32, #tpu.memory_space<hbm>> -> memref<16x128xf32, #tpu.memory_space<hbm>>
        %dma_wait3A_83 = arith.constant 9984 : i32
        %dma_wait3A_84 = arith.constant 0 : i32
        %dma_wait3A_85 = tpu.memref_slice %arg13[%dma_wait3A_83, %dma_wait3A_84] : memref<10000x128xf32, #tpu.memory_space<vmem_shared>> -> memref<16x128xf32, #tpu.memory_space<vmem_shared>>
        tpu.wait_dma2 semaphore(%run_scoped3A : memref<!tpu.dma_semaphore, #tpu.memory_space<semaphore_mem>>) src(%dma_wait3A_85 : memref<16x128xf32, #tpu.memory_space<vmem_shared>>) dst(%dma_wait3A_82 : memref<16x128xf32, #tpu.memory_space<hbm>>)
        tpu.yield
      }) : () -> ()
    } else {
    }
    return
  }
}

#map = affine_map<(d0, d1) -> (0, 0)>
#map1 = affine_map<(d0, d1) -> (0, 0, 0)>
#map2 = affine_map<(d0, d1) -> (0)>
module attributes {stable_mosaic.version = 14 : i64} {
  func.func @_scat_body(%arg0: i32, %arg1: i32, %arg2: memref<10000x128xf32, #tpu.memory_space<hbm>>, %arg3: memref<32x125x80xi32, #tpu.memory_space<hbm>>, %arg4: memref<320000xi32, #tpu.memory_space<hbm>>, %arg5: memref<2x10000x128xf32, #tpu.memory_space<hbm>>, %arg6: memref<125x80xi32, #tpu.memory_space<vmem>>, %arg7: memref<80xi32, #tpu.memory_space<vmem>>, %arg8: memref<80xi32, #tpu.memory_space<vmem>>, %arg9: memref<80xi32, #tpu.memory_space<vmem>>, %arg10: memref<80x128xf32, #tpu.memory_space<vmem>>, %arg11: memref<80x128xf32, #tpu.memory_space<vmem>>, %arg12: memref<80x128xf32, #tpu.memory_space<vmem>>, %arg13: memref<10000x128xf32, #tpu.memory_space<vmem_shared>>, %arg14: memref<!tpu.dma_semaphore, #tpu.memory_space<semaphore_mem>>, %arg15: memref<!tpu.dma_semaphore, #tpu.memory_space<semaphore_mem>>, %arg16: memref<!tpu.dma_semaphore, #tpu.memory_space<semaphore_mem>>, %arg17: memref<!tpu.dma_semaphore, #tpu.memory_space<semaphore_mem>>, %arg18: memref<!tpu.dma_semaphore, #tpu.memory_space<semaphore_mem>>, %arg19: memref<!tpu.dma_semaphore, #tpu.memory_space<semaphore_mem>>) attributes {dimension_semantics = [#tpu.dimension_semantics<core_parallel>, #tpu.dimension_semantics<subcore_parallel>], iteration_bounds = array<i64: 2, 16>, scalar_prefetch = 0 : i64, scratch_operands = 14 : i64, tpu.core_type = #tpu.core_type<sc_vector_subcore>, window_params = [{transform_indices = #map}, {transform_indices = #map1}, {transform_indices = #map2}, {transform_indices = #map1}]} {
    %mul3A = arith.constant 2 : i32
    %mul3A_0 = arith.muli %arg1, %mul3A : i32
    %add3A = arith.addi %mul3A_0, %arg0 : i32
    %mul3A_1 = arith.constant 624 : i32
    %mul3A_2 = arith.muli %arg1, %mul3A_1 : i32
    %multiple_of3A = tpu.assume_multiple %mul3A_2, 8 : i32
    "tpu.region"() ({
      %run_scoped3A = tpu.sem_alloc : memref<!tpu.dma_semaphore, #tpu.memory_space<semaphore_mem>>
      %dma_start3A_72 = arith.constant 0 : i32
      %dma_start3A_73 = tpu.memref_slice %arg13[%multiple_of3A, %dma_start3A_72] : memref<10000x128xf32, #tpu.memory_space<vmem_shared>> -> memref<624x128xf32, #tpu.memory_space<vmem_shared>>
      %dma_start3A_74 = arith.constant 0 : i32
      %dma_start3A_75 = tpu.memref_slice %arg2[%multiple_of3A, %dma_start3A_74] : memref<10000x128xf32, #tpu.memory_space<hbm>> -> memref<624x128xf32, #tpu.memory_space<hbm>>
      tpu.enqueue_dma source(%dma_start3A_75 : memref<624x128xf32, #tpu.memory_space<hbm>>) target(%dma_start3A_73 : memref<624x128xf32, #tpu.memory_space<vmem_shared>>) target_semaphore(%run_scoped3A : memref<!tpu.dma_semaphore, #tpu.memory_space<semaphore_mem>>)
      %dma_wait3A_76 = arith.constant 0 : i32
      %dma_wait3A_77 = tpu.memref_slice %arg13[%multiple_of3A, %dma_wait3A_76] : memref<10000x128xf32, #tpu.memory_space<vmem_shared>> -> memref<624x128xf32, #tpu.memory_space<vmem_shared>>
      %dma_wait3A_78 = arith.constant 0 : i32
      %dma_wait3A_79 = tpu.memref_slice %arg2[%multiple_of3A, %dma_wait3A_78] : memref<10000x128xf32, #tpu.memory_space<hbm>> -> memref<624x128xf32, #tpu.memory_space<hbm>>
      tpu.wait_dma2 semaphore(%run_scoped3A : memref<!tpu.dma_semaphore, #tpu.memory_space<semaphore_mem>>) src(%dma_wait3A_79 : memref<624x128xf32, #tpu.memory_space<hbm>>) dst(%dma_wait3A_77 : memref<624x128xf32, #tpu.memory_space<vmem_shared>>)
      tpu.yield
    }) : () -> ()
    %eq3A = arith.constant 15 : i32
    %eq3A_3 = arith.cmpi eq, %arg1, %eq3A : i32
    %convert_element_type3A = arith.extui %eq3A_3 : i1 to i32
    %cond3A = arith.constant 0 : i32
    %cond3A_4 = arith.cmpi ne, %convert_element_type3A, %cond3A : i32
    scf.if %cond3A_4 {
      "tpu.region"() ({
        %run_scoped3A = tpu.sem_alloc : memref<!tpu.dma_semaphore, #tpu.memory_space<semaphore_mem>>
        %dma_start3A_72 = arith.constant 9984 : i32
        %dma_start3A_73 = arith.constant 0 : i32
        %dma_start3A_74 = tpu.memref_slice %arg13[%dma_start3A_72, %dma_start3A_73] : memref<10000x128xf32, #tpu.memory_space<vmem_shared>> -> memref<16x128xf32, #tpu.memory_space<vmem_shared>>
        %dma_start3A_75 = arith.constant 9984 : i32
        %dma_start3A_76 = arith.constant 0 : i32
        %dma_start3A_77 = tpu.memref_slice %arg2[%dma_start3A_75, %dma_start3A_76] : memref<10000x128xf32, #tpu.memory_space<hbm>> -> memref<16x128xf32, #tpu.memory_space<hbm>>
        tpu.enqueue_dma source(%dma_start3A_77 : memref<16x128xf32, #tpu.memory_space<hbm>>) target(%dma_start3A_74 : memref<16x128xf32, #tpu.memory_space<vmem_shared>>) target_semaphore(%run_scoped3A : memref<!tpu.dma_semaphore, #tpu.memory_space<semaphore_mem>>)
        %dma_wait3A_78 = arith.constant 9984 : i32
        %dma_wait3A_79 = arith.constant 0 : i32
        %dma_wait3A_80 = tpu.memref_slice %arg13[%dma_wait3A_78, %dma_wait3A_79] : memref<10000x128xf32, #tpu.memory_space<vmem_shared>> -> memref<16x128xf32, #tpu.memory_space<vmem_shared>>
        %dma_wait3A_81 = arith.constant 9984 : i32
        %dma_wait3A_82 = arith.constant 0 : i32
        %dma_wait3A_83 = tpu.memref_slice %arg2[%dma_wait3A_81, %dma_wait3A_82] : memref<10000x128xf32, #tpu.memory_space<hbm>> -> memref<16x128xf32, #tpu.memory_space<hbm>>
        tpu.wait_dma2 semaphore(%run_scoped3A : memref<!tpu.dma_semaphore, #tpu.memory_space<semaphore_mem>>) src(%dma_wait3A_83 : memref<16x128xf32, #tpu.memory_space<hbm>>) dst(%dma_wait3A_80 : memref<16x128xf32, #tpu.memory_space<vmem_shared>>)
        tpu.yield
      }) : () -> ()
    } else {
    }
    "tpu.region"() ({
      %run_scoped3A = tpu.sem_alloc : memref<!tpu.dma_semaphore, #tpu.memory_space<semaphore_mem>>
      %dma_start3A_72 = arith.constant 0 : i32
      %dma_start3A_73 = arith.constant 0 : i32
      %dma_start3A_74 = tpu.memref_slice %arg3[%add3A, %dma_start3A_72, %dma_start3A_73] : memref<32x125x80xi32, #tpu.memory_space<hbm>> -> memref<1x125x80xi32, #tpu.memory_space<hbm>>
      %dma_start3A_75 = tpu.memref_squeeze %dma_start3A_74 : memref<1x125x80xi32, #tpu.memory_space<hbm>> -> memref<125x80xi32, #tpu.memory_space<hbm>>
      %dma_start3A_76 = arith.constant 0 : i32
      %dma_start3A_77 = arith.constant 0 : i32
      %dma_start3A_78 = tpu.memref_slice %arg3[%add3A, %dma_start3A_76, %dma_start3A_77] : memref<32x125x80xi32, #tpu.memory_space<hbm>> -> memref<1x125x80xi32, #tpu.memory_space<hbm>>
      %dma_start3A_79 = tpu.memref_squeeze %dma_start3A_78 : memref<1x125x80xi32, #tpu.memory_space<hbm>> -> memref<125x80xi32, #tpu.memory_space<hbm>>
      tpu.enqueue_dma source(%dma_start3A_79 : memref<125x80xi32, #tpu.memory_space<hbm>>) target(%arg6 : memref<125x80xi32, #tpu.memory_space<vmem>>) target_semaphore(%run_scoped3A : memref<!tpu.dma_semaphore, #tpu.memory_space<semaphore_mem>>)
      %dma_wait3A_80 = arith.constant 0 : i32
      %dma_wait3A_81 = arith.constant 0 : i32
      %dma_wait3A_82 = tpu.memref_slice %arg3[%add3A, %dma_wait3A_80, %dma_wait3A_81] : memref<32x125x80xi32, #tpu.memory_space<hbm>> -> memref<1x125x80xi32, #tpu.memory_space<hbm>>
      %dma_wait3A_83 = tpu.memref_squeeze %dma_wait3A_82 : memref<1x125x80xi32, #tpu.memory_space<hbm>> -> memref<125x80xi32, #tpu.memory_space<hbm>>
      %dma_wait3A_84 = arith.constant 0 : i32
      %dma_wait3A_85 = arith.constant 0 : i32
      %dma_wait3A_86 = tpu.memref_slice %arg3[%add3A, %dma_wait3A_84, %dma_wait3A_85] : memref<32x125x80xi32, #tpu.memory_space<hbm>> -> memref<1x125x80xi32, #tpu.memory_space<hbm>>
      %dma_wait3A_87 = tpu.memref_squeeze %dma_wait3A_86 : memref<1x125x80xi32, #tpu.memory_space<hbm>> -> memref<125x80xi32, #tpu.memory_space<hbm>>
      tpu.wait_dma2 semaphore(%run_scoped3A : memref<!tpu.dma_semaphore, #tpu.memory_space<semaphore_mem>>) src(%dma_wait3A_87 : memref<125x80xi32, #tpu.memory_space<hbm>>) dst(%arg6 : memref<125x80xi32, #tpu.memory_space<vmem>>)
      tpu.yield
    }) : () -> ()
    %barrier3A = arith.constant 0 : index
    tpu.barrier barrier_id(%barrier3A)
    %mul3A_5 = arith.constant 10000 : i32
    %mul3A_6 = arith.muli %add3A, %mul3A_5 : i32
    %dma_start3A = arith.constant 0 : i32
    %dma_start3A_7 = arith.constant 0 : i32
    %dma_start3A_8 = tpu.memref_slice %arg6[%dma_start3A, %dma_start3A_7] : memref<125x80xi32, #tpu.memory_space<vmem>> -> memref<1x80xi32, #tpu.memory_space<vmem>>
    %dma_start3A_9 = tpu.memref_squeeze %dma_start3A_8 : memref<1x80xi32, #tpu.memory_space<vmem>> -> memref<80xi32, #tpu.memory_space<vmem>>
    %dma_start3A_10 = arith.constant 0 : i32
    %dma_start3A_11 = arith.constant 0 : i32
    %dma_start3A_12 = tpu.memref_slice %arg2[%dma_start3A_10, %dma_start3A_11] : memref<10000x128xf32, #tpu.memory_space<hbm>> -> memref<10000x128xf32, #tpu.memory_space<hbm>>
    tpu.enqueue_indirect_dma source(%dma_start3A_12 : memref<10000x128xf32, #tpu.memory_space<hbm>>) target(%arg10 : memref<80x128xf32, #tpu.memory_space<vmem>>) offsets(%dma_start3A_9 : memref<80xi32, #tpu.memory_space<vmem>>) semaphore(%arg14 : memref<!tpu.dma_semaphore, #tpu.memory_space<semaphore_mem>>)
    %add3A_13 = arith.constant 0 : i32
    %add3A_14 = arith.addi %mul3A_6, %add3A_13 : i32
    %multiple_of3A_15 = tpu.assume_multiple %add3A_14, 8 : i32
    %dma_start3A_16 = tpu.memref_slice %arg4[%multiple_of3A_15] : memref<320000xi32, #tpu.memory_space<hbm>> -> memref<80xi32, #tpu.memory_space<hbm>>
    %dma_start3A_17 = tpu.memref_slice %arg4[%multiple_of3A_15] : memref<320000xi32, #tpu.memory_space<hbm>> -> memref<80xi32, #tpu.memory_space<hbm>>
    tpu.enqueue_dma source(%dma_start3A_17 : memref<80xi32, #tpu.memory_space<hbm>>) target(%arg7 : memref<80xi32, #tpu.memory_space<vmem>>) target_semaphore(%arg17 : memref<!tpu.dma_semaphore, #tpu.memory_space<semaphore_mem>>)
    %dma_start3A_18 = arith.constant 1 : i32
    %dma_start3A_19 = arith.constant 0 : i32
    %dma_start3A_20 = tpu.memref_slice %arg6[%dma_start3A_18, %dma_start3A_19] : memref<125x80xi32, #tpu.memory_space<vmem>> -> memref<1x80xi32, #tpu.memory_space<vmem>>
    %dma_start3A_21 = tpu.memref_squeeze %dma_start3A_20 : memref<1x80xi32, #tpu.memory_space<vmem>> -> memref<80xi32, #tpu.memory_space<vmem>>
    %dma_start3A_22 = arith.constant 0 : i32
    %dma_start3A_23 = arith.constant 0 : i32
    %dma_start3A_24 = tpu.memref_slice %arg2[%dma_start3A_22, %dma_start3A_23] : memref<10000x128xf32, #tpu.memory_space<hbm>> -> memref<10000x128xf32, #tpu.memory_space<hbm>>
    tpu.enqueue_indirect_dma source(%dma_start3A_24 : memref<10000x128xf32, #tpu.memory_space<hbm>>) target(%arg11 : memref<80x128xf32, #tpu.memory_space<vmem>>) offsets(%dma_start3A_21 : memref<80xi32, #tpu.memory_space<vmem>>) semaphore(%arg15 : memref<!tpu.dma_semaphore, #tpu.memory_space<semaphore_mem>>)
    %add3A_25 = arith.constant 80 : i32
    %add3A_26 = arith.addi %mul3A_6, %add3A_25 : i32
    %multiple_of3A_27 = tpu.assume_multiple %add3A_26, 8 : i32
    %dma_start3A_28 = tpu.memref_slice %arg4[%multiple_of3A_27] : memref<320000xi32, #tpu.memory_space<hbm>> -> memref<80xi32, #tpu.memory_space<hbm>>
    %dma_start3A_29 = tpu.memref_slice %arg4[%multiple_of3A_27] : memref<320000xi32, #tpu.memory_space<hbm>> -> memref<80xi32, #tpu.memory_space<hbm>>
    tpu.enqueue_dma source(%dma_start3A_29 : memref<80xi32, #tpu.memory_space<hbm>>) target(%arg8 : memref<80xi32, #tpu.memory_space<vmem>>) target_semaphore(%arg18 : memref<!tpu.dma_semaphore, #tpu.memory_space<semaphore_mem>>)
    %dma_start3A_30 = arith.constant 2 : i32
    %dma_start3A_31 = arith.constant 0 : i32
    %dma_start3A_32 = tpu.memref_slice %arg6[%dma_start3A_30, %dma_start3A_31] : memref<125x80xi32, #tpu.memory_space<vmem>> -> memref<1x80xi32, #tpu.memory_space<vmem>>
    %dma_start3A_33 = tpu.memref_squeeze %dma_start3A_32 : memref<1x80xi32, #tpu.memory_space<vmem>> -> memref<80xi32, #tpu.memory_space<vmem>>
    %dma_start3A_34 = arith.constant 0 : i32
    %dma_start3A_35 = arith.constant 0 : i32
    %dma_start3A_36 = tpu.memref_slice %arg2[%dma_start3A_34, %dma_start3A_35] : memref<10000x128xf32, #tpu.memory_space<hbm>> -> memref<10000x128xf32, #tpu.memory_space<hbm>>
    tpu.enqueue_indirect_dma source(%dma_start3A_36 : memref<10000x128xf32, #tpu.memory_space<hbm>>) target(%arg12 : memref<80x128xf32, #tpu.memory_space<vmem>>) offsets(%dma_start3A_33 : memref<80xi32, #tpu.memory_space<vmem>>) semaphore(%arg16 : memref<!tpu.dma_semaphore, #tpu.memory_space<semaphore_mem>>)
    %add3A_37 = arith.constant 160 : i32
    %add3A_38 = arith.addi %mul3A_6, %add3A_37 : i32
    %multiple_of3A_39 = tpu.assume_multiple %add3A_38, 8 : i32
    %dma_start3A_40 = tpu.memref_slice %arg4[%multiple_of3A_39] : memref<320000xi32, #tpu.memory_space<hbm>> -> memref<80xi32, #tpu.memory_space<hbm>>
    %dma_start3A_41 = tpu.memref_slice %arg4[%multiple_of3A_39] : memref<320000xi32, #tpu.memory_space<hbm>> -> memref<80xi32, #tpu.memory_space<hbm>>
    tpu.enqueue_dma source(%dma_start3A_41 : memref<80xi32, #tpu.memory_space<hbm>>) target(%arg9 : memref<80xi32, #tpu.memory_space<vmem>>) target_semaphore(%arg19 : memref<!tpu.dma_semaphore, #tpu.memory_space<semaphore_mem>>)
    %scan3A = arith.constant 0 : i32
    %scan3A_42 = arith.constant 0 : i32
    %scan3A_43 = arith.constant 41 : i32
    %scan3A_44 = arith.addi %scan3A_42, %scan3A_43 : i32
    %scan3A_45 = arith.constant 1 : i32
    scf.for %scan3A_72 = %scan3A_42 to %scan3A_44 step %scan3A_45  : i32 {
      %mul3A_73 = arith.constant 3 : i32
      %mul3A_74 = arith.muli %scan3A_72, %mul3A_73 : i32
      %dma_wait3A_75 = arith.constant 0 : i32
      %dma_wait3A_76 = arith.constant 0 : i32
      %dma_wait3A_77 = tpu.memref_slice %arg2[%dma_wait3A_75, %dma_wait3A_76] : memref<10000x128xf32, #tpu.memory_space<hbm>> -> memref<80x128xf32, #tpu.memory_space<hbm>>
      %dma_wait3A_78 = arith.constant 0 : i32
      %dma_wait3A_79 = arith.constant 0 : i32
      %dma_wait3A_80 = tpu.memref_slice %arg2[%dma_wait3A_78, %dma_wait3A_79] : memref<10000x128xf32, #tpu.memory_space<hbm>> -> memref<80x128xf32, #tpu.memory_space<hbm>>
      tpu.wait_dma2 semaphore(%arg14 : memref<!tpu.dma_semaphore, #tpu.memory_space<semaphore_mem>>) src(%dma_wait3A_80 : memref<80x128xf32, #tpu.memory_space<hbm>>) dst(%arg10 : memref<80x128xf32, #tpu.memory_space<vmem>>)
      %dma_wait3A_81 = arith.constant 0 : i32
      %dma_wait3A_82 = tpu.memref_slice %arg4[%dma_wait3A_81] : memref<320000xi32, #tpu.memory_space<hbm>> -> memref<80xi32, #tpu.memory_space<hbm>>
      %dma_wait3A_83 = arith.constant 0 : i32
      %dma_wait3A_84 = tpu.memref_slice %arg4[%dma_wait3A_83] : memref<320000xi32, #tpu.memory_space<hbm>> -> memref<80xi32, #tpu.memory_space<hbm>>
      tpu.wait_dma2 semaphore(%arg17 : memref<!tpu.dma_semaphore, #tpu.memory_space<semaphore_mem>>) src(%dma_wait3A_84 : memref<80xi32, #tpu.memory_space<hbm>>) dst(%arg7 : memref<80xi32, #tpu.memory_space<vmem>>)
      "tpu.region"() ({
        %run_scoped3A = tpu.sem_alloc : memref<!tpu.dma_semaphore, #tpu.memory_space<semaphore_mem>>
        %dma_start3A_137 = arith.constant 0 : i32
        %dma_start3A_138 = arith.constant 0 : i32
        %dma_start3A_139 = tpu.memref_slice %arg13[%dma_start3A_137, %dma_start3A_138] : memref<10000x128xf32, #tpu.memory_space<vmem_shared>> -> memref<10000x128xf32, #tpu.memory_space<vmem_shared>>
        tpu.enqueue_indirect_dma source(%arg10 : memref<80x128xf32, #tpu.memory_space<vmem>>) target(%dma_start3A_139 : memref<10000x128xf32, #tpu.memory_space<vmem_shared>>) offsets(%arg7 : memref<80xi32, #tpu.memory_space<vmem>>) semaphore(%run_scoped3A : memref<!tpu.dma_semaphore, #tpu.memory_space<semaphore_mem>>) {add = true}
        %dma_wait3A_140 = arith.constant 0 : i32
        %dma_wait3A_141 = arith.constant 0 : i32
        %dma_wait3A_142 = tpu.memref_slice %arg13[%dma_wait3A_140, %dma_wait3A_141] : memref<10000x128xf32, #tpu.memory_space<vmem_shared>> -> memref<10000x128xf32, #tpu.memory_space<vmem_shared>>
        tpu.wait_indirect_dma semaphore(%run_scoped3A : memref<!tpu.dma_semaphore, #tpu.memory_space<semaphore_mem>>) src(%arg10 : memref<80x128xf32, #tpu.memory_space<vmem>>) dst(%dma_wait3A_142 : memref<10000x128xf32, #tpu.memory_space<vmem_shared>>)
        tpu.yield
      }) : () -> ()
      %add3A_85 = arith.constant 3 : i32
      %add3A_86 = arith.addi %mul3A_74, %add3A_85 : i32
      %dma_start3A_87 = arith.constant 0 : i32
      %dma_start3A_88 = tpu.memref_slice %arg6[%add3A_86, %dma_start3A_87] : memref<125x80xi32, #tpu.memory_space<vmem>> -> memref<1x80xi32, #tpu.memory_space<vmem>>
      %dma_start3A_89 = tpu.memref_squeeze %dma_start3A_88 : memref<1x80xi32, #tpu.memory_space<vmem>> -> memref<80xi32, #tpu.memory_space<vmem>>
      %dma_start3A_90 = arith.constant 0 : i32
      %dma_start3A_91 = arith.constant 0 : i32
      %dma_start3A_92 = tpu.memref_slice %arg2[%dma_start3A_90, %dma_start3A_91] : memref<10000x128xf32, #tpu.memory_space<hbm>> -> memref<10000x128xf32, #tpu.memory_space<hbm>>
      tpu.enqueue_indirect_dma source(%dma_start3A_92 : memref<10000x128xf32, #tpu.memory_space<hbm>>) target(%arg10 : memref<80x128xf32, #tpu.memory_space<vmem>>) offsets(%dma_start3A_89 : memref<80xi32, #tpu.memory_space<vmem>>) semaphore(%arg14 : memref<!tpu.dma_semaphore, #tpu.memory_space<semaphore_mem>>)
      %mul3A_93 = arith.constant 80 : i32
      %mul3A_94 = arith.muli %add3A_86, %mul3A_93 : i32
      %add3A_95 = arith.addi %mul3A_6, %mul3A_94 : i32
      %multiple_of3A_96 = tpu.assume_multiple %add3A_95, 8 : i32
      %dma_start3A_97 = tpu.memref_slice %arg4[%multiple_of3A_96] : memref<320000xi32, #tpu.memory_space<hbm>> -> memref<80xi32, #tpu.memory_space<hbm>>
      %dma_start3A_98 = tpu.memref_slice %arg4[%multiple_of3A_96] : memref<320000xi32, #tpu.memory_space<hbm>> -> memref<80xi32, #tpu.memory_space<hbm>>
      tpu.enqueue_dma source(%dma_start3A_98 : memref<80xi32, #tpu.memory_space<hbm>>) target(%arg7 : memref<80xi32, #tpu.memory_space<vmem>>) target_semaphore(%arg17 : memref<!tpu.dma_semaphore, #tpu.memory_space<semaphore_mem>>)
      %dma_wait3A_99 = arith.constant 0 : i32
      %dma_wait3A_100 = arith.constant 0 : i32
      %dma_wait3A_101 = tpu.memref_slice %arg2[%dma_wait3A_99, %dma_wait3A_100] : memref<10000x128xf32, #tpu.memory_space<hbm>> -> memref<80x128xf32, #tpu.memory_space<hbm>>
      %dma_wait3A_102 = arith.constant 0 : i32
      %dma_wait3A_103 = arith.constant 0 : i32
      %dma_wait3A_104 = tpu.memref_slice %arg2[%dma_wait3A_102, %dma_wait3A_103] : memref<10000x128xf32, #tpu.memory_space<hbm>> -> memref<80x128xf32, #tpu.memory_space<hbm>>
      tpu.wait_dma2 semaphore(%arg15 : memref<!tpu.dma_semaphore, #tpu.memory_space<semaphore_mem>>) src(%dma_wait3A_104 : memref<80x128xf32, #tpu.memory_space<hbm>>) dst(%arg11 : memref<80x128xf32, #tpu.memory_space<vmem>>)
      %dma_wait3A_105 = arith.constant 0 : i32
      %dma_wait3A_106 = tpu.memref_slice %arg4[%dma_wait3A_105] : memref<320000xi32, #tpu.memory_space<hbm>> -> memref<80xi32, #tpu.memory_space<hbm>>
      %dma_wait3A_107 = arith.constant 0 : i32
      %dma_wait3A_108 = tpu.memref_slice %arg4[%dma_wait3A_107] : memref<320000xi32, #tpu.memory_space<hbm>> -> memref<80xi32, #tpu.memory_space<hbm>>
      tpu.wait_dma2 semaphore(%arg18 : memref<!tpu.dma_semaphore, #tpu.memory_space<semaphore_mem>>) src(%dma_wait3A_108 : memref<80xi32, #tpu.memory_space<hbm>>) dst(%arg8 : memref<80xi32, #tpu.memory_space<vmem>>)
      "tpu.region"() ({
        %run_scoped3A = tpu.sem_alloc : memref<!tpu.dma_semaphore, #tpu.memory_space<semaphore_mem>>
        %dma_start3A_137 = arith.constant 0 : i32
        %dma_start3A_138 = arith.constant 0 : i32
        %dma_start3A_139 = tpu.memref_slice %arg13[%dma_start3A_137, %dma_start3A_138] : memref<10000x128xf32, #tpu.memory_space<vmem_shared>> -> memref<10000x128xf32, #tpu.memory_space<vmem_shared>>
        tpu.enqueue_indirect_dma source(%arg11 : memref<80x128xf32, #tpu.memory_space<vmem>>) target(%dma_start3A_139 : memref<10000x128xf32, #tpu.memory_space<vmem_shared>>) offsets(%arg8 : memref<80xi32, #tpu.memory_space<vmem>>) semaphore(%run_scoped3A : memref<!tpu.dma_semaphore, #tpu.memory_space<semaphore_mem>>) {add = true}
        %dma_wait3A_140 = arith.constant 0 : i32
        %dma_wait3A_141 = arith.constant 0 : i32
        %dma_wait3A_142 = tpu.memref_slice %arg13[%dma_wait3A_140, %dma_wait3A_141] : memref<10000x128xf32, #tpu.memory_space<vmem_shared>> -> memref<10000x128xf32, #tpu.memory_space<vmem_shared>>
        tpu.wait_indirect_dma semaphore(%run_scoped3A : memref<!tpu.dma_semaphore, #tpu.memory_space<semaphore_mem>>) src(%arg11 : memref<80x128xf32, #tpu.memory_space<vmem>>) dst(%dma_wait3A_142 : memref<10000x128xf32, #tpu.memory_space<vmem_shared>>)
        tpu.yield
      }) : () -> ()
      %add3A_109 = arith.constant 4 : i32
      %add3A_110 = arith.addi %mul3A_74, %add3A_109 : i32
      %dma_start3A_111 = arith.constant 0 : i32
      %dma_start3A_112 = tpu.memref_slice %arg6[%add3A_110, %dma_start3A_111] : memref<125x80xi32, #tpu.memory_space<vmem>> -> memref<1x80xi32, #tpu.memory_space<vmem>>
      %dma_start3A_113 = tpu.memref_squeeze %dma_start3A_112 : memref<1x80xi32, #tpu.memory_space<vmem>> -> memref<80xi32, #tpu.memory_space<vmem>>
      %dma_start3A_114 = arith.constant 0 : i32
      %dma_start3A_115 = arith.constant 0 : i32
      %dma_start3A_116 = tpu.memref_slice %arg2[%dma_start3A_114, %dma_start3A_115] : memref<10000x128xf32, #tpu.memory_space<hbm>> -> memref<10000x128xf32, #tpu.memory_space<hbm>>
      tpu.enqueue_indirect_dma source(%dma_start3A_116 : memref<10000x128xf32, #tpu.memory_space<hbm>>) target(%arg11 : memref<80x128xf32, #tpu.memory_space<vmem>>) offsets(%dma_start3A_113 : memref<80xi32, #tpu.memory_space<vmem>>) semaphore(%arg15 : memref<!tpu.dma_semaphore, #tpu.memory_space<semaphore_mem>>)
      %mul3A_117 = arith.constant 80 : i32
      %mul3A_118 = arith.muli %add3A_110, %mul3A_117 : i32
      %add3A_119 = arith.addi %mul3A_6, %mul3A_118 : i32
      %multiple_of3A_120 = tpu.assume_multiple %add3A_119, 8 : i32
      %dma_start3A_121 = tpu.memref_slice %arg4[%multiple_of3A_120] : memref<320000xi32, #tpu.memory_space<hbm>> -> memref<80xi32, #tpu.memory_space<hbm>>
      %dma_start3A_122 = tpu.memref_slice %arg4[%multiple_of3A_120] : memref<320000xi32, #tpu.memory_space<hbm>> -> memref<80xi32, #tpu.memory_space<hbm>>
      tpu.enqueue_dma source(%dma_start3A_122 : memref<80xi32, #tpu.memory_space<hbm>>) target(%arg8 : memref<80xi32, #tpu.memory_space<vmem>>) target_semaphore(%arg18 : memref<!tpu.dma_semaphore, #tpu.memory_space<semaphore_mem>>)
      %dma_wait3A_123 = arith.constant 0 : i32
      %dma_wait3A_124 = arith.constant 0 : i32
      %dma_wait3A_125 = tpu.memref_slice %arg2[%dma_wait3A_123, %dma_wait3A_124] : memref<10000x128xf32, #tpu.memory_space<hbm>> -> memref<80x128xf32, #tpu.memory_space<hbm>>
      %dma_wait3A_126 = arith.constant 0 : i32
      %dma_wait3A_127 = arith.constant 0 : i32
      %dma_wait3A_128 = tpu.memref_slice %arg2[%dma_wait3A_126, %dma_wait3A_127] : memref<10000x128xf32, #tpu.memory_space<hbm>> -> memref<80x128xf32, #tpu.memory_space<hbm>>
      tpu.wait_dma2 semaphore(%arg16 : memref<!tpu.dma_semaphore, #tpu.memory_space<semaphore_mem>>) src(%dma_wait3A_128 : memref<80x128xf32, #tpu.memory_space<hbm>>) dst(%arg12 : memref<80x128xf32, #tpu.memory_space<vmem>>)
      %dma_wait3A_129 = arith.constant 0 : i32
      %dma_wait3A_130 = tpu.memref_slice %arg4[%dma_wait3A_129] : memref<320000xi32, #tpu.memory_space<hbm>> -> memref<80xi32, #tpu.memory_space<hbm>>
      %dma_wait3A_131 = arith.constant 0 : i32
      %dma_wait3A_132 = tpu.memref_slice %arg4[%dma_wait3A_131] : memref<320000xi32, #tpu.memory_space<hbm>> -> memref<80xi32, #tpu.memory_space<hbm>>
      tpu.wait_dma2 semaphore(%arg19 : memref<!tpu.dma_semaphore, #tpu.memory_space<semaphore_mem>>) src(%dma_wait3A_132 : memref<80xi32, #tpu.memory_space<hbm>>) dst(%arg9 : memref<80xi32, #tpu.memory_space<vmem>>)
      "tpu.region"() ({
        %run_scoped3A = tpu.sem_alloc : memref<!tpu.dma_semaphore, #tpu.memory_space<semaphore_mem>>
        %dma_start3A_137 = arith.constant 0 : i32
        %dma_start3A_138 = arith.constant 0 : i32
        %dma_start3A_139 = tpu.memref_slice %arg13[%dma_start3A_137, %dma_start3A_138] : memref<10000x128xf32, #tpu.memory_space<vmem_shared>> -> memref<10000x128xf32, #tpu.memory_space<vmem_shared>>
        tpu.enqueue_indirect_dma source(%arg12 : memref<80x128xf32, #tpu.memory_space<vmem>>) target(%dma_start3A_139 : memref<10000x128xf32, #tpu.memory_space<vmem_shared>>) offsets(%arg9 : memref<80xi32, #tpu.memory_space<vmem>>) semaphore(%run_scoped3A : memref<!tpu.dma_semaphore, #tpu.memory_space<semaphore_mem>>) {add = true}
        %dma_wait3A_140 = arith.constant 0 : i32
        %dma_wait3A_141 = arith.constant 0 : i32
        %dma_wait3A_142 = tpu.memref_slice %arg13[%dma_wait3A_140, %dma_wait3A_141] : memref<10000x128xf32, #tpu.memory_space<vmem_shared>> -> memref<10000x128xf32, #tpu.memory_space<vmem_shared>>
        tpu.wait_indirect_dma semaphore(%run_scoped3A : memref<!tpu.dma_semaphore, #tpu.memory_space<semaphore_mem>>) src(%arg12 : memref<80x128xf32, #tpu.memory_space<vmem>>) dst(%dma_wait3A_142 : memref<10000x128xf32, #tpu.memory_space<vmem_shared>>)
        tpu.yield
      }) : () -> ()
      %lt3A = arith.constant 40 : i32
      %lt3A_133 = arith.cmpi slt, %scan3A_72, %lt3A : i32
      %convert_element_type3A_134 = arith.extui %lt3A_133 : i1 to i32
      %cond3A_135 = arith.constant 0 : i32
      %cond3A_136 = arith.cmpi ne, %convert_element_type3A_134, %cond3A_135 : i32
      scf.if %cond3A_136 {
        %add3A_137 = arith.constant 5 : i32
        %add3A_138 = arith.addi %mul3A_74, %add3A_137 : i32
        %dma_start3A_139 = arith.constant 0 : i32
        %dma_start3A_140 = tpu.memref_slice %arg6[%add3A_138, %dma_start3A_139] : memref<125x80xi32, #tpu.memory_space<vmem>> -> memref<1x80xi32, #tpu.memory_space<vmem>>
        %dma_start3A_141 = tpu.memref_squeeze %dma_start3A_140 : memref<1x80xi32, #tpu.memory_space<vmem>> -> memref<80xi32, #tpu.memory_space<vmem>>
        %dma_start3A_142 = arith.constant 0 : i32
        %dma_start3A_143 = arith.constant 0 : i32
        %dma_start3A_144 = tpu.memref_slice %arg2[%dma_start3A_142, %dma_start3A_143] : memref<10000x128xf32, #tpu.memory_space<hbm>> -> memref<10000x128xf32, #tpu.memory_space<hbm>>
        tpu.enqueue_indirect_dma source(%dma_start3A_144 : memref<10000x128xf32, #tpu.memory_space<hbm>>) target(%arg12 : memref<80x128xf32, #tpu.memory_space<vmem>>) offsets(%dma_start3A_141 : memref<80xi32, #tpu.memory_space<vmem>>) semaphore(%arg16 : memref<!tpu.dma_semaphore, #tpu.memory_space<semaphore_mem>>)
        %mul3A_145 = arith.constant 80 : i32
        %mul3A_146 = arith.muli %add3A_138, %mul3A_145 : i32
        %add3A_147 = arith.addi %mul3A_6, %mul3A_146 : i32
        %multiple_of3A_148 = tpu.assume_multiple %add3A_147, 8 : i32
        %dma_start3A_149 = tpu.memref_slice %arg4[%multiple_of3A_148] : memref<320000xi32, #tpu.memory_space<hbm>> -> memref<80xi32, #tpu.memory_space<hbm>>
        %dma_start3A_150 = tpu.memref_slice %arg4[%multiple_of3A_148] : memref<320000xi32, #tpu.memory_space<hbm>> -> memref<80xi32, #tpu.memory_space<hbm>>
        tpu.enqueue_dma source(%dma_start3A_150 : memref<80xi32, #tpu.memory_space<hbm>>) target(%arg9 : memref<80xi32, #tpu.memory_space<vmem>>) target_semaphore(%arg19 : memref<!tpu.dma_semaphore, #tpu.memory_space<semaphore_mem>>)
      } else {
      }
    }
    %scan3A_46 = arith.constant 41 : i32
    %dma_wait3A = arith.constant 0 : i32
    %dma_wait3A_47 = arith.constant 0 : i32
    %dma_wait3A_48 = tpu.memref_slice %arg2[%dma_wait3A, %dma_wait3A_47] : memref<10000x128xf32, #tpu.memory_space<hbm>> -> memref<80x128xf32, #tpu.memory_space<hbm>>
    %dma_wait3A_49 = arith.constant 0 : i32
    %dma_wait3A_50 = arith.constant 0 : i32
    %dma_wait3A_51 = tpu.memref_slice %arg2[%dma_wait3A_49, %dma_wait3A_50] : memref<10000x128xf32, #tpu.memory_space<hbm>> -> memref<80x128xf32, #tpu.memory_space<hbm>>
    tpu.wait_dma2 semaphore(%arg14 : memref<!tpu.dma_semaphore, #tpu.memory_space<semaphore_mem>>) src(%dma_wait3A_51 : memref<80x128xf32, #tpu.memory_space<hbm>>) dst(%arg10 : memref<80x128xf32, #tpu.memory_space<vmem>>)
    %dma_wait3A_52 = arith.constant 0 : i32
    %dma_wait3A_53 = tpu.memref_slice %arg4[%dma_wait3A_52] : memref<320000xi32, #tpu.memory_space<hbm>> -> memref<80xi32, #tpu.memory_space<hbm>>
    %dma_wait3A_54 = arith.constant 0 : i32
    %dma_wait3A_55 = tpu.memref_slice %arg4[%dma_wait3A_54] : memref<320000xi32, #tpu.memory_space<hbm>> -> memref<80xi32, #tpu.memory_space<hbm>>
    tpu.wait_dma2 semaphore(%arg17 : memref<!tpu.dma_semaphore, #tpu.memory_space<semaphore_mem>>) src(%dma_wait3A_55 : memref<80xi32, #tpu.memory_space<hbm>>) dst(%arg7 : memref<80xi32, #tpu.memory_space<vmem>>)
    "tpu.region"() ({
      %run_scoped3A = tpu.sem_alloc : memref<!tpu.dma_semaphore, #tpu.memory_space<semaphore_mem>>
      %dma_start3A_72 = arith.constant 0 : i32
      %dma_start3A_73 = arith.constant 0 : i32
      %dma_start3A_74 = tpu.memref_slice %arg13[%dma_start3A_72, %dma_start3A_73] : memref<10000x128xf32, #tpu.memory_space<vmem_shared>> -> memref<10000x128xf32, #tpu.memory_space<vmem_shared>>
      tpu.enqueue_indirect_dma source(%arg10 : memref<80x128xf32, #tpu.memory_space<vmem>>) target(%dma_start3A_74 : memref<10000x128xf32, #tpu.memory_space<vmem_shared>>) offsets(%arg7 : memref<80xi32, #tpu.memory_space<vmem>>) semaphore(%run_scoped3A : memref<!tpu.dma_semaphore, #tpu.memory_space<semaphore_mem>>) {add = true}
      %dma_wait3A_75 = arith.constant 0 : i32
      %dma_wait3A_76 = arith.constant 0 : i32
      %dma_wait3A_77 = tpu.memref_slice %arg13[%dma_wait3A_75, %dma_wait3A_76] : memref<10000x128xf32, #tpu.memory_space<vmem_shared>> -> memref<10000x128xf32, #tpu.memory_space<vmem_shared>>
      tpu.wait_indirect_dma semaphore(%run_scoped3A : memref<!tpu.dma_semaphore, #tpu.memory_space<semaphore_mem>>) src(%arg10 : memref<80x128xf32, #tpu.memory_space<vmem>>) dst(%dma_wait3A_77 : memref<10000x128xf32, #tpu.memory_space<vmem_shared>>)
      tpu.yield
    }) : () -> ()
    %dma_wait3A_56 = arith.constant 0 : i32
    %dma_wait3A_57 = arith.constant 0 : i32
    %dma_wait3A_58 = tpu.memref_slice %arg2[%dma_wait3A_56, %dma_wait3A_57] : memref<10000x128xf32, #tpu.memory_space<hbm>> -> memref<80x128xf32, #tpu.memory_space<hbm>>
    %dma_wait3A_59 = arith.constant 0 : i32
    %dma_wait3A_60 = arith.constant 0 : i32
    %dma_wait3A_61 = tpu.memref_slice %arg2[%dma_wait3A_59, %dma_wait3A_60] : memref<10000x128xf32, #tpu.memory_space<hbm>> -> memref<80x128xf32, #tpu.memory_space<hbm>>
    tpu.wait_dma2 semaphore(%arg15 : memref<!tpu.dma_semaphore, #tpu.memory_space<semaphore_mem>>) src(%dma_wait3A_61 : memref<80x128xf32, #tpu.memory_space<hbm>>) dst(%arg11 : memref<80x128xf32, #tpu.memory_space<vmem>>)
    %dma_wait3A_62 = arith.constant 0 : i32
    %dma_wait3A_63 = tpu.memref_slice %arg4[%dma_wait3A_62] : memref<320000xi32, #tpu.memory_space<hbm>> -> memref<80xi32, #tpu.memory_space<hbm>>
    %dma_wait3A_64 = arith.constant 0 : i32
    %dma_wait3A_65 = tpu.memref_slice %arg4[%dma_wait3A_64] : memref<320000xi32, #tpu.memory_space<hbm>> -> memref<80xi32, #tpu.memory_space<hbm>>
    tpu.wait_dma2 semaphore(%arg18 : memref<!tpu.dma_semaphore, #tpu.memory_space<semaphore_mem>>) src(%dma_wait3A_65 : memref<80xi32, #tpu.memory_space<hbm>>) dst(%arg8 : memref<80xi32, #tpu.memory_space<vmem>>)
    "tpu.region"() ({
      %run_scoped3A = tpu.sem_alloc : memref<!tpu.dma_semaphore, #tpu.memory_space<semaphore_mem>>
      %dma_start3A_72 = arith.constant 0 : i32
      %dma_start3A_73 = arith.constant 0 : i32
      %dma_start3A_74 = tpu.memref_slice %arg13[%dma_start3A_72, %dma_start3A_73] : memref<10000x128xf32, #tpu.memory_space<vmem_shared>> -> memref<10000x128xf32, #tpu.memory_space<vmem_shared>>
      tpu.enqueue_indirect_dma source(%arg11 : memref<80x128xf32, #tpu.memory_space<vmem>>) target(%dma_start3A_74 : memref<10000x128xf32, #tpu.memory_space<vmem_shared>>) offsets(%arg8 : memref<80xi32, #tpu.memory_space<vmem>>) semaphore(%run_scoped3A : memref<!tpu.dma_semaphore, #tpu.memory_space<semaphore_mem>>) {add = true}
      %dma_wait3A_75 = arith.constant 0 : i32
      %dma_wait3A_76 = arith.constant 0 : i32
      %dma_wait3A_77 = tpu.memref_slice %arg13[%dma_wait3A_75, %dma_wait3A_76] : memref<10000x128xf32, #tpu.memory_space<vmem_shared>> -> memref<10000x128xf32, #tpu.memory_space<vmem_shared>>
      tpu.wait_indirect_dma semaphore(%run_scoped3A : memref<!tpu.dma_semaphore, #tpu.memory_space<semaphore_mem>>) src(%arg11 : memref<80x128xf32, #tpu.memory_space<vmem>>) dst(%dma_wait3A_77 : memref<10000x128xf32, #tpu.memory_space<vmem_shared>>)
      tpu.yield
    }) : () -> ()
    %barrier3A_66 = arith.constant 0 : index
    tpu.barrier barrier_id(%barrier3A_66)
    "tpu.region"() ({
      %run_scoped3A = tpu.sem_alloc : memref<!tpu.dma_semaphore, #tpu.memory_space<semaphore_mem>>
      %dma_start3A_72 = arith.constant 0 : i32
      %dma_start3A_73 = tpu.memref_slice %arg5[%arg0, %multiple_of3A, %dma_start3A_72] : memref<2x10000x128xf32, #tpu.memory_space<hbm>> -> memref<1x624x128xf32, #tpu.memory_space<hbm>>
      %dma_start3A_74 = tpu.memref_squeeze %dma_start3A_73 : memref<1x624x128xf32, #tpu.memory_space<hbm>> -> memref<624x128xf32, #tpu.memory_space<hbm>>
      %dma_start3A_75 = arith.constant 0 : i32
      %dma_start3A_76 = tpu.memref_slice %arg13[%multiple_of3A, %dma_start3A_75] : memref<10000x128xf32, #tpu.memory_space<vmem_shared>> -> memref<624x128xf32, #tpu.memory_space<vmem_shared>>
      tpu.enqueue_dma source(%dma_start3A_76 : memref<624x128xf32, #tpu.memory_space<vmem_shared>>) target(%dma_start3A_74 : memref<624x128xf32, #tpu.memory_space<hbm>>) target_semaphore(%run_scoped3A : memref<!tpu.dma_semaphore, #tpu.memory_space<semaphore_mem>>)
      %dma_wait3A_77 = arith.constant 0 : i32
      %dma_wait3A_78 = tpu.memref_slice %arg5[%arg0, %multiple_of3A, %dma_wait3A_77] : memref<2x10000x128xf32, #tpu.memory_space<hbm>> -> memref<1x624x128xf32, #tpu.memory_space<hbm>>
      %dma_wait3A_79 = tpu.memref_squeeze %dma_wait3A_78 : memref<1x624x128xf32, #tpu.memory_space<hbm>> -> memref<624x128xf32, #tpu.memory_space<hbm>>
      %dma_wait3A_80 = arith.constant 0 : i32
      %dma_wait3A_81 = tpu.memref_slice %arg13[%multiple_of3A, %dma_wait3A_80] : memref<10000x128xf32, #tpu.memory_space<vmem_shared>> -> memref<624x128xf32, #tpu.memory_space<vmem_shared>>
      tpu.wait_dma2 semaphore(%run_scoped3A : memref<!tpu.dma_semaphore, #tpu.memory_space<semaphore_mem>>) src(%dma_wait3A_81 : memref<624x128xf32, #tpu.memory_space<vmem_shared>>) dst(%dma_wait3A_79 : memref<624x128xf32, #tpu.memory_space<hbm>>)
      tpu.yield
    }) : () -> ()
    %eq3A_67 = arith.constant 15 : i32
    %eq3A_68 = arith.cmpi eq, %arg1, %eq3A_67 : i32
    %convert_element_type3A_69 = arith.extui %eq3A_68 : i1 to i32
    %cond3A_70 = arith.constant 0 : i32
    %cond3A_71 = arith.cmpi ne, %convert_element_type3A_69, %cond3A_70 : i32
    scf.if %cond3A_71 {
      "tpu.region"() ({
        %run_scoped3A = tpu.sem_alloc : memref<!tpu.dma_semaphore, #tpu.memory_space<semaphore_mem>>
        %dma_start3A_72 = arith.constant 9984 : i32
        %dma_start3A_73 = arith.constant 0 : i32
        %dma_start3A_74 = tpu.memref_slice %arg5[%arg0, %dma_start3A_72, %dma_start3A_73] : memref<2x10000x128xf32, #tpu.memory_space<hbm>> -> memref<1x16x128xf32, #tpu.memory_space<hbm>>
        %dma_start3A_75 = tpu.memref_squeeze %dma_start3A_74 : memref<1x16x128xf32, #tpu.memory_space<hbm>> -> memref<16x128xf32, #tpu.memory_space<hbm>>
        %dma_start3A_76 = arith.constant 9984 : i32
        %dma_start3A_77 = arith.constant 0 : i32
        %dma_start3A_78 = tpu.memref_slice %arg13[%dma_start3A_76, %dma_start3A_77] : memref<10000x128xf32, #tpu.memory_space<vmem_shared>> -> memref<16x128xf32, #tpu.memory_space<vmem_shared>>
        tpu.enqueue_dma source(%dma_start3A_78 : memref<16x128xf32, #tpu.memory_space<vmem_shared>>) target(%dma_start3A_75 : memref<16x128xf32, #tpu.memory_space<hbm>>) target_semaphore(%run_scoped3A : memref<!tpu.dma_semaphore, #tpu.memory_space<semaphore_mem>>)
        %dma_wait3A_79 = arith.constant 9984 : i32
        %dma_wait3A_80 = arith.constant 0 : i32
        %dma_wait3A_81 = tpu.memref_slice %arg5[%arg0, %dma_wait3A_79, %dma_wait3A_80] : memref<2x10000x128xf32, #tpu.memory_space<hbm>> -> memref<1x16x128xf32, #tpu.memory_space<hbm>>
        %dma_wait3A_82 = tpu.memref_squeeze %dma_wait3A_81 : memref<1x16x128xf32, #tpu.memory_space<hbm>> -> memref<16x128xf32, #tpu.memory_space<hbm>>
        %dma_wait3A_83 = arith.constant 9984 : i32
        %dma_wait3A_84 = arith.constant 0 : i32
        %dma_wait3A_85 = tpu.memref_slice %arg13[%dma_wait3A_83, %dma_wait3A_84] : memref<10000x128xf32, #tpu.memory_space<vmem_shared>> -> memref<16x128xf32, #tpu.memory_space<vmem_shared>>
        tpu.wait_dma2 semaphore(%run_scoped3A : memref<!tpu.dma_semaphore, #tpu.memory_space<semaphore_mem>>) src(%dma_wait3A_85 : memref<16x128xf32, #tpu.memory_space<vmem_shared>>) dst(%dma_wait3A_82 : memref<16x128xf32, #tpu.memory_space<hbm>>)
        tpu.yield
      }) : () -> ()
    } else {
    }
    return
  }
}

module attributes {stable_mosaic.version = 14 : i64} {
  func.func @_prep_body(%arg0: i32, %arg1: memref<2x2000x1xf32, #tpu.memory_space<vmem>>, %arg2: memref<2000x128xf32, #tpu.memory_space<vmem>>, %arg3: memref<2000x1xf32, #tpu.memory_space<vmem>>, %arg4: memref<2000x128xf32, #tpu.memory_space<vmem>>) attributes {dimension_semantics = [#tpu.dimension_semantics<arbitrary>], iteration_bounds = array<i64: 5>, scalar_prefetch = 0 : i64, scratch_operands = 0 : i64, tpu.core_type = #tpu.core_type<tc>, window_params = [{transform_indices = @transform_0, window_bounds = array<i64: 2, 2000, 1>}, {transform_indices = @transform_1, window_bounds = array<i64: 2000, 128>}, {transform_indices = @transform_2, window_bounds = array<i64: 2000, 1>}, {transform_indices = @transform_3, window_bounds = array<i64: 2000, 128>}]} {
    %get3A = arith.constant 0 : index
    %get3A_0 = arith.constant 0 : index
    %get3A_1 = arith.constant 0 : index
    %get3A_2 = vector.load %arg1[%get3A, %get3A_0, %get3A_1] : memref<2x2000x1xf32, #tpu.memory_space<vmem>>, vector<1x2000x1xf32>
    %get3A_3 = vector.shape_cast %get3A_2 : vector<1x2000x1xf32> to vector<2000x1xf32>
    %get3A_4 = arith.constant 1 : index
    %get3A_5 = arith.constant 0 : index
    %get3A_6 = arith.constant 0 : index
    %get3A_7 = vector.load %arg1[%get3A_4, %get3A_5, %get3A_6] : memref<2x2000x1xf32, #tpu.memory_space<vmem>>, vector<1x2000x1xf32>
    %get3A_8 = vector.shape_cast %get3A_7 : vector<1x2000x1xf32> to vector<2000x1xf32>
    %add3A = arith.addf %get3A_3, %get3A_8 : vector<2000x1xf32>
    %add3A_9 = arith.constant 1.000000e+00 : f32
    %add3A_10 = vector.broadcast %add3A_9 : f32 to vector<2000x1xf32>
    %add3A_11 = arith.addf %add3A, %add3A_10 : vector<2000x1xf32>
    %rsqrt3A = math.rsqrt %add3A_11 : vector<2000x1xf32>
    %swap3A = arith.constant 0 : index
    %swap3A_12 = arith.constant 0 : index
    %swap3A_13 = vector.load %arg3[%swap3A, %swap3A_12] : memref<2000x1xf32, #tpu.memory_space<vmem>>, vector<2000x1xf32>
    tpu.vector_store %arg3[%swap3A, %swap3A_12], %rsqrt3A {strides = array<i32>} : memref<2000x1xf32, #tpu.memory_space<vmem>>, vector<2000x1xf32>,
    %get3A_14 = arith.constant 0 : index
    %get3A_15 = arith.constant 0 : index
    %get3A_16 = vector.load %arg2[%get3A_14, %get3A_15] : memref<2000x128xf32, #tpu.memory_space<vmem>>, vector<2000x128xf32>
    %mul3A = vector.broadcast %rsqrt3A : vector<2000x1xf32> to vector<2000x128xf32>
    %mul3A_17 = arith.mulf %get3A_16, %mul3A : vector<2000x128xf32>
    %swap3A_18 = arith.constant 0 : index
    %swap3A_19 = arith.constant 0 : index
    %swap3A_20 = vector.load %arg4[%swap3A_18, %swap3A_19] : memref<2000x128xf32, #tpu.memory_space<vmem>>, vector<2000x128xf32>
    tpu.vector_store %arg4[%swap3A_18, %swap3A_19], %mul3A_17 {strides = array<i32>} : memref<2000x128xf32, #tpu.memory_space<vmem>>, vector<2000x128xf32>,
    return
  }
  func.func @transform_0(%arg0: i32) -> (i32, i32, i32) {
    %c0_i32 = arith.constant 0 : i32
    %c0_i32_0 = arith.constant 0 : i32
    %c0_i32_1 = arith.constant 0 : i32
    return %c0_i32, %arg0, %c0_i32_0 : i32, i32, i32
  }
  func.func @transform_1(%arg0: i32) -> (i32, i32) {
    %c0_i32 = arith.constant 0 : i32
    %c0_i32_0 = arith.constant 0 : i32
    return %arg0, %c0_i32 : i32, i32
  }
  func.func @transform_2(%arg0: i32) -> (i32, i32) {
    %c0_i32 = arith.constant 0 : i32
    %c0_i32_0 = arith.constant 0 : i32
    return %arg0, %c0_i32 : i32, i32
  }
  func.func @transform_3(%arg0: i32) -> (i32, i32) {
    %c0_i32 = arith.constant 0 : i32
    %c0_i32_0 = arith.constant 0 : i32
    return %arg0, %c0_i32 : i32, i32
  }
}

module attributes {stable_mosaic.version = 14 : i64} {
  func.func @_layer1_body(%arg0: i32, %arg1: memref<2000x1xf32, #tpu.memory_space<vmem>>, %arg2: memref<2000x128xf32, #tpu.memory_space<vmem>>, %arg3: memref<2x2000x128xf32, #tpu.memory_space<vmem>>, %arg4: memref<2000x4xf32, #tpu.memory_space<vmem>>, %arg5: memref<3x4xf32, #tpu.memory_space<vmem>>, %arg6: memref<3x128x128xf32, #tpu.memory_space<vmem>>, %arg7: memref<3x128xf32, #tpu.memory_space<vmem>>, %arg8: memref<2000x128xf32, #tpu.memory_space<vmem>>) attributes {dimension_semantics = [#tpu.dimension_semantics<arbitrary>], iteration_bounds = array<i64: 5>, scalar_prefetch = 0 : i64, scratch_operands = 0 : i64, tpu.core_type = #tpu.core_type<tc>, window_params = [{transform_indices = @transform_0, window_bounds = array<i64: 2000, 1>}, {transform_indices = @transform_1, window_bounds = array<i64: 2000, 128>}, {transform_indices = @transform_2, window_bounds = array<i64: 2, 2000, 128>}, {transform_indices = @transform_3, window_bounds = array<i64: 2000, 4>}, {pipeline_mode = #tpu.pipeline_mode<synchronous>, transform_indices = @transform_4, window_bounds = array<i64: 3, 4>}, {pipeline_mode = #tpu.pipeline_mode<synchronous>, transform_indices = @transform_5, window_bounds = array<i64: 3, 128, 128>}, {pipeline_mode = #tpu.pipeline_mode<synchronous>, transform_indices = @transform_6, window_bounds = array<i64: 3, 128>}, {transform_indices = @transform_7, window_bounds = array<i64: 2000, 128>}]} {
    %get3A = arith.constant 0 : index
    %get3A_0 = arith.constant 0 : index
    %get3A_1 = vector.load %arg1[%get3A, %get3A_0] : memref<2000x1xf32, #tpu.memory_space<vmem>>, vector<2000x1xf32>
    %get3A_2 = arith.constant 0 : index
    %get3A_3 = arith.constant 0 : index
    %get3A_4 = arith.constant 0 : index
    %get3A_5 = vector.load %arg3[%get3A_2, %get3A_3, %get3A_4] : memref<2x2000x128xf32, #tpu.memory_space<vmem>>, vector<1x2000x128xf32>
    %get3A_6 = vector.shape_cast %get3A_5 : vector<1x2000x128xf32> to vector<2000x128xf32>
    %get3A_7 = arith.constant 1 : index
    %get3A_8 = arith.constant 0 : index
    %get3A_9 = arith.constant 0 : index
    %get3A_10 = vector.load %arg3[%get3A_7, %get3A_8, %get3A_9] : memref<2x2000x128xf32, #tpu.memory_space<vmem>>, vector<1x2000x128xf32>
    %get3A_11 = vector.shape_cast %get3A_10 : vector<1x2000x128xf32> to vector<2000x128xf32>
    %add3A = arith.addf %get3A_6, %get3A_11 : vector<2000x128xf32>
    %get3A_12 = arith.constant 0 : index
    %get3A_13 = arith.constant 0 : index
    %get3A_14 = vector.load %arg2[%get3A_12, %get3A_13] : memref<2000x128xf32, #tpu.memory_space<vmem>>, vector<2000x128xf32>
    %sub3A = arith.subf %add3A, %get3A_14 : vector<2000x128xf32>
    %mul3A = vector.broadcast %get3A_1 : vector<2000x1xf32> to vector<2000x128xf32>
    %mul3A_15 = arith.mulf %mul3A, %sub3A : vector<2000x128xf32>
    %get3A_16 = arith.constant 0 : index
    %get3A_17 = arith.constant 0 : index
    %get3A_18 = vector.load %arg4[%get3A_16, %get3A_17] : memref<2000x4xf32, #tpu.memory_space<vmem>>, vector<2000x4xf32>
    %get3A_19 = arith.constant 0 : index
    %get3A_20 = arith.constant 0 : index
    %get3A_21 = vector.load %arg5[%get3A_19, %get3A_20] : memref<3x4xf32, #tpu.memory_space<vmem>>, vector<3x4xf32>
    %dot_general3A = arith.constant dense<0.000000e+00> : vector<2000x3xf32>
    %dot_general3A_22 = tpu.matmul %get3A_18, %get3A_21, %dot_general3A {dimension_numbers = #tpu.dot_dimension_numbers<[1], [1], [0], [0], [0, 0, 1, 0], [], []>, transpose_lhs_hint = false} : vector<2000x4xf32>, vector<3x4xf32>, vector<2000x3xf32> -> vector<2000x3xf32>
    %mul3A_23 = arith.constant 9.900990e-03 : f32
    %mul3A_24 = vector.broadcast %mul3A_23 : f32 to vector<2000x3xf32>
    %mul3A_25 = arith.mulf %dot_general3A_22, %mul3A_24 : vector<2000x3xf32>
    %reduce_max3A = arith.constant dense<0xFF800000> : vector<2000xf32>
    %reduce_max3A_26 = vector.multi_reduction <maximumf>, %mul3A_25, %reduce_max3A [1] : vector<2000x3xf32> to vector<2000xf32>
    %broadcast_in_dim3A = vector.shape_cast %reduce_max3A_26 : vector<2000xf32> to vector<2000x1xf32>
    %sub3A_27 = vector.broadcast %broadcast_in_dim3A : vector<2000x1xf32> to vector<2000x3xf32>
    %sub3A_28 = arith.subf %mul3A_25, %sub3A_27 : vector<2000x3xf32>
    %exp3A = math.exp %sub3A_28 : vector<2000x3xf32>
    %reduce_sum3A = arith.constant dense<0.000000e+00> : vector<2000xf32>
    %reduce_sum3A_29 = vector.multi_reduction <add>, %exp3A, %reduce_sum3A [1] : vector<2000x3xf32> to vector<2000xf32>
    %broadcast_in_dim3A_30 = vector.shape_cast %reduce_sum3A_29 : vector<2000xf32> to vector<2000x1xf32>
    %div3A = vector.broadcast %broadcast_in_dim3A_30 : vector<2000x1xf32> to vector<2000x3xf32>
    %div3A_31 = arith.divf %exp3A, %div3A : vector<2000x3xf32>
    %broadcast_in_dim3A_32 = arith.constant 0.000000e+00 : f32
    %broadcast_in_dim3A_33 = vector.broadcast %broadcast_in_dim3A_32 : f32 to vector<2000x128xf32>
    %get3A_34 = arith.constant 0 : index
    %get3A_35 = arith.constant 0 : index
    %get3A_36 = arith.constant 0 : index
    %get3A_37 = vector.load %arg6[%get3A_34, %get3A_35, %get3A_36] : memref<3x128x128xf32, #tpu.memory_space<vmem>>, vector<1x128x128xf32>
    %get3A_38 = vector.shape_cast %get3A_37 : vector<1x128x128xf32> to vector<128x128xf32>
    %dot_general3A_39 = arith.constant dense<0.000000e+00> : vector<2000x128xf32>
    %dot_general3A_40 = tpu.matmul %mul3A_15, %get3A_38, %dot_general3A_39 {dimension_numbers = #tpu.dot_dimension_numbers<[1], [1], [0], [0], [0, 0, 1, 0], [], []>, transpose_lhs_hint = false} : vector<2000x128xf32>, vector<128x128xf32>, vector<2000x128xf32> -> vector<2000x128xf32>
    %get3A_41 = arith.constant 0 : index
    %get3A_42 = arith.constant 0 : index
    %get3A_43 = vector.load %arg7[%get3A_41, %get3A_42] : memref<3x128xf32, #tpu.memory_space<vmem>>, vector<1x128xf32>
    %get3A_44 = vector.shape_cast %get3A_43 : vector<1x128xf32> to vector<128xf32>
    %broadcast_in_dim3A_45 = vector.shape_cast %get3A_44 : vector<128xf32> to vector<1x128xf32>
    %add3A_46 = vector.broadcast %broadcast_in_dim3A_45 : vector<1x128xf32> to vector<2000x128xf32>
    %add3A_47 = arith.addf %dot_general3A_40, %add3A_46 : vector<2000x128xf32>
    %max3A = arith.constant 0.000000e+00 : f32
    %max3A_48 = vector.broadcast %max3A : f32 to vector<2000x128xf32>
    %max3A_49 = arith.maximumf %add3A_47, %max3A_48 : vector<2000x128xf32>
    %slice3A = vector.extract_strided_slice %div3A_31 {offsets = [0, 0], sizes = [2000, 1], strides = [1, 1]} : vector<2000x3xf32> to vector<2000x1xf32>
    %mul3A_50 = vector.broadcast %slice3A : vector<2000x1xf32> to vector<2000x128xf32>
    %mul3A_51 = arith.mulf %mul3A_50, %max3A_49 : vector<2000x128xf32>
    %add3A_52 = arith.addf %broadcast_in_dim3A_33, %mul3A_51 : vector<2000x128xf32>
    %get3A_53 = arith.constant 1 : index
    %get3A_54 = arith.constant 0 : index
    %get3A_55 = arith.constant 0 : index
    %get3A_56 = vector.load %arg6[%get3A_53, %get3A_54, %get3A_55] : memref<3x128x128xf32, #tpu.memory_space<vmem>>, vector<1x128x128xf32>
    %get3A_57 = vector.shape_cast %get3A_56 : vector<1x128x128xf32> to vector<128x128xf32>
    %dot_general3A_58 = arith.constant dense<0.000000e+00> : vector<2000x128xf32>
    %dot_general3A_59 = tpu.matmul %mul3A_15, %get3A_57, %dot_general3A_58 {dimension_numbers = #tpu.dot_dimension_numbers<[1], [1], [0], [0], [0, 0, 1, 0], [], []>, transpose_lhs_hint = false} : vector<2000x128xf32>, vector<128x128xf32>, vector<2000x128xf32> -> vector<2000x128xf32>
    %get3A_60 = arith.constant 1 : index
    %get3A_61 = arith.constant 0 : index
    %get3A_62 = vector.load %arg7[%get3A_60, %get3A_61] : memref<3x128xf32, #tpu.memory_space<vmem>>, vector<1x128xf32>
    %get3A_63 = vector.shape_cast %get3A_62 : vector<1x128xf32> to vector<128xf32>
    %broadcast_in_dim3A_64 = vector.shape_cast %get3A_63 : vector<128xf32> to vector<1x128xf32>
    %add3A_65 = vector.broadcast %broadcast_in_dim3A_64 : vector<1x128xf32> to vector<2000x128xf32>
    %add3A_66 = arith.addf %dot_general3A_59, %add3A_65 : vector<2000x128xf32>
    %max3A_67 = arith.constant 0.000000e+00 : f32
    %max3A_68 = vector.broadcast %max3A_67 : f32 to vector<2000x128xf32>
    %max3A_69 = arith.maximumf %add3A_66, %max3A_68 : vector<2000x128xf32>
    %slice3A_70 = vector.extract_strided_slice %div3A_31 {offsets = [0, 1], sizes = [2000, 1], strides = [1, 1]} : vector<2000x3xf32> to vector<2000x1xf32>
    %mul3A_71 = vector.broadcast %slice3A_70 : vector<2000x1xf32> to vector<2000x128xf32>
    %mul3A_72 = arith.mulf %mul3A_71, %max3A_69 : vector<2000x128xf32>
    %add3A_73 = arith.addf %add3A_52, %mul3A_72 : vector<2000x128xf32>
    %get3A_74 = arith.constant 2 : index
    %get3A_75 = arith.constant 0 : index
    %get3A_76 = arith.constant 0 : index
    %get3A_77 = vector.load %arg6[%get3A_74, %get3A_75, %get3A_76] : memref<3x128x128xf32, #tpu.memory_space<vmem>>, vector<1x128x128xf32>
    %get3A_78 = vector.shape_cast %get3A_77 : vector<1x128x128xf32> to vector<128x128xf32>
    %dot_general3A_79 = arith.constant dense<0.000000e+00> : vector<2000x128xf32>
    %dot_general3A_80 = tpu.matmul %mul3A_15, %get3A_78, %dot_general3A_79 {dimension_numbers = #tpu.dot_dimension_numbers<[1], [1], [0], [0], [0, 0, 1, 0], [], []>, transpose_lhs_hint = false} : vector<2000x128xf32>, vector<128x128xf32>, vector<2000x128xf32> -> vector<2000x128xf32>
    %get3A_81 = arith.constant 2 : index
    %get3A_82 = arith.constant 0 : index
    %get3A_83 = vector.load %arg7[%get3A_81, %get3A_82] : memref<3x128xf32, #tpu.memory_space<vmem>>, vector<1x128xf32>
    %get3A_84 = vector.shape_cast %get3A_83 : vector<1x128xf32> to vector<128xf32>
    %broadcast_in_dim3A_85 = vector.shape_cast %get3A_84 : vector<128xf32> to vector<1x128xf32>
    %add3A_86 = vector.broadcast %broadcast_in_dim3A_85 : vector<1x128xf32> to vector<2000x128xf32>
    %add3A_87 = arith.addf %dot_general3A_80, %add3A_86 : vector<2000x128xf32>
    %max3A_88 = arith.constant 0.000000e+00 : f32
    %max3A_89 = vector.broadcast %max3A_88 : f32 to vector<2000x128xf32>
    %max3A_90 = arith.maximumf %add3A_87, %max3A_89 : vector<2000x128xf32>
    %slice3A_91 = vector.extract_strided_slice %div3A_31 {offsets = [0, 2], sizes = [2000, 1], strides = [1, 1]} : vector<2000x3xf32> to vector<2000x1xf32>
    %mul3A_92 = vector.broadcast %slice3A_91 : vector<2000x1xf32> to vector<2000x128xf32>
    %mul3A_93 = arith.mulf %mul3A_92, %max3A_90 : vector<2000x128xf32>
    %add3A_94 = arith.addf %add3A_73, %mul3A_93 : vector<2000x128xf32>
    %mul3A_95 = vector.broadcast %get3A_1 : vector<2000x1xf32> to vector<2000x128xf32>
    %mul3A_96 = arith.mulf %add3A_94, %mul3A_95 : vector<2000x128xf32>
    %swap3A = arith.constant 0 : index
    %swap3A_97 = arith.constant 0 : index
    %swap3A_98 = vector.load %arg8[%swap3A, %swap3A_97] : memref<2000x128xf32, #tpu.memory_space<vmem>>, vector<2000x128xf32>
    tpu.vector_store %arg8[%swap3A, %swap3A_97], %mul3A_96 {strides = array<i32>} : memref<2000x128xf32, #tpu.memory_space<vmem>>, vector<2000x128xf32>,
    return
  }
  func.func @transform_0(%arg0: i32) -> (i32, i32) {
    %c0_i32 = arith.constant 0 : i32
    %c0_i32_0 = arith.constant 0 : i32
    return %arg0, %c0_i32 : i32, i32
  }
  func.func @transform_1(%arg0: i32) -> (i32, i32) {
    %c0_i32 = arith.constant 0 : i32
    %c0_i32_0 = arith.constant 0 : i32
    return %arg0, %c0_i32 : i32, i32
  }
  func.func @transform_2(%arg0: i32) -> (i32, i32, i32) {
    %c0_i32 = arith.constant 0 : i32
    %c0_i32_0 = arith.constant 0 : i32
    %c0_i32_1 = arith.constant 0 : i32
    return %c0_i32, %arg0, %c0_i32_0 : i32, i32, i32
  }
  func.func @transform_3(%arg0: i32) -> (i32, i32) {
    %c0_i32 = arith.constant 0 : i32
    %c0_i32_0 = arith.constant 0 : i32
    return %arg0, %c0_i32 : i32, i32
  }
  func.func @transform_4(%arg0: i32) -> (i32, i32) {
    %c0_i32 = arith.constant 0 : i32
    %c0_i32_0 = arith.constant 0 : i32
    %c0_i32_1 = arith.constant 0 : i32
    return %c0_i32, %c0_i32_0 : i32, i32
  }
  func.func @transform_5(%arg0: i32) -> (i32, i32, i32) {
    %c0_i32 = arith.constant 0 : i32
    %c0_i32_0 = arith.constant 0 : i32
    %c0_i32_1 = arith.constant 0 : i32
    %c0_i32_2 = arith.constant 0 : i32
    return %c0_i32, %c0_i32_0, %c0_i32_1 : i32, i32, i32
  }
  func.func @transform_6(%arg0: i32) -> (i32, i32) {
    %c0_i32 = arith.constant 0 : i32
    %c0_i32_0 = arith.constant 0 : i32
    %c0_i32_1 = arith.constant 0 : i32
    return %c0_i32, %c0_i32_0 : i32, i32
  }
  func.func @transform_7(%arg0: i32) -> (i32, i32) {
    %c0_i32 = arith.constant 0 : i32
    %c0_i32_0 = arith.constant 0 : i32
    return %arg0, %c0_i32 : i32, i32
  }
}

module attributes {stable_mosaic.version = 14 : i64} {
  func.func @_layer2_body(%arg0: i32, %arg1: memref<2000x1xf32, #tpu.memory_space<vmem>>, %arg2: memref<2000x128xf32, #tpu.memory_space<vmem>>, %arg3: memref<2x2000x128xf32, #tpu.memory_space<vmem>>, %arg4: memref<2000x4xf32, #tpu.memory_space<vmem>>, %arg5: memref<3x4xf32, #tpu.memory_space<vmem>>, %arg6: memref<3x128x128xf32, #tpu.memory_space<vmem>>, %arg7: memref<3x128xf32, #tpu.memory_space<vmem>>, %arg8: memref<128x128xf32, #tpu.memory_space<vmem>>, %arg9: memref<1x128xf32, #tpu.memory_space<vmem>>, %arg10: memref<2000x128xf32, #tpu.memory_space<vmem>>) attributes {dimension_semantics = [#tpu.dimension_semantics<arbitrary>], iteration_bounds = array<i64: 5>, scalar_prefetch = 0 : i64, scratch_operands = 0 : i64, tpu.core_type = #tpu.core_type<tc>, window_params = [{transform_indices = @transform_0, window_bounds = array<i64: 2000, 1>}, {transform_indices = @transform_1, window_bounds = array<i64: 2000, 128>}, {transform_indices = @transform_2, window_bounds = array<i64: 2, 2000, 128>}, {transform_indices = @transform_3, window_bounds = array<i64: 2000, 4>}, {pipeline_mode = #tpu.pipeline_mode<synchronous>, transform_indices = @transform_4, window_bounds = array<i64: 3, 4>}, {pipeline_mode = #tpu.pipeline_mode<synchronous>, transform_indices = @transform_5, window_bounds = array<i64: 3, 128, 128>}, {pipeline_mode = #tpu.pipeline_mode<synchronous>, transform_indices = @transform_6, window_bounds = array<i64: 3, 128>}, {pipeline_mode = #tpu.pipeline_mode<synchronous>, transform_indices = @transform_7, window_bounds = array<i64: 128, 128>}, {pipeline_mode = #tpu.pipeline_mode<synchronous>, transform_indices = @transform_8, window_bounds = array<i64: 1, 128>}, {transform_indices = @transform_9, window_bounds = array<i64: 2000, 128>}]} {
    %get3A = arith.constant 0 : index
    %get3A_0 = arith.constant 0 : index
    %get3A_1 = vector.load %arg1[%get3A, %get3A_0] : memref<2000x1xf32, #tpu.memory_space<vmem>>, vector<2000x1xf32>
    %get3A_2 = arith.constant 0 : index
    %get3A_3 = arith.constant 0 : index
    %get3A_4 = arith.constant 0 : index
    %get3A_5 = vector.load %arg3[%get3A_2, %get3A_3, %get3A_4] : memref<2x2000x128xf32, #tpu.memory_space<vmem>>, vector<1x2000x128xf32>
    %get3A_6 = vector.shape_cast %get3A_5 : vector<1x2000x128xf32> to vector<2000x128xf32>
    %get3A_7 = arith.constant 1 : index
    %get3A_8 = arith.constant 0 : index
    %get3A_9 = arith.constant 0 : index
    %get3A_10 = vector.load %arg3[%get3A_7, %get3A_8, %get3A_9] : memref<2x2000x128xf32, #tpu.memory_space<vmem>>, vector<1x2000x128xf32>
    %get3A_11 = vector.shape_cast %get3A_10 : vector<1x2000x128xf32> to vector<2000x128xf32>
    %add3A = arith.addf %get3A_6, %get3A_11 : vector<2000x128xf32>
    %get3A_12 = arith.constant 0 : index
    %get3A_13 = arith.constant 0 : index
    %get3A_14 = vector.load %arg2[%get3A_12, %get3A_13] : memref<2000x128xf32, #tpu.memory_space<vmem>>, vector<2000x128xf32>
    %sub3A = arith.subf %add3A, %get3A_14 : vector<2000x128xf32>
    %mul3A = vector.broadcast %get3A_1 : vector<2000x1xf32> to vector<2000x128xf32>
    %mul3A_15 = arith.mulf %mul3A, %sub3A : vector<2000x128xf32>
    %get3A_16 = arith.constant 0 : index
    %get3A_17 = arith.constant 0 : index
    %get3A_18 = vector.load %arg4[%get3A_16, %get3A_17] : memref<2000x4xf32, #tpu.memory_space<vmem>>, vector<2000x4xf32>
    %get3A_19 = arith.constant 0 : index
    %get3A_20 = arith.constant 0 : index
    %get3A_21 = vector.load %arg5[%get3A_19, %get3A_20] : memref<3x4xf32, #tpu.memory_space<vmem>>, vector<3x4xf32>
    %dot_general3A = arith.constant dense<0.000000e+00> : vector<2000x3xf32>
    %dot_general3A_22 = tpu.matmul %get3A_18, %get3A_21, %dot_general3A {dimension_numbers = #tpu.dot_dimension_numbers<[1], [1], [0], [0], [0, 0, 1, 0], [], []>, transpose_lhs_hint = false} : vector<2000x4xf32>, vector<3x4xf32>, vector<2000x3xf32> -> vector<2000x3xf32>
    %mul3A_23 = arith.constant 9.900990e-03 : f32
    %mul3A_24 = vector.broadcast %mul3A_23 : f32 to vector<2000x3xf32>
    %mul3A_25 = arith.mulf %dot_general3A_22, %mul3A_24 : vector<2000x3xf32>
    %reduce_max3A = arith.constant dense<0xFF800000> : vector<2000xf32>
    %reduce_max3A_26 = vector.multi_reduction <maximumf>, %mul3A_25, %reduce_max3A [1] : vector<2000x3xf32> to vector<2000xf32>
    %broadcast_in_dim3A = vector.shape_cast %reduce_max3A_26 : vector<2000xf32> to vector<2000x1xf32>
    %sub3A_27 = vector.broadcast %broadcast_in_dim3A : vector<2000x1xf32> to vector<2000x3xf32>
    %sub3A_28 = arith.subf %mul3A_25, %sub3A_27 : vector<2000x3xf32>
    %exp3A = math.exp %sub3A_28 : vector<2000x3xf32>
    %reduce_sum3A = arith.constant dense<0.000000e+00> : vector<2000xf32>
    %reduce_sum3A_29 = vector.multi_reduction <add>, %exp3A, %reduce_sum3A [1] : vector<2000x3xf32> to vector<2000xf32>
    %broadcast_in_dim3A_30 = vector.shape_cast %reduce_sum3A_29 : vector<2000xf32> to vector<2000x1xf32>
    %div3A = vector.broadcast %broadcast_in_dim3A_30 : vector<2000x1xf32> to vector<2000x3xf32>
    %div3A_31 = arith.divf %exp3A, %div3A : vector<2000x3xf32>
    %broadcast_in_dim3A_32 = arith.constant 0.000000e+00 : f32
    %broadcast_in_dim3A_33 = vector.broadcast %broadcast_in_dim3A_32 : f32 to vector<2000x128xf32>
    %get3A_34 = arith.constant 0 : index
    %get3A_35 = arith.constant 0 : index
    %get3A_36 = arith.constant 0 : index
    %get3A_37 = vector.load %arg6[%get3A_34, %get3A_35, %get3A_36] : memref<3x128x128xf32, #tpu.memory_space<vmem>>, vector<1x128x128xf32>
    %get3A_38 = vector.shape_cast %get3A_37 : vector<1x128x128xf32> to vector<128x128xf32>
    %dot_general3A_39 = arith.constant dense<0.000000e+00> : vector<2000x128xf32>
    %dot_general3A_40 = tpu.matmul %mul3A_15, %get3A_38, %dot_general3A_39 {dimension_numbers = #tpu.dot_dimension_numbers<[1], [1], [0], [0], [0, 0, 1, 0], [], []>, transpose_lhs_hint = false} : vector<2000x128xf32>, vector<128x128xf32>, vector<2000x128xf32> -> vector<2000x128xf32>
    %get3A_41 = arith.constant 0 : index
    %get3A_42 = arith.constant 0 : index
    %get3A_43 = vector.load %arg7[%get3A_41, %get3A_42] : memref<3x128xf32, #tpu.memory_space<vmem>>, vector<1x128xf32>
    %get3A_44 = vector.shape_cast %get3A_43 : vector<1x128xf32> to vector<128xf32>
    %broadcast_in_dim3A_45 = vector.shape_cast %get3A_44 : vector<128xf32> to vector<1x128xf32>
    %add3A_46 = vector.broadcast %broadcast_in_dim3A_45 : vector<1x128xf32> to vector<2000x128xf32>
    %add3A_47 = arith.addf %dot_general3A_40, %add3A_46 : vector<2000x128xf32>
    %max3A = arith.constant 0.000000e+00 : f32
    %max3A_48 = vector.broadcast %max3A : f32 to vector<2000x128xf32>
    %max3A_49 = arith.maximumf %add3A_47, %max3A_48 : vector<2000x128xf32>
    %slice3A = vector.extract_strided_slice %div3A_31 {offsets = [0, 0], sizes = [2000, 1], strides = [1, 1]} : vector<2000x3xf32> to vector<2000x1xf32>
    %mul3A_50 = vector.broadcast %slice3A : vector<2000x1xf32> to vector<2000x128xf32>
    %mul3A_51 = arith.mulf %mul3A_50, %max3A_49 : vector<2000x128xf32>
    %add3A_52 = arith.addf %broadcast_in_dim3A_33, %mul3A_51 : vector<2000x128xf32>
    %get3A_53 = arith.constant 1 : index
    %get3A_54 = arith.constant 0 : index
    %get3A_55 = arith.constant 0 : index
    %get3A_56 = vector.load %arg6[%get3A_53, %get3A_54, %get3A_55] : memref<3x128x128xf32, #tpu.memory_space<vmem>>, vector<1x128x128xf32>
    %get3A_57 = vector.shape_cast %get3A_56 : vector<1x128x128xf32> to vector<128x128xf32>
    %dot_general3A_58 = arith.constant dense<0.000000e+00> : vector<2000x128xf32>
    %dot_general3A_59 = tpu.matmul %mul3A_15, %get3A_57, %dot_general3A_58 {dimension_numbers = #tpu.dot_dimension_numbers<[1], [1], [0], [0], [0, 0, 1, 0], [], []>, transpose_lhs_hint = false} : vector<2000x128xf32>, vector<128x128xf32>, vector<2000x128xf32> -> vector<2000x128xf32>
    %get3A_60 = arith.constant 1 : index
    %get3A_61 = arith.constant 0 : index
    %get3A_62 = vector.load %arg7[%get3A_60, %get3A_61] : memref<3x128xf32, #tpu.memory_space<vmem>>, vector<1x128xf32>
    %get3A_63 = vector.shape_cast %get3A_62 : vector<1x128xf32> to vector<128xf32>
    %broadcast_in_dim3A_64 = vector.shape_cast %get3A_63 : vector<128xf32> to vector<1x128xf32>
    %add3A_65 = vector.broadcast %broadcast_in_dim3A_64 : vector<1x128xf32> to vector<2000x128xf32>
    %add3A_66 = arith.addf %dot_general3A_59, %add3A_65 : vector<2000x128xf32>
    %max3A_67 = arith.constant 0.000000e+00 : f32
    %max3A_68 = vector.broadcast %max3A_67 : f32 to vector<2000x128xf32>
    %max3A_69 = arith.maximumf %add3A_66, %max3A_68 : vector<2000x128xf32>
    %slice3A_70 = vector.extract_strided_slice %div3A_31 {offsets = [0, 1], sizes = [2000, 1], strides = [1, 1]} : vector<2000x3xf32> to vector<2000x1xf32>
    %mul3A_71 = vector.broadcast %slice3A_70 : vector<2000x1xf32> to vector<2000x128xf32>
    %mul3A_72 = arith.mulf %mul3A_71, %max3A_69 : vector<2000x128xf32>
    %add3A_73 = arith.addf %add3A_52, %mul3A_72 : vector<2000x128xf32>
    %get3A_74 = arith.constant 2 : index
    %get3A_75 = arith.constant 0 : index
    %get3A_76 = arith.constant 0 : index
    %get3A_77 = vector.load %arg6[%get3A_74, %get3A_75, %get3A_76] : memref<3x128x128xf32, #tpu.memory_space<vmem>>, vector<1x128x128xf32>
    %get3A_78 = vector.shape_cast %get3A_77 : vector<1x128x128xf32> to vector<128x128xf32>
    %dot_general3A_79 = arith.constant dense<0.000000e+00> : vector<2000x128xf32>
    %dot_general3A_80 = tpu.matmul %mul3A_15, %get3A_78, %dot_general3A_79 {dimension_numbers = #tpu.dot_dimension_numbers<[1], [1], [0], [0], [0, 0, 1, 0], [], []>, transpose_lhs_hint = false} : vector<2000x128xf32>, vector<128x128xf32>, vector<2000x128xf32> -> vector<2000x128xf32>
    %get3A_81 = arith.constant 2 : index
    %get3A_82 = arith.constant 0 : index
    %get3A_83 = vector.load %arg7[%get3A_81, %get3A_82] : memref<3x128xf32, #tpu.memory_space<vmem>>, vector<1x128xf32>
    %get3A_84 = vector.shape_cast %get3A_83 : vector<1x128xf32> to vector<128xf32>
    %broadcast_in_dim3A_85 = vector.shape_cast %get3A_84 : vector<128xf32> to vector<1x128xf32>
    %add3A_86 = vector.broadcast %broadcast_in_dim3A_85 : vector<1x128xf32> to vector<2000x128xf32>
    %add3A_87 = arith.addf %dot_general3A_80, %add3A_86 : vector<2000x128xf32>
    %max3A_88 = arith.constant 0.000000e+00 : f32
    %max3A_89 = vector.broadcast %max3A_88 : f32 to vector<2000x128xf32>
    %max3A_90 = arith.maximumf %add3A_87, %max3A_89 : vector<2000x128xf32>
    %slice3A_91 = vector.extract_strided_slice %div3A_31 {offsets = [0, 2], sizes = [2000, 1], strides = [1, 1]} : vector<2000x3xf32> to vector<2000x1xf32>
    %mul3A_92 = vector.broadcast %slice3A_91 : vector<2000x1xf32> to vector<2000x128xf32>
    %mul3A_93 = arith.mulf %mul3A_92, %max3A_90 : vector<2000x128xf32>
    %add3A_94 = arith.addf %add3A_73, %mul3A_93 : vector<2000x128xf32>
    %get3A_95 = arith.constant 0 : index
    %get3A_96 = arith.constant 0 : index
    %get3A_97 = vector.load %arg8[%get3A_95, %get3A_96] : memref<128x128xf32, #tpu.memory_space<vmem>>, vector<128x128xf32>
    %dot_general3A_98 = arith.constant dense<0.000000e+00> : vector<2000x128xf32>
    %dot_general3A_99 = tpu.matmul %add3A_94, %get3A_97, %dot_general3A_98 {dimension_numbers = #tpu.dot_dimension_numbers<[1], [1], [0], [0], [0, 0, 1, 0], [], []>, transpose_lhs_hint = false} : vector<2000x128xf32>, vector<128x128xf32>, vector<2000x128xf32> -> vector<2000x128xf32>
    %get3A_100 = arith.constant 0 : index
    %get3A_101 = arith.constant 0 : index
    %get3A_102 = vector.load %arg9[%get3A_100, %get3A_101] : memref<1x128xf32, #tpu.memory_space<vmem>>, vector<1x128xf32>
    %add3A_103 = vector.broadcast %get3A_102 : vector<1x128xf32> to vector<2000x128xf32>
    %add3A_104 = arith.addf %dot_general3A_99, %add3A_103 : vector<2000x128xf32>
    %swap3A = arith.constant 0 : index
    %swap3A_105 = arith.constant 0 : index
    %swap3A_106 = vector.load %arg10[%swap3A, %swap3A_105] : memref<2000x128xf32, #tpu.memory_space<vmem>>, vector<2000x128xf32>
    tpu.vector_store %arg10[%swap3A, %swap3A_105], %add3A_104 {strides = array<i32>} : memref<2000x128xf32, #tpu.memory_space<vmem>>, vector<2000x128xf32>,
    return
  }
  func.func @transform_0(%arg0: i32) -> (i32, i32) {
    %c0_i32 = arith.constant 0 : i32
    %c0_i32_0 = arith.constant 0 : i32
    return %arg0, %c0_i32 : i32, i32
  }
  func.func @transform_1(%arg0: i32) -> (i32, i32) {
    %c0_i32 = arith.constant 0 : i32
    %c0_i32_0 = arith.constant 0 : i32
    return %arg0, %c0_i32 : i32, i32
  }
  func.func @transform_2(%arg0: i32) -> (i32, i32, i32) {
    %c0_i32 = arith.constant 0 : i32
    %c0_i32_0 = arith.constant 0 : i32
    %c0_i32_1 = arith.constant 0 : i32
    return %c0_i32, %arg0, %c0_i32_0 : i32, i32, i32
  }
  func.func @transform_3(%arg0: i32) -> (i32, i32) {
    %c0_i32 = arith.constant 0 : i32
    %c0_i32_0 = arith.constant 0 : i32
    return %arg0, %c0_i32 : i32, i32
  }
  func.func @transform_4(%arg0: i32) -> (i32, i32) {
    %c0_i32 = arith.constant 0 : i32
    %c0_i32_0 = arith.constant 0 : i32
    %c0_i32_1 = arith.constant 0 : i32
    return %c0_i32, %c0_i32_0 : i32, i32
  }
  func.func @transform_5(%arg0: i32) -> (i32, i32, i32) {
    %c0_i32 = arith.constant 0 : i32
    %c0_i32_0 = arith.constant 0 : i32
    %c0_i32_1 = arith.constant 0 : i32
    %c0_i32_2 = arith.constant 0 : i32
    return %c0_i32, %c0_i32_0, %c0_i32_1 : i32, i32, i32
  }
  func.func @transform_6(%arg0: i32) -> (i32, i32) {
    %c0_i32 = arith.constant 0 : i32
    %c0_i32_0 = arith.constant 0 : i32
    %c0_i32_1 = arith.constant 0 : i32
    return %c0_i32, %c0_i32_0 : i32, i32
  }
  func.func @transform_7(%arg0: i32) -> (i32, i32) {
    %c0_i32 = arith.constant 0 : i32
    %c0_i32_0 = arith.constant 0 : i32
    %c0_i32_1 = arith.constant 0 : i32
    return %c0_i32, %c0_i32_0 : i32, i32
  }
  func.func @transform_8(%arg0: i32) -> (i32, i32) {
    %c0_i32 = arith.constant 0 : i32
    %c0_i32_0 = arith.constant 0 : i32
    %c0_i32_1 = arith.constant 0 : i32
    return %c0_i32, %c0_i32_0 : i32, i32
  }
  func.func @transform_9(%arg0: i32) -> (i32, i32) {
    %c0_i32 = arith.constant 0 : i32
    %c0_i32_0 = arith.constant 0 : i32
    return %arg0, %c0_i32 : i32, i32
  }
}

</mosaic_0001>

<sc_bundles>
// kernel: kernel.11.cloned.1.call-start
scs
__scs_entry_jumppad:
0x0: {  	(pc) =	sbr.rel $0x88, $3  }
0x1: {  	(tag) =	ssettag $0x0;
	lr =	simm.s32 $0x1  }
0x2: {  	[smem:$0x3F96] =	sst lr;
	_ =	strace $0xD0000000  }
0x3: {  	_ = 	snop  }
0x4: {  	_ = 	snop  }
0x5: {  	_ = 	snop  }
0x6: {  	_ = 	snop  }
0x7: {  	_ = 	snop  }
__scs_overlays_trampoline_lowered:
0x8: {  	[smem:$0x3FA5] =	sst s0  }
0x9: {  	[smem:$0x3FA6] =	sst s1  }
0xa: {  	[smem:$0x3FA7] =	sst s2  }
0xb: {  	[smem:$0x3FA8] =	sst s3  }
0xc: {  	[smem:$0x3FA9] =	sst s4  }
0xd: {  	[smem:$0x3FAA] =	sst s5  }
0xe: {  	[smem:$0x3FAB] =	sst s6  }
0xf: {  	[smem:$0x3FAC] =	sst s7  }
0x10: {  	[smem:$0x3FAD] =	sst s8  }
0x11: {  	[smem:$0x3FAE] =	sst s9;
	s0 =	simm.s32 @!p0 $0x0  }
0x12: {  	s1 =	sld [smem:$0x3F94];
	s0 =	simm.s32 @p0 $0x1  }
0x13: {  	[smem:$0x3FAF] =	sst s0;
	s0 =	simm.s32 @!p1 $0x0  }
0x14: {  	s2 =	sld [smem:$0x3F93];
	s0 =	simm.s32 @p1 $0x1  }
0x15: {  	[smem:$0x3FB0] =	sst s0;
	s0 =	simm.s32 @!p2 $0x0  }
0x16: {  	s3 =	sld [smem:$0x3FDB];
	s0 =	simm.s32 @p2 $0x1  }
0x17: {  	s4 =	simm.s32 $0x1BF5;
	[smem:$0x3FB2] =	sst s0  }
0x18: {  	s0 =	sld [smem:$0x3F95];
	_ =	swait.ge [sflag:s4], $0x0  }
0x19: {  	s7 =	sld [smem:$0x3F96]  }
0x1a: {  	s8 =	sadd.s32 $0xFFFFE003, lr  }
0x1b: {  	s9 =	sadd.s32 $0xFFFFFEF7, lr;
	s5 =	simm.s32 $0xFFFFFFFF;
	p2 =	slt.u32 s8, $0xFFFFF086  }
0x1c: {  	p1 =	slt.u32 s9, $0xF7A;
	s5 =	simm.s32 @!p2 $0x0  }
0x1d: {  	s5 =	simm.s32 @p1 $0x1;
	p0 =	seq.s32 s7, s2  }
0x1e: {  	s7 =	smul.u32 @!p0 $0xF7A, s2;
	p2 =	seq.s32 @!p0 s5, $0x0  }
0x1f: {  	s9 =	smul.u32 $0xF7A, s1;
	s8 =	simm.s32 @!p0 $0x1BF5;
	p2 =	por !p2, p0  }
0x20: {  	[sflag:s8] =	ssyncset.s32 @!p0 $0xFFFFF086;
	s6 =	sadd.s32 @!p0 s3, s7;
	s7 =	simm.s32 @!p0 $0x108  }
0x21: {  	s3 =	sadd.s32 s3, s9;
	s6 =	sadd.s32 @!p0 $0x88, s6;
	s7 =	simm.s32 @p2 $0x1082  }
0x22: {  	[simem:s7], [sflag:s8] =	dma.local @!p0 [hbm:s6], $0xF7A  }
0x23: {  	s9 =	sor.u32 $0xD0000000, s2;
	s6 =	simm.s32 $0x108;
	_ =	swait.ge @!p0 [sflag:s8], $0x0  }
0x24: {  	s3 =	sadd.s32 $0x88, s3;
	s6 =	simm.s32 @!p1 $0x1082;
	[sflag:s4] =	ssyncset.s32 $0xFFFFF086  }
0x25: {  	[simem:s6], [sflag:s4] =	dma.local [hbm:s3], $0xF7A  }
0x26: {  	[smem:$0x3F96] =	sst s1;
	(tag) =	ssettag s2;
	_ =	strace s9  }
0x27: {  	s1 =	sld [smem:$0x3FA6]  }
0x28: {  	s2 =	sld [smem:$0x3FA7]  }
0x29: {  	s4 =	sld [smem:$0x3FA9]  }
0x2a: {  	p0 =	seq.s32 s5, $0x0;
	s5 =	sld [smem:$0x3FAA]  }
0x2b: {  	s6 =	sld [smem:$0x3FAB]  }
0x2c: {  	s7 =	sld [smem:$0x3FAC]  }
0x2d: {  	s3 =	simm.s32 $0x108;
	s8 =	sld [smem:$0x3FAD]  }
0x2e: {  	s3 =	simm.s32 @!p0 $0x1082;
	s9 =	sld [smem:$0x3FAE]  }
0x2f: {  	lr =	sadd.s32 s0, s3;
	s0 =	sld [smem:$0x3FA5]  }
0x30: {  	s3 =	sld [smem:$0x3FA8]  }
0x31: {  	[smem:$0x3FB1] =	sst s10  }
0x32: {  	s10 =	sld [smem:$0x3FAF];
	_ =	sdelay $0x3  }
0x33: {  	p0 =	seq.s32 s10, $0x1;
	s10 =	sld [smem:$0x3FB1];
	_ =	sdelay $0x3  }
0x34: {  	[smem:$0x3FB1] =	sst s10  }
0x35: {  	s10 =	sld [smem:$0x3FB0];
	_ =	sdelay $0x3  }
0x36: {  	p1 =	seq.s32 s10, $0x1;
	s10 =	sld [smem:$0x3FB1];
	_ =	sdelay $0x3  }
0x37: {  	[smem:$0x3FB1] =	sst s10  }
0x38: {  	s10 =	sld [smem:$0x3FB2]  }
0x39: {  	_ = 	snop;
	(pc) =	sbr.ind lr, $3  }
0x3a: {  	_ = 	snop  }
0x3b: {  	_ = 	snop  }
0x3c: {  	p2 =	seq.s32 s10, $0x1;
	s10 =	sld [smem:$0x3FB1]  }
0x3d: {  	_ =	shalt  }
0x3e: {  	_ =	shalt  }
0x3f: {  	_ =	shalt  }
0x40: {  	_ =	shalt  }
0x41: {  	_ =	shalt  }
0x42: {  	_ =	shalt  }
0x43: {  	_ =	shalt  }
0x44: {  	_ =	shalt  }
0x45: {  	_ =	shalt  }
0x46: {  	_ =	shalt  }
0x47: {  	_ =	shalt  }
0x48: {  	_ =	shalt  }
0x49: {  	_ =	shalt  }
0x4a: {  	_ =	shalt  }
0x4b: {  	_ =	shalt  }
0x4c: {  	_ =	shalt  }
0x4d: {  	_ =	shalt  }
0x4e: {  	_ =	shalt  }
0x4f: {  	_ =	shalt  }
0x50: {  	_ =	shalt  }
0x51: {  	_ =	shalt  }
0x52: {  	_ =	shalt  }
0x53: {  	_ =	shalt  }
0x54: {  	_ =	shalt  }
0x55: {  	_ =	shalt  }
0x56: {  	_ =	shalt  }
0x57: {  	_ =	shalt  }
0x58: {  	_ =	shalt  }
0x59: {  	_ =	shalt  }
0x5a: {  	_ =	shalt  }
0x5b: {  	_ =	shalt  }
0x5c: {  	_ =	shalt  }
0x5d: {  	_ =	shalt  }
0x5e: {  	_ =	shalt  }
0x5f: {  	_ =	shalt  }
0x60: {  	_ =	shalt  }
0x61: {  	_ =	shalt  }
0x62: {  	_ =	shalt  }
0x63: {  	_ =	shalt  }
0x64: {  	_ =	shalt  }
0x65: {  	_ =	shalt  }
0x66: {  	_ =	shalt  }
0x67: {  	_ =	shalt  }
0x68: {  	_ =	shalt  }
0x69: {  	_ =	shalt  }
0x6a: {  	_ =	shalt  }
0x6b: {  	_ =	shalt  }
0x6c: {  	_ =	shalt  }
0x6d: {  	_ =	shalt  }
0x6e: {  	_ =	shalt  }
0x6f: {  	_ =	shalt  }
0x70: {  	_ =	shalt  }
0x71: {  	_ =	shalt  }
0x72: {  	_ =	shalt  }
0x73: {  	_ =	shalt  }
0x74: {  	_ =	shalt  }
0x75: {  	_ =	shalt  }
0x76: {  	_ =	shalt  }
0x77: {  	_ =	shalt  }
0x78: {  	_ =	shalt  }
0x79: {  	_ =	shalt  }
0x7a: {  	_ =	shalt  }
0x7b: {  	_ =	shalt  }
0x7c: {  	_ =	shalt  }
0x7d: {  	_ =	shalt  }
0x7e: {  	_ =	shalt  }
0x7f: {  	_ =	shalt  }
0x80: {  	_ =	shalt  }
0x81: {  	_ =	shalt  }
0x82: {  	_ =	shalt  }
0x83: {  	_ =	shalt  }
0x84: {  	_ =	shalt  }
0x85: {  	_ =	shalt  }
0x86: {  	_ =	shalt  }
0x87: {  	_ =	shalt  }
.Lfunc_end0:
.L_simem_size_0:
called_computation.1_lowered:
.L_overlay_start_0:
0x88: {  	s2 =	sld [smem:$0x3FD9]  }
0x89: {  	s3 =	sld [smem:$0x3FFE];
	_ =	sdelay $0x1  }
0x8a: {  	s1 =	srdreg.scid  }
0x8b: {  	s0 =	sand.u32 $0x1, s1  }
0x8c: {  	s17 =	sshll.u32 s0, $0xA;
	s2 =	sadd.s32 s3, s2  }
0x8d: {  	s2 =	sadd.s32 s2, s17  }
0x8e: {  	[smem:$0x3FBD] =	sst s2  }
0x8f: {  	_ = 	snop  }
0x90: {  	s2 =	sld [smem:$0x3FD0];
	(tm) =	ssettm $0x1  }
0x91: {  	s18 =	sld [smem:$0x3FFB];
	_ =	sdelay $0x3  }
0x92: {  	_ =	strace s18  }
0x93: {  	s3 =	sld [smem:$0x3FFC];
	_ =	sdelay $0x3  }
0x94: {  	_ =	strace s3  }
0x95: {  	s3 =	sld [smem:$0x3FFD];
	_ =	sdelay $0x3  }
0x96: {  	_ =	strace s3  }
0x97: {  	_ =	strace $0x8FFFFFFF  }
0x98: {  	s19 =	sld [smem:$0x3FDB];
	_ =	sdelay $0x1  }
0x99: {  	s4 =	simm.s32 $_scs_section_size  }
0x9a: {  	s5 =	simm.s32 $_size__tile_overlayer_lowered;
	s6 =	simm.s32 $_tile_overlayer_lowered  }
0x9b: {  	s22 =	simm.s32 $0x1BFF;
	s21 =	sshll.u32 s6, $0x1;
	s3 =	sadd.s32 s4, s19  }
0x9c: {  	s7 =	simm.s32 $0x0;
	s20 =	sshll.u32 s5, $0x1;
	s5 =	sadd.s32 s21, s3  }
0x9d: {  	[timem:s7], [sflag:s22] =	dma.local [hbm:s5], s20  }
0x9e: {  	_ =	swait.ge [sflag:s22], s20  }
0x9f: {  	s4 =	ssub.s32 $0x0, s20;
	[sflag:s22] =	ssyncset.done $0x0  }
0xa0: {  	[sflag:s22] =	ssyncadd.s32 s4;
	_ =	sdelay $0x1  }
0xa1: {  	s23 =	simm.s32 $0x1B8B  }
0xa2: {  	_ =	swait.ge [sflag:s23], $0x1  }
0xa3: {  	[sflag:s23] =	ssyncset.done $0x0  }
0xa4: {  	s25 =	simm.s32 $0x1B8E;
	s24 =	sld [smem:$0x3FFE];
	[sflag:s23] =	ssyncadd.s32 $0xFFFFFFFF  }
0xa5: {  	s26 =	simm.s32 $execute0_lowered;
	[smem:$0x3FD2] =	sst s25  }
0xa6: {  	s5 =	sshll.u32 s26, $0x1;
	_ =	strace $0x80000049;
	[dreg:$0x1] =	wrdreg $0xFFFFFFFF  }
0xa7: {  	s28 =	simm.s32 $_size_execute0_lowered;
	s3 =	sadd.s32 s3, s5;
	[dreg:$0x0] =	wrdreg $0x0  }
0xa8: {  	s5 =	sshll.u32 s28, $0x1;
	[dreg:$0x2] =	wrdreg s3  }
0xa9: {  	[dreg:$0x3] =	wrdreg s5  }
0xaa: {  	[dreg:$0x4] =	wrdreg $0xC0  }
0xab: {  	_ =	task [dreg:s7], $0x5FFFF  }
0xac: {  	[dreg:$0x1] =	wrdreg $0xFFFFFFFF  }
0xad: {  	[dreg:$0x0] =	wrdreg $0x60  }
0xae: {  	[dreg:$0x2] =	wrdreg s2  }
0xaf: {  	[dreg:$0x3] =	wrdreg s24  }
0xb0: {  	[dreg:$0x4] =	wrdreg $0xB9800  }
0xb1: {  	[dreg:$0x5] =	wrdreg $0x9  }
0xb2: {  	_ =	task.clear_ibuf [dreg:s7], $0x6FFFF;
	_ =	strace $0x90000049  }
0xb3: {  	s29 =	simm.s32 $0x9;
	_ =	strace $0x8000004B  }
0xb4: {  	_ =	swait.ge [sflag:s29], $0x1  }
0xb5: {  	[sflag:s29] =	ssyncadd.s32 $0xFFFFFFFF  }
0xb6: {  	_ =	strace $0x9000004B  }
0xb7: {  	_ =	sfence  }
0xb8: {  	s30 =	sld [smem:$0x0];
	_ =	sdelay $0x2  }
0xb9: {  	s31 =	sshll.u32 s1, $0xD;
	s1 =	sshrl.u32 s1, $0x2  }
0xba: {  	s3 =	sand.u32 $0x4000, s31;
	s1 =	sadd.s32 s1, s30  }
0xbb: {  	s0 =	sor.u32 s3, s0;
	s1 =	sshll.u32 s1, $0x11  }
0xbc: {  	s0 =	sor.u32 s1, s0  }
0xbd: {  	s0 =	sadd.s32 $0x8F2B, s0  }
0xbe: {  	[sflag:s0] =	ssyncadd.remote.s32 $0x1  }
0xbf: {  	_ =	sfence.sel $0xFFFF  }
0xc0: {  	[dreg:$0x0] =	wrdreg $0xFFFFFFFF;
	(pc) =	sbr.abs _section_cstart, $3  }
0xc1: {  	[dreg:$0x1] =	wrdreg $0xFFFFFFFF  }
0xc2: {  	_ =	task.clear_ibuf [dreg:s7], $0x2FFFF;
	_ =	strace $0x9FFFFFFF  }
0xc3: {  	(tm) =	ssettm $0x7FFFFFFF  }
tec
execute0_lowered:
.L_overlay_start_1:
0x0: {  	(tag) =	ssettag $0x1  }
0x1: {  	s1 =	rddreg [dreg:$0x0]  }
0x2: {  	s0 =	rddreg [dreg:$0x1]  }
0x3: {  	s3 =	rddreg [dreg:$0x2];
	s4 =	simm.s32 $0x0  }
0x4: {  	s2 =	srdreg.scid;
	s11 =	stileid.u32;
	s29 =	simm.s32 $0x6980  }
0x5: {  	s30 =	simm.s32 $0x4080;
	s28 =	simm.s32 $0x1;
	s31 =	simm.s32 $0x4  }
0x6: {  	[smem:$0x7FF] =	sst s4;
	s2 =	sand.u32 $0x1, s2;
	s8 =	smul.u32 $0x4E000, s11  }
0x7: {  	s5 =	sshll.u32 s11, $0x1;
	s12 =	smul.u32 $0x13800, s11;
	s25 =	sshll.u32 s11, $0x6  }
0x8: {  	s26 =	sadd.s32 $0x138000, s3;
	s13 =	sadd.s32 $0x27000, s1;
	s16 =	smul.u32 $0x4E20, s11  }
0x9: {  	p0 =	sne.s32 s11, $0xF;
	_ =	strace $0x8000004A;
	s6 =	sor.u32 s2, s5  }
0xa: {  	s7 =	ssub.s32 $0x2, s2;
	[dreg:$0x6] =	wrdreg s26;
	s14 =	smul.u32 $0x138800, s2  }
0xb: {  	[dreg:$0x7] =	wrdreg s13;
	s2 =	smul.u32 $0x2710, s2;
	s5 =	sshll.u32 s6, $0xB  }
0xc: {  	s10 =	sshrl.u32 s7, $0x1;
	s8 =	sshrl.u32 s8, $0x2;
	s23 =	sshrl.u32 s12, $0x3  }
0xd: {  	s6 =	smul.u32 $0x2710, s6;
	s9 =	sadd.s32 s5, s0;
	s5 =	sadd.s32 $0x2800, s0  }
0xe: {  	s0 =	sadd.s32 $0x1C600, s0;
	s7 =	ssub.s32 s7, s10;
	s8 =	sadd.s32 s8, s3  }
0xf: {  	s24 =	sadd.s32 s1, s23;
	s17 =	sadd.s32 s12, s14;
	[dreg:$0x4] =	wrdreg s8  }
0x10: {  	s20 =	sadd.s32 s2, s16;
	s12 =	simm.s32 $0x0;
	[dreg:$0x5] =	wrdreg s24  }
0x11: {  	s8 =	sor.u32 $0x1C07, s25;
	s6 =	sshrl.u32 s6, $0x3;
	s9 =	sadd.s32 $0xC600, s9  }
0x12: {  	s10 =	sshrl.u32 s17, $0x3;
	s21 =	smax.u32 s7, $0x1;
	s22 =	sadd.s32 $0x190, s20  }
0x13: {  	s23 =	sadd.s32 $0x140, s20;
	s7 =	simm.s32 $0x5;
	[dreg:$0x9] =	wrdreg s9  }
0x14: {  	s13 =	sadd.s32 s5, s6;
	s6 =	sshrl.u32 s14, $0x3;
	[dreg:$0xe] =	wrdreg s21  }
0x15: {  	s2 =	sshrl.u32 s22, $0x3;
	s15 =	sadd.s32 $0xA, s13;
	[dreg:$0x8] =	wrdreg s13  }
0x16: {  	s9 =	simm.s32 $0x3;
	s18 =	sadd.s32 $0x14, s13;
	[dreg:$0xa] =	wrdreg s15  }
0x17: {  	s6 =	sadd.s32 s0, s6;
	s0 =	sadd.s32 s0, s10;
	[dreg:$0xb] =	wrdreg s18  }
0x18: {  	s24 =	sadd.s32 $0x4CE, s13;
	s25 =	sadd.s32 $0x4D8, s13;
	[dreg:$0xc] =	wrdreg s0  }
0x19: {  	s10 =	simm.s32 $0x6;
	s19 =	sadd.s32 $0x27000, s6;
	[dreg:$0xf] =	wrdreg s24  }
0x1a: {  	s6 =	sshrl.u32 s23, $0x3;
	[dreg:$0x10] =	wrdreg s25;
	s0 =	sadd.s32 $0xF0, s20  }
0x1b: {  	s23 =	simm.s32 $0x7;
	s24 =	simm.s32 $0x50;
	s25 =	simm.s32 $0x4180  }
0x1c: {  	[dreg:$0xd] =	wrdreg s19;
	s19 =	sadd.s32 s2, s5;
	s26 =	sadd.s32 s6, s5  }
0x1d: {  	[dreg:$0x12] =	wrdreg s0;
	s0 =	simm.s32 $0x9180;
	s2 =	simm.s32 $0x4100  }
0x1e: {  	s6 =	simm.s32 $0x2;
	[dreg:$0x11] =	wrdreg s26;
	s26 =	simm.s32 $0x4000  }
.LBB2_1:
0x1f: {  	s11 =	rddreg [dreg:$0x4]  }
0x20: {  	s15 =	rddreg [dreg:$0x5];
	s13 =	sshrl.u32 s11, $0x3  }
0x21: {  	[spmem:s13], [sflag:s8] =	dma.local [hbm:s15], $0x2700  }
0x22: {  	_ =	swait.ge [sflag:s23], $0x2700  }
0x23: {  	s15 =	simm.s32 @!p0 $0x7;
	[sflag:s23] =	ssyncset.done $0x0;
	s11 =	rddreg [dreg:$0x6]  }
0x24: {  	[sflag:s23] =	ssyncadd.s32 $0xFFFFD900;
	s14 =	sshrl.u32 @!p0 s11, $0x3;
	s11 =	rddreg [dreg:$0x7]  }
0x25: {  	[spmem:s14], [sflag:s8] =	dma.local @!p0 [hbm:s11], $0x100  }
0x26: {  	_ =	swait.ge @!p0 [sflag:s15], $0x100  }
0x27: {  	[sflag:s15] =	ssyncset.done @!p0 $0x0  }
0x28: {  	s16 =	rddreg [dreg:$0x9];
	[sflag:s15] =	ssyncadd.s32 @!p0 $0xFFFFFF00  }
0x29: {  	[tilespmem:s4], [sflag:$0x7] =	stream.linear.gather [hbm4b:s16+s4], $0x3E80, $0x38;
	[tilespmem:$0x1F200] =	vst v63  }
0x2a: {  	_ =	swait.ge [sflag:s23], $0x3E80  }
0x2b: {  	[sflag:s23] =	ssyncset.done $0x0  }
0x2c: {  	[sflag:s23] =	ssyncadd.s32 $0xFFFFC180  }
0x2d: {  	[bflag:$0x0] =	sbarrier.arrive $0xFFFF  }
0x2e: {  	[tilespmem:s25], [sflag:$0x1] =	stream.indirect.gather [hbm4b:s1+s24], $0x80, s4, s24, $0xb8;
	[tilespmem:$0x1F200] =	vst v63  }
0x2f: {  	s17 =	rddreg [dreg:$0x8]  }
0x30: {  	[tilespmem:s26], [sflag:$0x4] =	stream.linear.gather [hbm4b:s17+s4], $0x50, $0x38;
	[tilespmem:$0x1F200] =	vst v63  }
0x31: {  	s18 =	simm.s32 $0x80  }
0x32: {  	[tilespmem:s29], [sflag:$0x2] =	stream.indirect.gather [hbm4b:s1+s24], $0x80, s18, s24, $0xb8;
	[tilespmem:$0x1F200] =	vst v63  }
0x33: {  	s20 =	rddreg [dreg:$0xa]  }
0x34: {  	[tilespmem:s30], [sflag:$0x5] =	stream.linear.gather [hbm4b:s20+s4], $0x50, $0x38;
	[tilespmem:$0x1F200] =	vst v63  }
0x35: {  	s21 =	simm.s32 $0x100  }
0x36: {  	[tilespmem:s0], [sflag:$0x3] =	stream.indirect.gather [hbm4b:s1+s24], $0x80, s21, s24, $0xb8;
	[tilespmem:$0x1F200] =	vst v63  }
0x37: {  	s22 =	rddreg [dreg:$0xb]  }
0x38: {  	[tilespmem:s2], [sflag:$0x6] =	stream.linear.gather [hbm4b:s22+s4], $0x50, $0x38;
	[tilespmem:$0x1F200] =	vst v63  }
0x39: {  	_ =	swait.ge [sflag:s28], $0x2800  }
0x3a: {  	[sflag:s28] =	ssyncset.done $0x0  }
0x3b: {  	[sflag:s28] =	ssyncadd.s32 $0xFFFFD800  }
0x3c: {  	_ =	swait.ge [sflag:s31], $0x50  }
0x3d: {  	[sflag:s31] =	ssyncset.done $0x0  }
0x3e: {  	[sflag:s31] =	ssyncadd.s32 $0xFFFFFFB0  }
0x3f: {  	[spmem:s3] =	stream.indirect.scatter.add.f32 [tilespmem:s25], [sflag:$0x7], $0x80, s26, s24, $0xb8;
	[tilespmem:$0x1F200] =	vst v63  }
0x40: {  	_ =	swait.ge [sflag:s23], $0x2800  }
0x41: {  	[sflag:s23] =	ssyncset.done $0x0;
	s18 =	rddreg [dreg:$0x12]  }
0x42: {  	s11 =	simm.s32 $0x180;
	[sflag:s23] =	ssyncadd.s32 $0xFFFFD800;
	s16 =	sshrl.u32 s18, $0x3  }
0x43: {  	[tilespmem:s25], [sflag:$0x1] =	stream.indirect.gather [hbm4b:s1+s24], $0x80, s11, s24, $0xb8;
	[tilespmem:$0x1F200] =	vst v63  }
0x44: {  	s17 =	sadd.s32 s5, s16  }
0x45: {  	[tilespmem:s26], [sflag:$0x4] =	stream.linear.gather [hbm4b:s17+s4], $0x50, $0x38;
	[tilespmem:$0x1F200] =	vst v63  }
0x46: {  	_ =	swait.ge [sflag:s6], $0x2800  }
0x47: {  	[sflag:s6] =	ssyncset.done $0x0  }
0x48: {  	[sflag:s6] =	ssyncadd.s32 $0xFFFFD800  }
0x49: {  	_ =	swait.ge [sflag:s7], $0x50  }
0x4a: {  	[sflag:s7] =	ssyncset.done $0x0  }
0x4b: {  	[sflag:s7] =	ssyncadd.s32 $0xFFFFFFB0  }
0x4c: {  	[spmem:s3] =	stream.indirect.scatter.add.f32 [tilespmem:s29], [sflag:$0x7], $0x80, s30, s24, $0xb8;
	[tilespmem:$0x1F200] =	vst v63  }
0x4d: {  	_ =	swait.ge [sflag:s23], $0x2800  }
0x4e: {  	[sflag:s23] =	ssyncset.done $0x0  }
0x4f: {  	s20 =	simm.s32 $0x200;
	[sflag:s23] =	ssyncadd.s32 $0xFFFFD800  }
0x50: {  	[tilespmem:s29], [sflag:$0x2] =	stream.indirect.gather [hbm4b:s1+s24], $0x80, s20, s24, $0xb8;
	[tilespmem:$0x1F200] =	vst v63  }
0x51: {  	s21 =	rddreg [dreg:$0x11]  }
0x52: {  	[tilespmem:s30], [sflag:$0x5] =	stream.linear.gather [hbm4b:s21+s4], $0x50, $0x38;
	[tilespmem:$0x1F200] =	vst v63  }
0x53: {  	_ =	swait.ge [sflag:s9], $0x2800  }
0x54: {  	[sflag:s9] =	ssyncset.done $0x0  }
0x55: {  	[sflag:s9] =	ssyncadd.s32 $0xFFFFD800  }
0x56: {  	_ =	swait.ge [sflag:s10], $0x50  }
0x57: {  	[sflag:s10] =	ssyncset.done $0x0  }
0x58: {  	[sflag:s10] =	ssyncadd.s32 $0xFFFFFFB0  }
0x59: {  	[spmem:s3] =	stream.indirect.scatter.add.f32 [tilespmem:s0], [sflag:$0x7], $0x80, s2, s24, $0xb8;
	[tilespmem:$0x1F200] =	vst v63  }
0x5a: {  	s15 =	simm.s32 $0x600;
	s22 =	simm.s32 $0x280;
	_ =	swait.ge [sflag:s23], $0x2800  }
0x5b: {  	s18 =	sadd.s32 $0xF0, s18;
	s16 =	sadd.s32 $0x1E, s19;
	[sflag:s23] =	ssyncset.done $0x0  }
0x5c: {  	s17 =	sadd.s32 $0x1E, s21;
	s20 =	smov.u32 s19;
	[sflag:s23] =	ssyncadd.s32 $0xFFFFD800  }
0x5d: {  	[tilespmem:s0], [sflag:$0x3] =	stream.indirect.gather [hbm4b:s1+s24], $0x80, s22, s24, $0xb8;
	[tilespmem:$0x1F200] =	vst v63  }
.LBB2_2:
0x5e: {  	[tilespmem:s2], [sflag:$0x6] =	stream.linear.gather [hbm4b:s20+s4], $0x50, $0x38;
	[tilespmem:$0x1F200] =	vst v63  }
0x5f: {  	s11 =	smov.u32 s15;
	s20 =	smov.u32 s16  }
0x60: {  	p1 =	sne.s32 s15, $0xEA00;
	s15 =	sadd.s32 $0x600, s15;
	_ =	swait.ge [sflag:s28], $0x2800  }
0x61: {  	[sflag:s28] =	ssyncset.done $0x0  }
0x62: {  	[sflag:s28] =	ssyncadd.s32 $0xFFFFD800  }
0x63: {  	_ =	swait.ge [sflag:s31], $0x50  }
0x64: {  	[sflag:s31] =	ssyncset.done $0x0  }
0x65: {  	[sflag:s31] =	ssyncadd.s32 $0xFFFFFFB0  }
0x66: {  	[spmem:s3] =	stream.indirect.scatter.add.f32 [tilespmem:s25], [sflag:$0x7], $0x80, s26, s24, $0xb8;
	[tilespmem:$0x1F200] =	vst v63  }
0x67: {  	_ =	swait.ge [sflag:s23], $0x2800  }
0x68: {  	s11 =	sshra.s32 s11, $0x2;
	[sflag:s23] =	ssyncset.done $0x0  }
0x69: {  	s22 =	sshrl.u32 s18, $0x3;
	s21 =	sadd.s32 $0x180, s11;
	[sflag:s23] =	ssyncadd.s32 $0xFFFFD800  }
0x6a: {  	[tilespmem:s25], [sflag:$0x1] =	stream.indirect.gather [hbm4b:s1+s24], $0x80, s21, s24, $0xb8;
	[tilespmem:$0x1F200] =	vst v63  }
0x6b: {  	s21 =	sadd.s32 s5, s22  }
0x6c: {  	[tilespmem:s26], [sflag:$0x4] =	stream.linear.gather [hbm4b:s21+s4], $0x50, $0x38;
	[tilespmem:$0x1F200] =	vst v63  }
0x6d: {  	_ =	swait.ge [sflag:s6], $0x2800  }
0x6e: {  	[sflag:s6] =	ssyncset.done $0x0  }
0x6f: {  	[sflag:s6] =	ssyncadd.s32 $0xFFFFD800  }
0x70: {  	_ =	swait.ge [sflag:s7], $0x50  }
0x71: {  	[sflag:s7] =	ssyncset.done $0x0  }
0x72: {  	[sflag:s7] =	ssyncadd.s32 $0xFFFFFFB0  }
0x73: {  	[spmem:s3] =	stream.indirect.scatter.add.f32 [tilespmem:s29], [sflag:$0x7], $0x80, s30, s24, $0xb8;
	[tilespmem:$0x1F200] =	vst v63  }
0x74: {  	_ =	swait.ge [sflag:s23], $0x2800  }
0x75: {  	[sflag:s23] =	ssyncset.done $0x0  }
0x76: {  	s21 =	sadd.s32 $0x200, s11;
	[sflag:s23] =	ssyncadd.s32 $0xFFFFD800  }
0x77: {  	[tilespmem:s29], [sflag:$0x2] =	stream.indirect.gather [hbm4b:s1+s24], $0x80, s21, s24, $0xb8;
	[tilespmem:$0x1F200] =	vst v63  }
0x78: {  	_ = 	snop  }
0x79: {  	[tilespmem:s30], [sflag:$0x5] =	stream.linear.gather [hbm4b:s17+s4], $0x50, $0x38;
	[tilespmem:$0x1F200] =	vst v63  }
0x7a: {  	_ =	swait.ge [sflag:s9], $0x2800  }
0x7b: {  	[sflag:s9] =	ssyncset.done $0x0  }
0x7c: {  	[sflag:s9] =	ssyncadd.s32 $0xFFFFD800  }
0x7d: {  	_ =	swait.ge [sflag:s10], $0x50  }
0x7e: {  	[sflag:s10] =	ssyncset.done $0x0  }
0x7f: {  	[sflag:s10] =	ssyncadd.s32 $0xFFFFFFB0  }
0x80: {  	[spmem:s3] =	stream.indirect.scatter.add.f32 [tilespmem:s0], [sflag:$0x7], $0x80, s2, s24, $0xb8;
	[tilespmem:$0x1F200] =	vst v63  }
.Ltmp0:
0x81: {  	_ =	swait.ge [sflag:s23], $0x2800;
	(pc) =	sbr.rel @p1 .LBB2_2-.Ltmp0, $4  }
0x82: {  	[sflag:s23] =	ssyncset.done $0x0  }
0x83: {  	s11 =	sadd.s32 $0x280, s11;
	[sflag:s23] =	ssyncadd.s32 $0xFFFFD800  }
0x84: {  	[tilespmem:s0], [sflag:$0x3] =	stream.indirect.gather [hbm4b:s1+s24], $0x80, s11, s24, $0xb8;
	[tilespmem:$0x1F200] =	vst v63  }
0x85: {  	s16 =	sadd.s32 $0x1E, s16;
	s18 =	sadd.s32 $0xF0, s18;
	s17 =	sadd.s32 $0x1E, s17  }
0x86: {  	[tilespmem:s2], [sflag:$0x6] =	stream.linear.gather [hbm4b:s20+s4], $0x50, $0x38;
	[tilespmem:$0x1F200] =	vst v63  }
0x87: {  	_ =	swait.ge [sflag:s28], $0x2800  }
0x88: {  	[sflag:s28] =	ssyncset.done $0x0  }
0x89: {  	[sflag:s28] =	ssyncadd.s32 $0xFFFFD800  }
0x8a: {  	_ =	swait.ge [sflag:s31], $0x50  }
0x8b: {  	[sflag:s31] =	ssyncset.done $0x0  }
0x8c: {  	[sflag:s31] =	ssyncadd.s32 $0xFFFFFFB0  }
0x8d: {  	[spmem:s3] =	stream.indirect.scatter.add.f32 [tilespmem:s25], [sflag:$0x7], $0x80, s26, s24, $0xb8;
	[tilespmem:$0x1F200] =	vst v63  }
0x8e: {  	_ =	swait.ge [sflag:s23], $0x2800  }
0x8f: {  	[sflag:s23] =	ssyncset.done $0x0  }
0x90: {  	s11 =	simm.s32 $0x3D80;
	[sflag:s23] =	ssyncadd.s32 $0xFFFFD800  }
0x91: {  	[tilespmem:s25], [sflag:$0x1] =	stream.indirect.gather [hbm4b:s1+s24], $0x80, s11, s24, $0xb8;
	[tilespmem:$0x1F200] =	vst v63  }
0x92: {  	s17 =	rddreg [dreg:$0xf]  }
0x93: {  	[tilespmem:s26], [sflag:$0x4] =	stream.linear.gather [hbm4b:s17+s4], $0x50, $0x38;
	[tilespmem:$0x1F200] =	vst v63  }
0x94: {  	_ =	swait.ge [sflag:s6], $0x2800  }
0x95: {  	[sflag:s6] =	ssyncset.done $0x0  }
0x96: {  	[sflag:s6] =	ssyncadd.s32 $0xFFFFD800  }
0x97: {  	_ =	swait.ge [sflag:s7], $0x50  }
0x98: {  	[sflag:s7] =	ssyncset.done $0x0  }
0x99: {  	[sflag:s7] =	ssyncadd.s32 $0xFFFFFFB0  }
0x9a: {  	[spmem:s3] =	stream.indirect.scatter.add.f32 [tilespmem:s29], [sflag:$0x7], $0x80, s30, s24, $0xb8;
	[tilespmem:$0x1F200] =	vst v63  }
0x9b: {  	_ =	swait.ge [sflag:s23], $0x2800  }
0x9c: {  	[sflag:s23] =	ssyncset.done $0x0  }
0x9d: {  	s18 =	simm.s32 $0x3E00;
	[sflag:s23] =	ssyncadd.s32 $0xFFFFD800  }
0x9e: {  	[tilespmem:s29], [sflag:$0x2] =	stream.indirect.gather [hbm4b:s1+s24], $0x80, s18, s24, $0xb8;
	[tilespmem:$0x1F200] =	vst v63  }
0x9f: {  	s20 =	rddreg [dreg:$0x10]  }
0xa0: {  	[tilespmem:s30], [sflag:$0x5] =	stream.linear.gather [hbm4b:s20+s4], $0x50, $0x38;
	[tilespmem:$0x1F200] =	vst v63  }
0xa1: {  	_ =	swait.ge [sflag:s9], $0x2800  }
0xa2: {  	[sflag:s9] =	ssyncset.done $0x0  }
0xa3: {  	[sflag:s9] =	ssyncadd.s32 $0xFFFFD800  }
0xa4: {  	_ =	swait.ge [sflag:s10], $0x50  }
0xa5: {  	[sflag:s10] =	ssyncset.done $0x0  }
0xa6: {  	[sflag:s10] =	ssyncadd.s32 $0xFFFFFFB0  }
0xa7: {  	[spmem:s3] =	stream.indirect.scatter.add.f32 [tilespmem:s0], [sflag:$0x7], $0x80, s2, s24, $0xb8;
	[tilespmem:$0x1F200] =	vst v63  }
0xa8: {  	_ =	swait.ge [sflag:s23], $0x2800  }
0xa9: {  	[sflag:s23] =	ssyncset.done $0x0  }
0xaa: {  	[sflag:s23] =	ssyncadd.s32 $0xFFFFD800  }
0xab: {  	_ =	swait.ge [sflag:s28], $0x2800  }
0xac: {  	[sflag:s28] =	ssyncset.done $0x0  }
0xad: {  	[sflag:s28] =	ssyncadd.s32 $0xFFFFD800  }
0xae: {  	_ =	swait.ge [sflag:s31], $0x50  }
0xaf: {  	[sflag:s31] =	ssyncset.done $0x0  }
0xb0: {  	[sflag:s31] =	ssyncadd.s32 $0xFFFFFFB0  }
0xb1: {  	[spmem:s3] =	stream.indirect.scatter.add.f32 [tilespmem:s25], [sflag:$0x7], $0x80, s26, s24, $0xb8;
	[tilespmem:$0x1F200] =	vst v63  }
0xb2: {  	_ =	swait.ge [sflag:s23], $0x2800  }
0xb3: {  	[sflag:s23] =	ssyncset.done $0x0  }
0xb4: {  	[sflag:s23] =	ssyncadd.s32 $0xFFFFD800  }
0xb5: {  	_ =	swait.ge [sflag:s6], $0x2800  }
0xb6: {  	[sflag:s6] =	ssyncset.done $0x0  }
0xb7: {  	[sflag:s6] =	ssyncadd.s32 $0xFFFFD800  }
0xb8: {  	_ =	swait.ge [sflag:s7], $0x50  }
0xb9: {  	[sflag:s7] =	ssyncset.done $0x0  }
0xba: {  	[sflag:s7] =	ssyncadd.s32 $0xFFFFFFB0  }
0xbb: {  	[spmem:s3] =	stream.indirect.scatter.add.f32 [tilespmem:s29], [sflag:$0x7], $0x80, s30, s24, $0xb8;
	[tilespmem:$0x1F200] =	vst v63  }
0xbc: {  	_ =	swait.ge [sflag:s23], $0x2800  }
0xbd: {  	[sflag:s23] =	ssyncset.done $0x0  }
0xbe: {  	[sflag:s23] =	ssyncadd.s32 $0xFFFFD800  }
0xbf: {  	[bflag:$0x0] =	sbarrier.arrive $0xFFFF  }
0xc0: {  	s21 =	rddreg [dreg:$0xc]  }
0xc1: {  	[hbm:s21], [sflag:s8] =	dma.local [spmem:s13], $0x2700  }
0xc2: {  	_ =	swait.ge [sflag:s23], $0x2700  }
0xc3: {  	[sflag:s23] =	ssyncset.done $0x0  }
0xc4: {  	s11 =	rddreg [dreg:$0xd];
	[sflag:s23] =	ssyncadd.s32 $0xFFFFD900  }
0xc5: {  	[hbm:s11], [sflag:s8] =	dma.local @!p0 [spmem:s14], $0x100  }
0xc6: {  	s11 =	simm.s32 @!p0 $0x7  }
0xc7: {  	_ =	swait.ge @!p0 [sflag:s11], $0x100  }
0xc8: {  	s12 =	sadd.s32 $0x1, s12;
	s22 =	rddreg [dreg:$0xe]  }
0xc9: {  	p1 =	sne.s32 s12, s22  }
.Ltmp1:
0xca: {  	_ = 	snop;
	(pc) =	sbr.rel @p1 .LBB2_1-.Ltmp1, $3  }
0xcb: {  	_ =	sdelay $0x1  }
0xcc: {  	[sflag:s11] =	ssyncset.done @!p0 $0x0  }
0xcd: {  	[sflag:s11] =	ssyncadd.s32 @!p0 $0xFFFFFF00  }
0xce: {  	_ =	sfence.sel $0x180000  }
0xcf: {  	[bflag:$0x0] =	sbarrier.arrive $0xFFFF  }
0xd0: {  	_ =	strace $0x9000004A  }
0xd1: {  	s0 =	stileid.u32;
	[bflag:$0x2] =	sbarrier.arrive $0xFFFF  }
0xd2: {  	p0 =	sne.s32 s0, $0x0;
	s0 =	rddreg [dreg:$0x3]  }
0xd3: {  	s0 =	sadd.s32 @!p0 $0x100000, s0  }
0xd4: {  	[sflag:s0] =	ssyncadd.tile.s32 @!p0 $0x1;
	_ =	shalt  }
.Lfunc_end2:
_tile_overlayer_lowered:
.L_overlay_start_2:
0xd5: {  	(tag) =	ssettag $0x2  }
0xd6: {  	s0 =	rddreg [dreg:$0x0];
	s2 =	stileid.u32  }
0xd7: {  	s1 =	rddreg [dreg:$0x1];
	p0 =	sne.s32 s2, $0x0  }
0xd8: {  	s3 =	rddreg [dreg:$0x2];
	[bflag:$0x3] =	sbarrier.arrive $0xFFFF;
	s2 =	simm.s32 @!p0 $0x1C07  }
0xd9: {  	[timem:s3], [sflag:s2] =	dma.local @!p0 [hbm:s0], s1  }
0xda: {  	s0 =	simm.s32 @!p0 $0x7  }
0xdb: {  	_ =	swait.ge @!p0 [sflag:s0], s1  }
0xdc: {  	s1 =	ssub.s32 @!p0 $0x0, s1;
	[sflag:s0] =	ssyncset.done @!p0 $0x0  }
0xdd: {  	[sflag:s0] =	ssyncadd.s32 @!p0 s1  }
0xde: {  	[bflag:$0x3] =	sbarrier.arrive $0xFFFF  }
0xdf: {  	_ =	shalt  }

// kernel: kernel.14.cloned.1.call-start
scs
__scs_entry_jumppad:
0x0: {  	(pc) =	sbr.rel $0x88, $3  }
0x1: {  	(tag) =	ssettag $0x0;
	lr =	simm.s32 $0x1  }
0x2: {  	[smem:$0x3F96] =	sst lr;
	_ =	strace $0xD0000000  }
0x3: {  	_ = 	snop  }
0x4: {  	_ = 	snop  }
0x5: {  	_ = 	snop  }
0x6: {  	_ = 	snop  }
0x7: {  	_ = 	snop  }
__scs_overlays_trampoline_lowered:
0x8: {  	[smem:$0x3FA5] =	sst s0  }
0x9: {  	[smem:$0x3FA6] =	sst s1  }
0xa: {  	[smem:$0x3FA7] =	sst s2  }
0xb: {  	[smem:$0x3FA8] =	sst s3  }
0xc: {  	[smem:$0x3FA9] =	sst s4  }
0xd: {  	[smem:$0x3FAA] =	sst s5  }
0xe: {  	[smem:$0x3FAB] =	sst s6  }
0xf: {  	[smem:$0x3FAC] =	sst s7  }
0x10: {  	[smem:$0x3FAD] =	sst s8  }
0x11: {  	[smem:$0x3FAE] =	sst s9;
	s0 =	simm.s32 @!p0 $0x0  }
0x12: {  	s1 =	sld [smem:$0x3F94];
	s0 =	simm.s32 @p0 $0x1  }
0x13: {  	[smem:$0x3FAF] =	sst s0;
	s0 =	simm.s32 @!p1 $0x0  }
0x14: {  	s2 =	sld [smem:$0x3F93];
	s0 =	simm.s32 @p1 $0x1  }
0x15: {  	[smem:$0x3FB0] =	sst s0;
	s0 =	simm.s32 @!p2 $0x0  }
0x16: {  	s3 =	sld [smem:$0x3FDB];
	s0 =	simm.s32 @p2 $0x1  }
0x17: {  	s4 =	simm.s32 $0x1BF5;
	[smem:$0x3FB2] =	sst s0  }
0x18: {  	s0 =	sld [smem:$0x3F95];
	_ =	swait.ge [sflag:s4], $0x0  }
0x19: {  	s7 =	sld [smem:$0x3F96]  }
0x1a: {  	s8 =	sadd.s32 $0xFFFFE003, lr  }
0x1b: {  	s9 =	sadd.s32 $0xFFFFFEF7, lr;
	s5 =	simm.s32 $0xFFFFFFFF;
	p2 =	slt.u32 s8, $0xFFFFF086  }
0x1c: {  	p1 =	slt.u32 s9, $0xF7A;
	s5 =	simm.s32 @!p2 $0x0  }
0x1d: {  	s5 =	simm.s32 @p1 $0x1;
	p0 =	seq.s32 s7, s2  }
0x1e: {  	s7 =	smul.u32 @!p0 $0xF7A, s2;
	p2 =	seq.s32 @!p0 s5, $0x0  }
0x1f: {  	s9 =	smul.u32 $0xF7A, s1;
	s8 =	simm.s32 @!p0 $0x1BF5;
	p2 =	por !p2, p0  }
0x20: {  	[sflag:s8] =	ssyncset.s32 @!p0 $0xFFFFF086;
	s6 =	sadd.s32 @!p0 s3, s7;
	s7 =	simm.s32 @!p0 $0x108  }
0x21: {  	s3 =	sadd.s32 s3, s9;
	s6 =	sadd.s32 @!p0 $0x88, s6;
	s7 =	simm.s32 @p2 $0x1082  }
0x22: {  	[simem:s7], [sflag:s8] =	dma.local @!p0 [hbm:s6], $0xF7A  }
0x23: {  	s9 =	sor.u32 $0xD0000000, s2;
	s6 =	simm.s32 $0x108;
	_ =	swait.ge @!p0 [sflag:s8], $0x0  }
0x24: {  	s3 =	sadd.s32 $0x88, s3;
	s6 =	simm.s32 @!p1 $0x1082;
	[sflag:s4] =	ssyncset.s32 $0xFFFFF086  }
0x25: {  	[simem:s6], [sflag:s4] =	dma.local [hbm:s3], $0xF7A  }
0x26: {  	[smem:$0x3F96] =	sst s1;
	(tag) =	ssettag s2;
	_ =	strace s9  }
0x27: {  	s1 =	sld [smem:$0x3FA6]  }
0x28: {  	s2 =	sld [smem:$0x3FA7]  }
0x29: {  	s4 =	sld [smem:$0x3FA9]  }
0x2a: {  	p0 =	seq.s32 s5, $0x0;
	s5 =	sld [smem:$0x3FAA]  }
0x2b: {  	s6 =	sld [smem:$0x3FAB]  }
0x2c: {  	s7 =	sld [smem:$0x3FAC]  }
0x2d: {  	s3 =	simm.s32 $0x108;
	s8 =	sld [smem:$0x3FAD]  }
0x2e: {  	s3 =	simm.s32 @!p0 $0x1082;
	s9 =	sld [smem:$0x3FAE]  }
0x2f: {  	lr =	sadd.s32 s0, s3;
	s0 =	sld [smem:$0x3FA5]  }
0x30: {  	s3 =	sld [smem:$0x3FA8]  }
0x31: {  	[smem:$0x3FB1] =	sst s10  }
0x32: {  	s10 =	sld [smem:$0x3FAF];
	_ =	sdelay $0x3  }
0x33: {  	p0 =	seq.s32 s10, $0x1;
	s10 =	sld [smem:$0x3FB1];
	_ =	sdelay $0x3  }
0x34: {  	[smem:$0x3FB1] =	sst s10  }
0x35: {  	s10 =	sld [smem:$0x3FB0];
	_ =	sdelay $0x3  }
0x36: {  	p1 =	seq.s32 s10, $0x1;
	s10 =	sld [smem:$0x3FB1];
	_ =	sdelay $0x3  }
0x37: {  	[smem:$0x3FB1] =	sst s10  }
0x38: {  	s10 =	sld [smem:$0x3FB2]  }
0x39: {  	_ = 	snop;
	(pc) =	sbr.ind lr, $3  }
0x3a: {  	_ = 	snop  }
0x3b: {  	_ = 	snop  }
0x3c: {  	p2 =	seq.s32 s10, $0x1;
	s10 =	sld [smem:$0x3FB1]  }
0x3d: {  	_ =	shalt  }
0x3e: {  	_ =	shalt  }
0x3f: {  	_ =	shalt  }
0x40: {  	_ =	shalt  }
0x41: {  	_ =	shalt  }
0x42: {  	_ =	shalt  }
0x43: {  	_ =	shalt  }
0x44: {  	_ =	shalt  }
0x45: {  	_ =	shalt  }
0x46: {  	_ =	shalt  }
0x47: {  	_ =	shalt  }
0x48: {  	_ =	shalt  }
0x49: {  	_ =	shalt  }
0x4a: {  	_ =	shalt  }
0x4b: {  	_ =	shalt  }
0x4c: {  	_ =	shalt  }
0x4d: {  	_ =	shalt  }
0x4e: {  	_ =	shalt  }
0x4f: {  	_ =	shalt  }
0x50: {  	_ =	shalt  }
0x51: {  	_ =	shalt  }
0x52: {  	_ =	shalt  }
0x53: {  	_ =	shalt  }
0x54: {  	_ =	shalt  }
0x55: {  	_ =	shalt  }
0x56: {  	_ =	shalt  }
0x57: {  	_ =	shalt  }
0x58: {  	_ =	shalt  }
0x59: {  	_ =	shalt  }
0x5a: {  	_ =	shalt  }
0x5b: {  	_ =	shalt  }
0x5c: {  	_ =	shalt  }
0x5d: {  	_ =	shalt  }
0x5e: {  	_ =	shalt  }
0x5f: {  	_ =	shalt  }
0x60: {  	_ =	shalt  }
0x61: {  	_ =	shalt  }
0x62: {  	_ =	shalt  }
0x63: {  	_ =	shalt  }
0x64: {  	_ =	shalt  }
0x65: {  	_ =	shalt  }
0x66: {  	_ =	shalt  }
0x67: {  	_ =	shalt  }
0x68: {  	_ =	shalt  }
0x69: {  	_ =	shalt  }
0x6a: {  	_ =	shalt  }
0x6b: {  	_ =	shalt  }
0x6c: {  	_ =	shalt  }
0x6d: {  	_ =	shalt  }
0x6e: {  	_ =	shalt  }
0x6f: {  	_ =	shalt  }
0x70: {  	_ =	shalt  }
0x71: {  	_ =	shalt  }
0x72: {  	_ =	shalt  }
0x73: {  	_ =	shalt  }
0x74: {  	_ =	shalt  }
0x75: {  	_ =	shalt  }
0x76: {  	_ =	shalt  }
0x77: {  	_ =	shalt  }
0x78: {  	_ =	shalt  }
0x79: {  	_ =	shalt  }
0x7a: {  	_ =	shalt  }
0x7b: {  	_ =	shalt  }
0x7c: {  	_ =	shalt  }
0x7d: {  	_ =	shalt  }
0x7e: {  	_ =	shalt  }
0x7f: {  	_ =	shalt  }
0x80: {  	_ =	shalt  }
0x81: {  	_ =	shalt  }
0x82: {  	_ =	shalt  }
0x83: {  	_ =	shalt  }
0x84: {  	_ =	shalt  }
0x85: {  	_ =	shalt  }
0x86: {  	_ =	shalt  }
0x87: {  	_ =	shalt  }
.Lfunc_end0:
.L_simem_size_0:
called_computation.2_lowered:
.L_overlay_start_0:
0x88: {  	s2 =	sld [smem:$0x3FD9]  }
0x89: {  	s3 =	sld [smem:$0x3FFE];
	_ =	sdelay $0x1  }
0x8a: {  	s1 =	srdreg.scid  }
0x8b: {  	s0 =	sand.u32 $0x1, s1  }
0x8c: {  	s17 =	sshll.u32 s0, $0xA;
	s2 =	sadd.s32 s3, s2  }
0x8d: {  	s2 =	sadd.s32 s2, s17  }
0x8e: {  	[smem:$0x3FBD] =	sst s2  }
0x8f: {  	_ = 	snop  }
0x90: {  	s2 =	sld [smem:$0x3FD0];
	(tm) =	ssettm $0x1  }
0x91: {  	s18 =	sld [smem:$0x3FFB];
	_ =	sdelay $0x3  }
0x92: {  	_ =	strace s18  }
0x93: {  	s3 =	sld [smem:$0x3FFC];
	_ =	sdelay $0x3  }
0x94: {  	_ =	strace s3  }
0x95: {  	s3 =	sld [smem:$0x3FFD];
	_ =	sdelay $0x3  }
0x96: {  	_ =	strace s3  }
0x97: {  	_ =	strace $0x8FFFFFFF  }
0x98: {  	s19 =	sld [smem:$0x3FDB];
	_ =	sdelay $0x1  }
0x99: {  	s4 =	simm.s32 $_scs_section_size  }
0x9a: {  	s5 =	simm.s32 $_size__tile_overlayer_lowered;
	s6 =	simm.s32 $_tile_overlayer_lowered  }
0x9b: {  	s22 =	simm.s32 $0x1BFF;
	s21 =	sshll.u32 s6, $0x1;
	s3 =	sadd.s32 s4, s19  }
0x9c: {  	s7 =	simm.s32 $0x0;
	s20 =	sshll.u32 s5, $0x1;
	s5 =	sadd.s32 s21, s3  }
0x9d: {  	[timem:s7], [sflag:s22] =	dma.local [hbm:s5], s20  }
0x9e: {  	_ =	swait.ge [sflag:s22], s20  }
0x9f: {  	s4 =	ssub.s32 $0x0, s20;
	[sflag:s22] =	ssyncset.done $0x0  }
0xa0: {  	[sflag:s22] =	ssyncadd.s32 s4;
	_ =	sdelay $0x1  }
0xa1: {  	s23 =	simm.s32 $0x1B8B  }
0xa2: {  	_ =	swait.ge [sflag:s23], $0x1  }
0xa3: {  	[sflag:s23] =	ssyncset.done $0x0  }
0xa4: {  	s25 =	simm.s32 $0x1B8E;
	s24 =	sld [smem:$0x3FFE];
	[sflag:s23] =	ssyncadd.s32 $0xFFFFFFFF  }
0xa5: {  	s26 =	simm.s32 $execute0_lowered;
	[smem:$0x3FD2] =	sst s25  }
0xa6: {  	s5 =	sshll.u32 s26, $0x1;
	_ =	strace $0x8000004C;
	[dreg:$0x1] =	wrdreg $0xFFFFFFFF  }
0xa7: {  	s28 =	simm.s32 $_size_execute0_lowered;
	s3 =	sadd.s32 s3, s5;
	[dreg:$0x0] =	wrdreg $0x0  }
0xa8: {  	s5 =	sshll.u32 s28, $0x1;
	[dreg:$0x2] =	wrdreg s3  }
0xa9: {  	[dreg:$0x3] =	wrdreg s5  }
0xaa: {  	[dreg:$0x4] =	wrdreg $0xC0  }
0xab: {  	_ =	task [dreg:s7], $0x5FFFF  }
0xac: {  	[dreg:$0x1] =	wrdreg $0xFFFFFFFF  }
0xad: {  	[dreg:$0x0] =	wrdreg $0x60  }
0xae: {  	[dreg:$0x2] =	wrdreg s2  }
0xaf: {  	[dreg:$0x3] =	wrdreg s24  }
0xb0: {  	[dreg:$0x4] =	wrdreg $0xB9800  }
0xb1: {  	[dreg:$0x5] =	wrdreg $0x9  }
0xb2: {  	_ =	task.clear_ibuf [dreg:s7], $0x6FFFF;
	_ =	strace $0x9000004C  }
0xb3: {  	s29 =	simm.s32 $0x9;
	_ =	strace $0x8000004E  }
0xb4: {  	_ =	swait.ge [sflag:s29], $0x1  }
0xb5: {  	[sflag:s29] =	ssyncadd.s32 $0xFFFFFFFF  }
0xb6: {  	_ =	strace $0x9000004E  }
0xb7: {  	_ =	sfence  }
0xb8: {  	s30 =	sld [smem:$0x0];
	_ =	sdelay $0x2  }
0xb9: {  	s31 =	sshll.u32 s1, $0xD;
	s1 =	sshrl.u32 s1, $0x2  }
0xba: {  	s3 =	sand.u32 $0x4000, s31;
	s1 =	sadd.s32 s1, s30  }
0xbb: {  	s0 =	sor.u32 s3, s0;
	s1 =	sshll.u32 s1, $0x11  }
0xbc: {  	s0 =	sor.u32 s1, s0  }
0xbd: {  	s0 =	sadd.s32 $0x8F2B, s0  }
0xbe: {  	[sflag:s0] =	ssyncadd.remote.s32 $0x1  }
0xbf: {  	_ =	sfence.sel $0xFFFF  }
0xc0: {  	[dreg:$0x0] =	wrdreg $0xFFFFFFFF;
	(pc) =	sbr.abs _section_cstart, $3  }
0xc1: {  	[dreg:$0x1] =	wrdreg $0xFFFFFFFF  }
0xc2: {  	_ =	task.clear_ibuf [dreg:s7], $0x2FFFF;
	_ =	strace $0x9FFFFFFF  }
0xc3: {  	(tm) =	ssettm $0x7FFFFFFF  }
tec
execute0_lowered:
.L_overlay_start_1:
0x0: {  	(tag) =	ssettag $0x1  }
0x1: {  	s1 =	rddreg [dreg:$0x0]  }
0x2: {  	s0 =	rddreg [dreg:$0x1]  }
0x3: {  	s3 =	rddreg [dreg:$0x2];
	s4 =	simm.s32 $0x0  }
0x4: {  	s2 =	srdreg.scid;
	s11 =	stileid.u32;
	s29 =	simm.s32 $0x6980  }
0x5: {  	s30 =	simm.s32 $0x4080;
	s28 =	simm.s32 $0x1;
	s31 =	simm.s32 $0x4  }
0x6: {  	[smem:$0x7FF] =	sst s4;
	s2 =	sand.u32 $0x1, s2;
	s8 =	smul.u32 $0x4E000, s11  }
0x7: {  	s5 =	sshll.u32 s11, $0x1;
	s12 =	smul.u32 $0x13800, s11;
	s25 =	sshll.u32 s11, $0x6  }
0x8: {  	s26 =	sadd.s32 $0x138000, s3;
	s13 =	sadd.s32 $0x27000, s1;
	s16 =	smul.u32 $0x4E20, s11  }
0x9: {  	p0 =	sne.s32 s11, $0xF;
	_ =	strace $0x8000004D;
	s6 =	sor.u32 s2, s5  }
0xa: {  	s7 =	ssub.s32 $0x2, s2;
	[dreg:$0x6] =	wrdreg s26;
	s14 =	smul.u32 $0x138800, s2  }
0xb: {  	[dreg:$0x7] =	wrdreg s13;
	s2 =	smul.u32 $0x2710, s2;
	s5 =	sshll.u32 s6, $0xB  }
0xc: {  	s10 =	sshrl.u32 s7, $0x1;
	s8 =	sshrl.u32 s8, $0x2;
	s23 =	sshrl.u32 s12, $0x3  }
0xd: {  	s6 =	smul.u32 $0x2710, s6;
	s9 =	sadd.s32 s5, s0;
	s5 =	sadd.s32 $0x2800, s0  }
0xe: {  	s0 =	sadd.s32 $0x1C600, s0;
	s7 =	ssub.s32 s7, s10;
	s8 =	sadd.s32 s8, s3  }
0xf: {  	s24 =	sadd.s32 s1, s23;
	s17 =	sadd.s32 s12, s14;
	[dreg:$0x4] =	wrdreg s8  }
0x10: {  	s20 =	sadd.s32 s2, s16;
	s12 =	simm.s32 $0x0;
	[dreg:$0x5] =	wrdreg s24  }
0x11: {  	s8 =	sor.u32 $0x1C07, s25;
	s6 =	sshrl.u32 s6, $0x3;
	s9 =	sadd.s32 $0xC600, s9  }
0x12: {  	s10 =	sshrl.u32 s17, $0x3;
	s21 =	smax.u32 s7, $0x1;
	s22 =	sadd.s32 $0x190, s20  }
0x13: {  	s23 =	sadd.s32 $0x140, s20;
	s7 =	simm.s32 $0x5;
	[dreg:$0x9] =	wrdreg s9  }
0x14: {  	s13 =	sadd.s32 s5, s6;
	s6 =	sshrl.u32 s14, $0x3;
	[dreg:$0xe] =	wrdreg s21  }
0x15: {  	s2 =	sshrl.u32 s22, $0x3;
	s15 =	sadd.s32 $0xA, s13;
	[dreg:$0x8] =	wrdreg s13  }
0x16: {  	s9 =	simm.s32 $0x3;
	s18 =	sadd.s32 $0x14, s13;
	[dreg:$0xa] =	wrdreg s15  }
0x17: {  	s6 =	sadd.s32 s0, s6;
	s0 =	sadd.s32 s0, s10;
	[dreg:$0xb] =	wrdreg s18  }
0x18: {  	s24 =	sadd.s32 $0x4CE, s13;
	s25 =	sadd.s32 $0x4D8, s13;
	[dreg:$0xc] =	wrdreg s0  }
0x19: {  	s10 =	simm.s32 $0x6;
	s19 =	sadd.s32 $0x27000, s6;
	[dreg:$0xf] =	wrdreg s24  }
0x1a: {  	s6 =	sshrl.u32 s23, $0x3;
	[dreg:$0x10] =	wrdreg s25;
	s0 =	sadd.s32 $0xF0, s20  }
0x1b: {  	s23 =	simm.s32 $0x7;
	s24 =	simm.s32 $0x50;
	s25 =	simm.s32 $0x4180  }
0x1c: {  	[dreg:$0xd] =	wrdreg s19;
	s19 =	sadd.s32 s2, s5;
	s26 =	sadd.s32 s6, s5  }
0x1d: {  	[dreg:$0x12] =	wrdreg s0;
	s0 =	simm.s32 $0x9180;
	s2 =	simm.s32 $0x4100  }
0x1e: {  	s6 =	simm.s32 $0x2;
	[dreg:$0x11] =	wrdreg s26;
	s26 =	simm.s32 $0x4000  }
.LBB2_1:
0x1f: {  	s11 =	rddreg [dreg:$0x4]  }
0x20: {  	s15 =	rddreg [dreg:$0x5];
	s13 =	sshrl.u32 s11, $0x3  }
0x21: {  	[spmem:s13], [sflag:s8] =	dma.local [hbm:s15], $0x2700  }
0x22: {  	_ =	swait.ge [sflag:s23], $0x2700  }
0x23: {  	s15 =	simm.s32 @!p0 $0x7;
	[sflag:s23] =	ssyncset.done $0x0;
	s11 =	rddreg [dreg:$0x6]  }
0x24: {  	[sflag:s23] =	ssyncadd.s32 $0xFFFFD900;
	s14 =	sshrl.u32 @!p0 s11, $0x3;
	s11 =	rddreg [dreg:$0x7]  }
0x25: {  	[spmem:s14], [sflag:s8] =	dma.local @!p0 [hbm:s11], $0x100  }
0x26: {  	_ =	swait.ge @!p0 [sflag:s15], $0x100  }
0x27: {  	[sflag:s15] =	ssyncset.done @!p0 $0x0  }
0x28: {  	s16 =	rddreg [dreg:$0x9];
	[sflag:s15] =	ssyncadd.s32 @!p0 $0xFFFFFF00  }
0x29: {  	[tilespmem:s4], [sflag:$0x7] =	stream.linear.gather [hbm4b:s16+s4], $0x3E80, $0x38;
	[tilespmem:$0x1F200] =	vst v63  }
0x2a: {  	_ =	swait.ge [sflag:s23], $0x3E80  }
0x2b: {  	[sflag:s23] =	ssyncset.done $0x0  }
0x2c: {  	[sflag:s23] =	ssyncadd.s32 $0xFFFFC180  }
0x2d: {  	[bflag:$0x0] =	sbarrier.arrive $0xFFFF  }
0x2e: {  	[tilespmem:s25], [sflag:$0x1] =	stream.indirect.gather [hbm4b:s1+s24], $0x80, s4, s24, $0xb8;
	[tilespmem:$0x1F200] =	vst v63  }
0x2f: {  	s17 =	rddreg [dreg:$0x8]  }
0x30: {  	[tilespmem:s26], [sflag:$0x4] =	stream.linear.gather [hbm4b:s17+s4], $0x50, $0x38;
	[tilespmem:$0x1F200] =	vst v63  }
0x31: {  	s18 =	simm.s32 $0x80  }
0x32: {  	[tilespmem:s29], [sflag:$0x2] =	stream.indirect.gather [hbm4b:s1+s24], $0x80, s18, s24, $0xb8;
	[tilespmem:$0x1F200] =	vst v63  }
0x33: {  	s20 =	rddreg [dreg:$0xa]  }
0x34: {  	[tilespmem:s30], [sflag:$0x5] =	stream.linear.gather [hbm4b:s20+s4], $0x50, $0x38;
	[tilespmem:$0x1F200] =	vst v63  }
0x35: {  	s21 =	simm.s32 $0x100  }
0x36: {  	[tilespmem:s0], [sflag:$0x3] =	stream.indirect.gather [hbm4b:s1+s24], $0x80, s21, s24, $0xb8;
	[tilespmem:$0x1F200] =	vst v63  }
0x37: {  	s22 =	rddreg [dreg:$0xb]  }
0x38: {  	[tilespmem:s2], [sflag:$0x6] =	stream.linear.gather [hbm4b:s22+s4], $0x50, $0x38;
	[tilespmem:$0x1F200] =	vst v63  }
0x39: {  	_ =	swait.ge [sflag:s28], $0x2800  }
0x3a: {  	[sflag:s28] =	ssyncset.done $0x0  }
0x3b: {  	[sflag:s28] =	ssyncadd.s32 $0xFFFFD800  }
0x3c: {  	_ =	swait.ge [sflag:s31], $0x50  }
0x3d: {  	[sflag:s31] =	ssyncset.done $0x0  }
0x3e: {  	[sflag:s31] =	ssyncadd.s32 $0xFFFFFFB0  }
0x3f: {  	[spmem:s3] =	stream.indirect.scatter.add.f32 [tilespmem:s25], [sflag:$0x7], $0x80, s26, s24, $0xb8;
	[tilespmem:$0x1F200] =	vst v63  }
0x40: {  	_ =	swait.ge [sflag:s23], $0x2800  }
0x41: {  	[sflag:s23] =	ssyncset.done $0x0;
	s18 =	rddreg [dreg:$0x12]  }
0x42: {  	s11 =	simm.s32 $0x180;
	[sflag:s23] =	ssyncadd.s32 $0xFFFFD800;
	s16 =	sshrl.u32 s18, $0x3  }
0x43: {  	[tilespmem:s25], [sflag:$0x1] =	stream.indirect.gather [hbm4b:s1+s24], $0x80, s11, s24, $0xb8;
	[tilespmem:$0x1F200] =	vst v63  }
0x44: {  	s17 =	sadd.s32 s5, s16  }
0x45: {  	[tilespmem:s26], [sflag:$0x4] =	stream.linear.gather [hbm4b:s17+s4], $0x50, $0x38;
	[tilespmem:$0x1F200] =	vst v63  }
0x46: {  	_ =	swait.ge [sflag:s6], $0x2800  }
0x47: {  	[sflag:s6] =	ssyncset.done $0x0  }
0x48: {  	[sflag:s6] =	ssyncadd.s32 $0xFFFFD800  }
0x49: {  	_ =	swait.ge [sflag:s7], $0x50  }
0x4a: {  	[sflag:s7] =	ssyncset.done $0x0  }
0x4b: {  	[sflag:s7] =	ssyncadd.s32 $0xFFFFFFB0  }
0x4c: {  	[spmem:s3] =	stream.indirect.scatter.add.f32 [tilespmem:s29], [sflag:$0x7], $0x80, s30, s24, $0xb8;
	[tilespmem:$0x1F200] =	vst v63  }
0x4d: {  	_ =	swait.ge [sflag:s23], $0x2800  }
0x4e: {  	[sflag:s23] =	ssyncset.done $0x0  }
0x4f: {  	s20 =	simm.s32 $0x200;
	[sflag:s23] =	ssyncadd.s32 $0xFFFFD800  }
0x50: {  	[tilespmem:s29], [sflag:$0x2] =	stream.indirect.gather [hbm4b:s1+s24], $0x80, s20, s24, $0xb8;
	[tilespmem:$0x1F200] =	vst v63  }
0x51: {  	s21 =	rddreg [dreg:$0x11]  }
0x52: {  	[tilespmem:s30], [sflag:$0x5] =	stream.linear.gather [hbm4b:s21+s4], $0x50, $0x38;
	[tilespmem:$0x1F200] =	vst v63  }
0x53: {  	_ =	swait.ge [sflag:s9], $0x2800  }
0x54: {  	[sflag:s9] =	ssyncset.done $0x0  }
0x55: {  	[sflag:s9] =	ssyncadd.s32 $0xFFFFD800  }
0x56: {  	_ =	swait.ge [sflag:s10], $0x50  }
0x57: {  	[sflag:s10] =	ssyncset.done $0x0  }
0x58: {  	[sflag:s10] =	ssyncadd.s32 $0xFFFFFFB0  }
0x59: {  	[spmem:s3] =	stream.indirect.scatter.add.f32 [tilespmem:s0], [sflag:$0x7], $0x80, s2, s24, $0xb8;
	[tilespmem:$0x1F200] =	vst v63  }
0x5a: {  	s15 =	simm.s32 $0x600;
	s22 =	simm.s32 $0x280;
	_ =	swait.ge [sflag:s23], $0x2800  }
0x5b: {  	s18 =	sadd.s32 $0xF0, s18;
	s16 =	sadd.s32 $0x1E, s19;
	[sflag:s23] =	ssyncset.done $0x0  }
0x5c: {  	s17 =	sadd.s32 $0x1E, s21;
	s20 =	smov.u32 s19;
	[sflag:s23] =	ssyncadd.s32 $0xFFFFD800  }
0x5d: {  	[tilespmem:s0], [sflag:$0x3] =	stream.indirect.gather [hbm4b:s1+s24], $0x80, s22, s24, $0xb8;
	[tilespmem:$0x1F200] =	vst v63  }
.LBB2_2:
0x5e: {  	[tilespmem:s2], [sflag:$0x6] =	stream.linear.gather [hbm4b:s20+s4], $0x50, $0x38;
	[tilespmem:$0x1F200] =	vst v63  }
0x5f: {  	s11 =	smov.u32 s15;
	s20 =	smov.u32 s16  }
0x60: {  	p1 =	sne.s32 s15, $0xEA00;
	s15 =	sadd.s32 $0x600, s15;
	_ =	swait.ge [sflag:s28], $0x2800  }
0x61: {  	[sflag:s28] =	ssyncset.done $0x0  }
0x62: {  	[sflag:s28] =	ssyncadd.s32 $0xFFFFD800  }
0x63: {  	_ =	swait.ge [sflag:s31], $0x50  }
0x64: {  	[sflag:s31] =	ssyncset.done $0x0  }
0x65: {  	[sflag:s31] =	ssyncadd.s32 $0xFFFFFFB0  }
0x66: {  	[spmem:s3] =	stream.indirect.scatter.add.f32 [tilespmem:s25], [sflag:$0x7], $0x80, s26, s24, $0xb8;
	[tilespmem:$0x1F200] =	vst v63  }
0x67: {  	_ =	swait.ge [sflag:s23], $0x2800  }
0x68: {  	s11 =	sshra.s32 s11, $0x2;
	[sflag:s23] =	ssyncset.done $0x0  }
0x69: {  	s22 =	sshrl.u32 s18, $0x3;
	s21 =	sadd.s32 $0x180, s11;
	[sflag:s23] =	ssyncadd.s32 $0xFFFFD800  }
0x6a: {  	[tilespmem:s25], [sflag:$0x1] =	stream.indirect.gather [hbm4b:s1+s24], $0x80, s21, s24, $0xb8;
	[tilespmem:$0x1F200] =	vst v63  }
0x6b: {  	s21 =	sadd.s32 s5, s22  }
0x6c: {  	[tilespmem:s26], [sflag:$0x4] =	stream.linear.gather [hbm4b:s21+s4], $0x50, $0x38;
	[tilespmem:$0x1F200] =	vst v63  }
0x6d: {  	_ =	swait.ge [sflag:s6], $0x2800  }
0x6e: {  	[sflag:s6] =	ssyncset.done $0x0  }
0x6f: {  	[sflag:s6] =	ssyncadd.s32 $0xFFFFD800  }
0x70: {  	_ =	swait.ge [sflag:s7], $0x50  }
0x71: {  	[sflag:s7] =	ssyncset.done $0x0  }
0x72: {  	[sflag:s7] =	ssyncadd.s32 $0xFFFFFFB0  }
0x73: {  	[spmem:s3] =	stream.indirect.scatter.add.f32 [tilespmem:s29], [sflag:$0x7], $0x80, s30, s24, $0xb8;
	[tilespmem:$0x1F200] =	vst v63  }
0x74: {  	_ =	swait.ge [sflag:s23], $0x2800  }
0x75: {  	[sflag:s23] =	ssyncset.done $0x0  }
0x76: {  	s21 =	sadd.s32 $0x200, s11;
	[sflag:s23] =	ssyncadd.s32 $0xFFFFD800  }
0x77: {  	[tilespmem:s29], [sflag:$0x2] =	stream.indirect.gather [hbm4b:s1+s24], $0x80, s21, s24, $0xb8;
	[tilespmem:$0x1F200] =	vst v63  }
0x78: {  	_ = 	snop  }
0x79: {  	[tilespmem:s30], [sflag:$0x5] =	stream.linear.gather [hbm4b:s17+s4], $0x50, $0x38;
	[tilespmem:$0x1F200] =	vst v63  }
0x7a: {  	_ =	swait.ge [sflag:s9], $0x2800  }
0x7b: {  	[sflag:s9] =	ssyncset.done $0x0  }
0x7c: {  	[sflag:s9] =	ssyncadd.s32 $0xFFFFD800  }
0x7d: {  	_ =	swait.ge [sflag:s10], $0x50  }
0x7e: {  	[sflag:s10] =	ssyncset.done $0x0  }
0x7f: {  	[sflag:s10] =	ssyncadd.s32 $0xFFFFFFB0  }
0x80: {  	[spmem:s3] =	stream.indirect.scatter.add.f32 [tilespmem:s0], [sflag:$0x7], $0x80, s2, s24, $0xb8;
	[tilespmem:$0x1F200] =	vst v63  }
.Ltmp0:
0x81: {  	_ =	swait.ge [sflag:s23], $0x2800;
	(pc) =	sbr.rel @p1 .LBB2_2-.Ltmp0, $4  }
0x82: {  	[sflag:s23] =	ssyncset.done $0x0  }
0x83: {  	s11 =	sadd.s32 $0x280, s11;
	[sflag:s23] =	ssyncadd.s32 $0xFFFFD800  }
0x84: {  	[tilespmem:s0], [sflag:$0x3] =	stream.indirect.gather [hbm4b:s1+s24], $0x80, s11, s24, $0xb8;
	[tilespmem:$0x1F200] =	vst v63  }
0x85: {  	s16 =	sadd.s32 $0x1E, s16;
	s18 =	sadd.s32 $0xF0, s18;
	s17 =	sadd.s32 $0x1E, s17  }
0x86: {  	[tilespmem:s2], [sflag:$0x6] =	stream.linear.gather [hbm4b:s20+s4], $0x50, $0x38;
	[tilespmem:$0x1F200] =	vst v63  }
0x87: {  	_ =	swait.ge [sflag:s28], $0x2800  }
0x88: {  	[sflag:s28] =	ssyncset.done $0x0  }
0x89: {  	[sflag:s28] =	ssyncadd.s32 $0xFFFFD800  }
0x8a: {  	_ =	swait.ge [sflag:s31], $0x50  }
0x8b: {  	[sflag:s31] =	ssyncset.done $0x0  }
0x8c: {  	[sflag:s31] =	ssyncadd.s32 $0xFFFFFFB0  }
0x8d: {  	[spmem:s3] =	stream.indirect.scatter.add.f32 [tilespmem:s25], [sflag:$0x7], $0x80, s26, s24, $0xb8;
	[tilespmem:$0x1F200] =	vst v63  }
0x8e: {  	_ =	swait.ge [sflag:s23], $0x2800  }
0x8f: {  	[sflag:s23] =	ssyncset.done $0x0  }
0x90: {  	s11 =	simm.s32 $0x3D80;
	[sflag:s23] =	ssyncadd.s32 $0xFFFFD800  }
0x91: {  	[tilespmem:s25], [sflag:$0x1] =	stream.indirect.gather [hbm4b:s1+s24], $0x80, s11, s24, $0xb8;
	[tilespmem:$0x1F200] =	vst v63  }
0x92: {  	s17 =	rddreg [dreg:$0xf]  }
0x93: {  	[tilespmem:s26], [sflag:$0x4] =	stream.linear.gather [hbm4b:s17+s4], $0x50, $0x38;
	[tilespmem:$0x1F200] =	vst v63  }
0x94: {  	_ =	swait.ge [sflag:s6], $0x2800  }
0x95: {  	[sflag:s6] =	ssyncset.done $0x0  }
0x96: {  	[sflag:s6] =	ssyncadd.s32 $0xFFFFD800  }
0x97: {  	_ =	swait.ge [sflag:s7], $0x50  }
0x98: {  	[sflag:s7] =	ssyncset.done $0x0  }
0x99: {  	[sflag:s7] =	ssyncadd.s32 $0xFFFFFFB0  }
0x9a: {  	[spmem:s3] =	stream.indirect.scatter.add.f32 [tilespmem:s29], [sflag:$0x7], $0x80, s30, s24, $0xb8;
	[tilespmem:$0x1F200] =	vst v63  }
0x9b: {  	_ =	swait.ge [sflag:s23], $0x2800  }
0x9c: {  	[sflag:s23] =	ssyncset.done $0x0  }
0x9d: {  	s18 =	simm.s32 $0x3E00;
	[sflag:s23] =	ssyncadd.s32 $0xFFFFD800  }
0x9e: {  	[tilespmem:s29], [sflag:$0x2] =	stream.indirect.gather [hbm4b:s1+s24], $0x80, s18, s24, $0xb8;
	[tilespmem:$0x1F200] =	vst v63  }
0x9f: {  	s20 =	rddreg [dreg:$0x10]  }
0xa0: {  	[tilespmem:s30], [sflag:$0x5] =	stream.linear.gather [hbm4b:s20+s4], $0x50, $0x38;
	[tilespmem:$0x1F200] =	vst v63  }
0xa1: {  	_ =	swait.ge [sflag:s9], $0x2800  }
0xa2: {  	[sflag:s9] =	ssyncset.done $0x0  }
0xa3: {  	[sflag:s9] =	ssyncadd.s32 $0xFFFFD800  }
0xa4: {  	_ =	swait.ge [sflag:s10], $0x50  }
0xa5: {  	[sflag:s10] =	ssyncset.done $0x0  }
0xa6: {  	[sflag:s10] =	ssyncadd.s32 $0xFFFFFFB0  }
0xa7: {  	[spmem:s3] =	stream.indirect.scatter.add.f32 [tilespmem:s0], [sflag:$0x7], $0x80, s2, s24, $0xb8;
	[tilespmem:$0x1F200] =	vst v63  }
0xa8: {  	_ =	swait.ge [sflag:s23], $0x2800  }
0xa9: {  	[sflag:s23] =	ssyncset.done $0x0  }
0xaa: {  	[sflag:s23] =	ssyncadd.s32 $0xFFFFD800  }
0xab: {  	_ =	swait.ge [sflag:s28], $0x2800  }
0xac: {  	[sflag:s28] =	ssyncset.done $0x0  }
0xad: {  	[sflag:s28] =	ssyncadd.s32 $0xFFFFD800  }
0xae: {  	_ =	swait.ge [sflag:s31], $0x50  }
0xaf: {  	[sflag:s31] =	ssyncset.done $0x0  }
0xb0: {  	[sflag:s31] =	ssyncadd.s32 $0xFFFFFFB0  }
0xb1: {  	[spmem:s3] =	stream.indirect.scatter.add.f32 [tilespmem:s25], [sflag:$0x7], $0x80, s26, s24, $0xb8;
	[tilespmem:$0x1F200] =	vst v63  }
0xb2: {  	_ =	swait.ge [sflag:s23], $0x2800  }
0xb3: {  	[sflag:s23] =	ssyncset.done $0x0  }
0xb4: {  	[sflag:s23] =	ssyncadd.s32 $0xFFFFD800  }
0xb5: {  	_ =	swait.ge [sflag:s6], $0x2800  }
0xb6: {  	[sflag:s6] =	ssyncset.done $0x0  }
0xb7: {  	[sflag:s6] =	ssyncadd.s32 $0xFFFFD800  }
0xb8: {  	_ =	swait.ge [sflag:s7], $0x50  }
0xb9: {  	[sflag:s7] =	ssyncset.done $0x0  }
0xba: {  	[sflag:s7] =	ssyncadd.s32 $0xFFFFFFB0  }
0xbb: {  	[spmem:s3] =	stream.indirect.scatter.add.f32 [tilespmem:s29], [sflag:$0x7], $0x80, s30, s24, $0xb8;
	[tilespmem:$0x1F200] =	vst v63  }
0xbc: {  	_ =	swait.ge [sflag:s23], $0x2800  }
0xbd: {  	[sflag:s23] =	ssyncset.done $0x0  }
0xbe: {  	[sflag:s23] =	ssyncadd.s32 $0xFFFFD800  }
0xbf: {  	[bflag:$0x0] =	sbarrier.arrive $0xFFFF  }
0xc0: {  	s21 =	rddreg [dreg:$0xc]  }
0xc1: {  	[hbm:s21], [sflag:s8] =	dma.local [spmem:s13], $0x2700  }
0xc2: {  	_ =	swait.ge [sflag:s23], $0x2700  }
0xc3: {  	[sflag:s23] =	ssyncset.done $0x0  }
0xc4: {  	s11 =	rddreg [dreg:$0xd];
	[sflag:s23] =	ssyncadd.s32 $0xFFFFD900  }
0xc5: {  	[hbm:s11], [sflag:s8] =	dma.local @!p0 [spmem:s14], $0x100  }
0xc6: {  	s11 =	simm.s32 @!p0 $0x7  }
0xc7: {  	_ =	swait.ge @!p0 [sflag:s11], $0x100  }
0xc8: {  	s12 =	sadd.s32 $0x1, s12;
	s22 =	rddreg [dreg:$0xe]  }
0xc9: {  	p1 =	sne.s32 s12, s22  }
.Ltmp1:
0xca: {  	_ = 	snop;
	(pc) =	sbr.rel @p1 .LBB2_1-.Ltmp1, $3  }
0xcb: {  	_ =	sdelay $0x1  }
0xcc: {  	[sflag:s11] =	ssyncset.done @!p0 $0x0  }
0xcd: {  	[sflag:s11] =	ssyncadd.s32 @!p0 $0xFFFFFF00  }
0xce: {  	_ =	sfence.sel $0x180000  }
0xcf: {  	[bflag:$0x0] =	sbarrier.arrive $0xFFFF  }
0xd0: {  	_ =	strace $0x9000004D  }
0xd1: {  	s0 =	stileid.u32;
	[bflag:$0x2] =	sbarrier.arrive $0xFFFF  }
0xd2: {  	p0 =	sne.s32 s0, $0x0;
	s0 =	rddreg [dreg:$0x3]  }
0xd3: {  	s0 =	sadd.s32 @!p0 $0x100000, s0  }
0xd4: {  	[sflag:s0] =	ssyncadd.tile.s32 @!p0 $0x1;
	_ =	shalt  }
.Lfunc_end2:
_tile_overlayer_lowered:
.L_overlay_start_2:
0xd5: {  	(tag) =	ssettag $0x2  }
0xd6: {  	s0 =	rddreg [dreg:$0x0];
	s2 =	stileid.u32  }
0xd7: {  	s1 =	rddreg [dreg:$0x1];
	p0 =	sne.s32 s2, $0x0  }
0xd8: {  	s3 =	rddreg [dreg:$0x2];
	[bflag:$0x3] =	sbarrier.arrive $0xFFFF;
	s2 =	simm.s32 @!p0 $0x1C07  }
0xd9: {  	[timem:s3], [sflag:s2] =	dma.local @!p0 [hbm:s0], s1  }
0xda: {  	s0 =	simm.s32 @!p0 $0x7  }
0xdb: {  	_ =	swait.ge @!p0 [sflag:s0], s1  }
0xdc: {  	s1 =	ssub.s32 @!p0 $0x0, s1;
	[sflag:s0] =	ssyncset.done @!p0 $0x0  }
0xdd: {  	[sflag:s0] =	ssyncadd.s32 @!p0 s1  }
0xde: {  	[bflag:$0x3] =	sbarrier.arrive $0xFFFF  }
0xdf: {  	_ =	shalt  }

// kernel: kernel.8.cloned.1.call-start
scs
__scs_entry_jumppad:
0x0: {  	(pc) =	sbr.rel $0x88, $3  }
0x1: {  	(tag) =	ssettag $0x0;
	lr =	simm.s32 $0x1  }
0x2: {  	[smem:$0x3F96] =	sst lr;
	_ =	strace $0xD0000000  }
0x3: {  	_ = 	snop  }
0x4: {  	_ = 	snop  }
0x5: {  	_ = 	snop  }
0x6: {  	_ = 	snop  }
0x7: {  	_ = 	snop  }
__scs_overlays_trampoline_lowered:
0x8: {  	[smem:$0x3FA5] =	sst s0  }
0x9: {  	[smem:$0x3FA6] =	sst s1  }
0xa: {  	[smem:$0x3FA7] =	sst s2  }
0xb: {  	[smem:$0x3FA8] =	sst s3  }
0xc: {  	[smem:$0x3FA9] =	sst s4  }
0xd: {  	[smem:$0x3FAA] =	sst s5  }
0xe: {  	[smem:$0x3FAB] =	sst s6  }
0xf: {  	[smem:$0x3FAC] =	sst s7  }
0x10: {  	[smem:$0x3FAD] =	sst s8  }
0x11: {  	[smem:$0x3FAE] =	sst s9;
	s0 =	simm.s32 @!p0 $0x0  }
0x12: {  	s1 =	sld [smem:$0x3F94];
	s0 =	simm.s32 @p0 $0x1  }
0x13: {  	[smem:$0x3FAF] =	sst s0;
	s0 =	simm.s32 @!p1 $0x0  }
0x14: {  	s2 =	sld [smem:$0x3F93];
	s0 =	simm.s32 @p1 $0x1  }
0x15: {  	[smem:$0x3FB0] =	sst s0;
	s0 =	simm.s32 @!p2 $0x0  }
0x16: {  	s3 =	sld [smem:$0x3FDB];
	s0 =	simm.s32 @p2 $0x1  }
0x17: {  	s4 =	simm.s32 $0x1BF5;
	[smem:$0x3FB2] =	sst s0  }
0x18: {  	s0 =	sld [smem:$0x3F95];
	_ =	swait.ge [sflag:s4], $0x0  }
0x19: {  	s7 =	sld [smem:$0x3F96]  }
0x1a: {  	s8 =	sadd.s32 $0xFFFFE003, lr  }
0x1b: {  	s9 =	sadd.s32 $0xFFFFFEF7, lr;
	s5 =	simm.s32 $0xFFFFFFFF;
	p2 =	slt.u32 s8, $0xFFFFF086  }
0x1c: {  	p1 =	slt.u32 s9, $0xF7A;
	s5 =	simm.s32 @!p2 $0x0  }
0x1d: {  	s5 =	simm.s32 @p1 $0x1;
	p0 =	seq.s32 s7, s2  }
0x1e: {  	s7 =	smul.u32 @!p0 $0xF7A, s2;
	p2 =	seq.s32 @!p0 s5, $0x0  }
0x1f: {  	s9 =	smul.u32 $0xF7A, s1;
	s8 =	simm.s32 @!p0 $0x1BF5;
	p2 =	por !p2, p0  }
0x20: {  	[sflag:s8] =	ssyncset.s32 @!p0 $0xFFFFF086;
	s6 =	sadd.s32 @!p0 s3, s7;
	s7 =	simm.s32 @!p0 $0x108  }
0x21: {  	s3 =	sadd.s32 s3, s9;
	s6 =	sadd.s32 @!p0 $0x88, s6;
	s7 =	simm.s32 @p2 $0x1082  }
0x22: {  	[simem:s7], [sflag:s8] =	dma.local @!p0 [hbm:s6], $0xF7A  }
0x23: {  	s9 =	sor.u32 $0xD0000000, s2;
	s6 =	simm.s32 $0x108;
	_ =	swait.ge @!p0 [sflag:s8], $0x0  }
0x24: {  	s3 =	sadd.s32 $0x88, s3;
	s6 =	simm.s32 @!p1 $0x1082;
	[sflag:s4] =	ssyncset.s32 $0xFFFFF086  }
0x25: {  	[simem:s6], [sflag:s4] =	dma.local [hbm:s3], $0xF7A  }
0x26: {  	[smem:$0x3F96] =	sst s1;
	(tag) =	ssettag s2;
	_ =	strace s9  }
0x27: {  	s1 =	sld [smem:$0x3FA6]  }
0x28: {  	s2 =	sld [smem:$0x3FA7]  }
0x29: {  	s4 =	sld [smem:$0x3FA9]  }
0x2a: {  	p0 =	seq.s32 s5, $0x0;
	s5 =	sld [smem:$0x3FAA]  }
0x2b: {  	s6 =	sld [smem:$0x3FAB]  }
0x2c: {  	s7 =	sld [smem:$0x3FAC]  }
0x2d: {  	s3 =	simm.s32 $0x108;
	s8 =	sld [smem:$0x3FAD]  }
0x2e: {  	s3 =	simm.s32 @!p0 $0x1082;
	s9 =	sld [smem:$0x3FAE]  }
0x2f: {  	lr =	sadd.s32 s0, s3;
	s0 =	sld [smem:$0x3FA5]  }
0x30: {  	s3 =	sld [smem:$0x3FA8]  }
0x31: {  	[smem:$0x3FB1] =	sst s10  }
0x32: {  	s10 =	sld [smem:$0x3FAF];
	_ =	sdelay $0x3  }
0x33: {  	p0 =	seq.s32 s10, $0x1;
	s10 =	sld [smem:$0x3FB1];
	_ =	sdelay $0x3  }
0x34: {  	[smem:$0x3FB1] =	sst s10  }
0x35: {  	s10 =	sld [smem:$0x3FB0];
	_ =	sdelay $0x3  }
0x36: {  	p1 =	seq.s32 s10, $0x1;
	s10 =	sld [smem:$0x3FB1];
	_ =	sdelay $0x3  }
0x37: {  	[smem:$0x3FB1] =	sst s10  }
0x38: {  	s10 =	sld [smem:$0x3FB2]  }
0x39: {  	_ = 	snop;
	(pc) =	sbr.ind lr, $3  }
0x3a: {  	_ = 	snop  }
0x3b: {  	_ = 	snop  }
0x3c: {  	p2 =	seq.s32 s10, $0x1;
	s10 =	sld [smem:$0x3FB1]  }
0x3d: {  	_ =	shalt  }
0x3e: {  	_ =	shalt  }
0x3f: {  	_ =	shalt  }
0x40: {  	_ =	shalt  }
0x41: {  	_ =	shalt  }
0x42: {  	_ =	shalt  }
0x43: {  	_ =	shalt  }
0x44: {  	_ =	shalt  }
0x45: {  	_ =	shalt  }
0x46: {  	_ =	shalt  }
0x47: {  	_ =	shalt  }
0x48: {  	_ =	shalt  }
0x49: {  	_ =	shalt  }
0x4a: {  	_ =	shalt  }
0x4b: {  	_ =	shalt  }
0x4c: {  	_ =	shalt  }
0x4d: {  	_ =	shalt  }
0x4e: {  	_ =	shalt  }
0x4f: {  	_ =	shalt  }
0x50: {  	_ =	shalt  }
0x51: {  	_ =	shalt  }
0x52: {  	_ =	shalt  }
0x53: {  	_ =	shalt  }
0x54: {  	_ =	shalt  }
0x55: {  	_ =	shalt  }
0x56: {  	_ =	shalt  }
0x57: {  	_ =	shalt  }
0x58: {  	_ =	shalt  }
0x59: {  	_ =	shalt  }
0x5a: {  	_ =	shalt  }
0x5b: {  	_ =	shalt  }
0x5c: {  	_ =	shalt  }
0x5d: {  	_ =	shalt  }
0x5e: {  	_ =	shalt  }
0x5f: {  	_ =	shalt  }
0x60: {  	_ =	shalt  }
0x61: {  	_ =	shalt  }
0x62: {  	_ =	shalt  }
0x63: {  	_ =	shalt  }
0x64: {  	_ =	shalt  }
0x65: {  	_ =	shalt  }
0x66: {  	_ =	shalt  }
0x67: {  	_ =	shalt  }
0x68: {  	_ =	shalt  }
0x69: {  	_ =	shalt  }
0x6a: {  	_ =	shalt  }
0x6b: {  	_ =	shalt  }
0x6c: {  	_ =	shalt  }
0x6d: {  	_ =	shalt  }
0x6e: {  	_ =	shalt  }
0x6f: {  	_ =	shalt  }
0x70: {  	_ =	shalt  }
0x71: {  	_ =	shalt  }
0x72: {  	_ =	shalt  }
0x73: {  	_ =	shalt  }
0x74: {  	_ =	shalt  }
0x75: {  	_ =	shalt  }
0x76: {  	_ =	shalt  }
0x77: {  	_ =	shalt  }
0x78: {  	_ =	shalt  }
0x79: {  	_ =	shalt  }
0x7a: {  	_ =	shalt  }
0x7b: {  	_ =	shalt  }
0x7c: {  	_ =	shalt  }
0x7d: {  	_ =	shalt  }
0x7e: {  	_ =	shalt  }
0x7f: {  	_ =	shalt  }
0x80: {  	_ =	shalt  }
0x81: {  	_ =	shalt  }
0x82: {  	_ =	shalt  }
0x83: {  	_ =	shalt  }
0x84: {  	_ =	shalt  }
0x85: {  	_ =	shalt  }
0x86: {  	_ =	shalt  }
0x87: {  	_ =	shalt  }
.Lfunc_end0:
.L_simem_size_0:
called_computation_lowered:
.L_overlay_start_0:
0x88: {  	s2 =	sld [smem:$0x3FD9]  }
0x89: {  	s3 =	sld [smem:$0x3FFE];
	_ =	sdelay $0x1  }
0x8a: {  	s1 =	srdreg.scid  }
0x8b: {  	s0 =	sand.u32 $0x1, s1  }
0x8c: {  	s17 =	sshll.u32 s0, $0xA;
	s2 =	sadd.s32 s3, s2  }
0x8d: {  	s2 =	sadd.s32 s2, s17  }
0x8e: {  	[smem:$0x3FBD] =	sst s2  }
0x8f: {  	_ = 	snop  }
0x90: {  	s2 =	sld [smem:$0x3FD0];
	(tm) =	ssettm $0x1  }
0x91: {  	s18 =	sld [smem:$0x3FFB];
	_ =	sdelay $0x3  }
0x92: {  	_ =	strace s18  }
0x93: {  	s3 =	sld [smem:$0x3FFC];
	_ =	sdelay $0x3  }
0x94: {  	_ =	strace s3  }
0x95: {  	s3 =	sld [smem:$0x3FFD];
	_ =	sdelay $0x3  }
0x96: {  	_ =	strace s3  }
0x97: {  	_ =	strace $0x8FFFFFFF  }
0x98: {  	s19 =	sld [smem:$0x3FDB];
	_ =	sdelay $0x1  }
0x99: {  	s4 =	simm.s32 $_scs_section_size  }
0x9a: {  	s5 =	simm.s32 $_size__tile_overlayer_lowered;
	s6 =	simm.s32 $_tile_overlayer_lowered  }
0x9b: {  	s22 =	simm.s32 $0x1BFF;
	s21 =	sshll.u32 s6, $0x1;
	s3 =	sadd.s32 s4, s19  }
0x9c: {  	s7 =	simm.s32 $0x0;
	s20 =	sshll.u32 s5, $0x1;
	s5 =	sadd.s32 s21, s3  }
0x9d: {  	[timem:s7], [sflag:s22] =	dma.local [hbm:s5], s20  }
0x9e: {  	_ =	swait.ge [sflag:s22], s20  }
0x9f: {  	s4 =	ssub.s32 $0x0, s20;
	[sflag:s22] =	ssyncset.done $0x0  }
0xa0: {  	[sflag:s22] =	ssyncadd.s32 s4;
	_ =	sdelay $0x1  }
0xa1: {  	s23 =	simm.s32 $0x1B8B  }
0xa2: {  	_ =	swait.ge [sflag:s23], $0x1  }
0xa3: {  	[sflag:s23] =	ssyncset.done $0x0  }
0xa4: {  	s25 =	simm.s32 $0x1B8E;
	s24 =	sld [smem:$0x3FFE];
	[sflag:s23] =	ssyncadd.s32 $0xFFFFFFFF  }
0xa5: {  	s26 =	simm.s32 $execute0_lowered;
	[smem:$0x3FD2] =	sst s25  }
0xa6: {  	s5 =	sshll.u32 s26, $0x1;
	_ =	strace $0x80000046;
	[dreg:$0x1] =	wrdreg $0xFFFFFFFF  }
0xa7: {  	s28 =	simm.s32 $_size_execute0_lowered;
	s3 =	sadd.s32 s3, s5;
	[dreg:$0x0] =	wrdreg $0x0  }
0xa8: {  	s5 =	sshll.u32 s28, $0x1;
	[dreg:$0x2] =	wrdreg s3  }
0xa9: {  	[dreg:$0x3] =	wrdreg s5  }
0xaa: {  	[dreg:$0x4] =	wrdreg $0xC0  }
0xab: {  	_ =	task [dreg:s7], $0x5FFFF  }
0xac: {  	[dreg:$0x1] =	wrdreg $0xFFFFFFFF  }
0xad: {  	[dreg:$0x0] =	wrdreg $0x60  }
0xae: {  	[dreg:$0x2] =	wrdreg s24  }
0xaf: {  	[dreg:$0x3] =	wrdreg s2  }
0xb0: {  	[dreg:$0x4] =	wrdreg $0x7A000  }
0xb1: {  	[dreg:$0x5] =	wrdreg $0x9  }
0xb2: {  	_ =	task.clear_ibuf [dreg:s7], $0x6FFFF;
	_ =	strace $0x90000046  }
0xb3: {  	s29 =	simm.s32 $0x9;
	_ =	strace $0x80000048  }
0xb4: {  	_ =	swait.ge [sflag:s29], $0x1  }
0xb5: {  	[sflag:s29] =	ssyncadd.s32 $0xFFFFFFFF  }
0xb6: {  	_ =	strace $0x90000048  }
0xb7: {  	_ =	sfence  }
0xb8: {  	s30 =	sld [smem:$0x0];
	_ =	sdelay $0x2  }
0xb9: {  	s31 =	sshll.u32 s1, $0xD;
	s1 =	sshrl.u32 s1, $0x2  }
0xba: {  	s3 =	sand.u32 $0x4000, s31;
	s1 =	sadd.s32 s1, s30  }
0xbb: {  	s0 =	sor.u32 s3, s0;
	s1 =	sshll.u32 s1, $0x11  }
0xbc: {  	s0 =	sor.u32 s1, s0  }
0xbd: {  	s0 =	sadd.s32 $0x8F2B, s0  }
0xbe: {  	[sflag:s0] =	ssyncadd.remote.s32 $0x1  }
0xbf: {  	_ =	sfence.sel $0xFFFF  }
0xc0: {  	[dreg:$0x0] =	wrdreg $0xFFFFFFFF;
	(pc) =	sbr.abs _section_cstart, $3  }
0xc1: {  	[dreg:$0x1] =	wrdreg $0xFFFFFFFF  }
0xc2: {  	_ =	task.clear_ibuf [dreg:s7], $0x2FFFF;
	_ =	strace $0x9FFFFFFF  }
0xc3: {  	(tm) =	ssettm $0x7FFFFFFF  }
tec
execute0_lowered:
.L_overlay_start_1:
0x0: {  	(tag) =	ssettag $0x1  }
0x1: {  	s0 =	rddreg [dreg:$0x0];
	s1 =	srdreg.scid  }
0x2: {  	s8 =	stileid.u32;
	s2 =	rddreg [dreg:$0x1]  }
0x3: {  	s5 =	rddreg [dreg:$0x2];
	s4 =	simm.s32 $0x0;
	s23 =	simm.s32 $0x1  }
0x4: {  	s24 =	simm.s32 $0x2780;
	s29 =	simm.s32 $0x7000;
	s30 =	simm.s32 $0x7280  }
0x5: {  	s31 =	simm.s32 $0x7500;
	s1 =	sand.u32 $0x1, s1;
	s6 =	smul.u32 $0xA000, s8  }
0x6: {  	s3 =	sshll.u32 s8, $0x1;
	[smem:$0x7FF] =	sst s4;
	s19 =	smul.u32 $0x280, s8  }
0x7: {  	s3 =	sor.u32 s1, s3;
	s25 =	ssub.s32 $0x2, s1;
	s28 =	smul.u32 $0x2800, s1  }
0x8: {  	_ =	strace $0x80000047;
	s3 =	smul.u32 $0x4E2, s3;
	s7 =	sshrl.u32 s25, $0x1  }
0x9: {  	s1 =	simm.s32 $0x7780;
	s26 =	sshrl.u32 s6, $0x2;
	s22 =	ssub.s32 s25, s7  }
0xa: {  	s4 =	sadd.s32 s26, s5;
	s5 =	sadd.s32 s19, s5;
	s0 =	sadd.s32 s3, s0  }
0xb: {  	s6 =	sadd.s32 $0x2800, s5;
	s7 =	sadd.s32 $0x5000, s5;
	s8 =	sadd.s32 $0x7800, s5  }
0xc: {  	s9 =	sadd.s32 $0xA000, s5;
	s10 =	sadd.s32 $0xC800, s5;
	s11 =	sadd.s32 $0xF000, s5  }
0xd: {  	s12 =	sadd.s32 $0x11800, s5;
	s13 =	sadd.s32 $0x14000, s5;
	s14 =	sadd.s32 $0x16800, s5  }
0xe: {  	s15 =	sadd.s32 $0x19000, s5;
	s16 =	sadd.s32 $0x1B800, s5;
	s17 =	sadd.s32 $0x1E000, s5  }
0xf: {  	s18 =	sadd.s32 $0x20800, s5;
	s3 =	sadd.s32 $0x2800, s0;
	s0 =	sadd.s32 s19, s28  }
0x10: {  	s20 =	sadd.s32 $0x25800, s5;
	s22 =	smax.u32 s22, $0x1;
	s0 =	sshrl.u32 s0, $0x3  }
0x11: {  	v0 =	vimm.f32 $0.0e+00;
	v1 =	vimm.f32 $1.000000000e+00;
	s19 =	sadd.s32 $0x23000, s5;
	s21 =	sadd.s32 s2, s0;
	s0 =	simm.s32 $0x0  }
.LBB2_1:
0x12: {  	s2 =	simm.s32 $0x40;
	s25 =	simm.s32 $0x0  }
.LBB2_2:
0x13: {  	p0 =	sne.s32 s2, $0x9FC0;
	[tilespmem:s25+$0x2780] =	vst v0;
	s25 =	smov.u32 s2;
	s2 =	sadd.s32 $0x40, s2  }
.Ltmp0:
0x14: {  	(pc) =	sbr.rel @p0 .LBB2_2-.Ltmp0, $2  }
0x15: {  	_ =	sdelay $0x2  }
0x16: {  	s25 =	sshra.s32 s25, $0x2  }
0x17: {  	[tilespmem:s25+$0x2780] =	vst v0;
	s2 =	simm.s32 $0x0  }
0x18: {  	[tilespmem:s2], [sflag:$0x1] =	stream.linear.gather [hbm4b:s3+s2], $0x2710, $0x38;
	[tilespmem:$0xA200] =	vst v63  }
0x19: {  	_ =	swait.ge [sflag:s23], $0x2710  }
0x1a: {  	[sflag:s23] =	ssyncset.done $0x0  }
0x1b: {  	s25 =	simm.s32 $0x0;
	s2 =	simm.s32 $0x40;
	[sflag:s23] =	ssyncadd.s32 $0xFFFFD8F0  }
.LBB2_4:
0x1c: {  	p0 =	sne.s32 s2, $0x9C00;
	v2 =	vld [tilespmem:s25+$0x0];
	_ =	sdelay $0x3  }
.Ltmp1:
0x1d: {  	(pc) =	sbr.rel @p0 .LBB2_4-.Ltmp1, $2  }
0x1e: {  	_ =	sdelay $0x2  }
0x1f: {  	s25 =	sshra.s32 s2, $0x2;
	s2 =	sadd.s32 $0x40, s2;
	[tilespmem:v2+s24+$0x0] =	vst.idx.add.f32.msk $0xffff, v1  }
0x20: {  	v2 =	vld [tilespmem:s25+$0x0];
	_ =	sdelay $0x7  }
0x21: {  	[tilespmem:v2+s24+$0x0] =	vst.idx.add.f32.msk $0xffff, v1  }
0x22: {  	[spmem:s4] =	stream.linear.scatter [tilespmem:s24], [sflag:$0x1], $0x2800, $0x38;
	[tilespmem:$0xA200] =	vst v63  }
0x23: {  	_ =	swait.ge [sflag:s23], $0x2800  }
0x24: {  	[sflag:s23] =	ssyncset.done $0x0  }
0x25: {  	[sflag:s23] =	ssyncadd.s32 $0xFFFFD800  }
0x26: {  	s2 =	simm.s32 $0x4F80;
	[bflag:$0x0] =	sbarrier.arrive $0xFFFF  }
0x27: {  	[tilespmem:s2], [sflag:$0x1] =	stream.linear.gather [spmem:s5], $0x280, $0x38;
	[tilespmem:$0xA200] =	vst v63  }
0x28: {  	_ =	swait.ge [sflag:s23], $0x280  }
0x29: {  	[sflag:s23] =	ssyncset.done $0x0  }
0x2a: {  	s26 =	simm.s32 $0x5200;
	[sflag:s23] =	ssyncadd.s32 $0xFFFFFD80  }
0x2b: {  	[tilespmem:s26], [sflag:$0x1] =	stream.linear.gather [spmem:s6], $0x280, $0x38;
	[tilespmem:$0xA200] =	vst v63  }
0x2c: {  	_ =	swait.ge [sflag:s23], $0x280  }
0x2d: {  	[sflag:s23] =	ssyncset.done $0x0  }
0x2e: {  	s26 =	simm.s32 $0x5480;
	[sflag:s23] =	ssyncadd.s32 $0xFFFFFD80  }
0x2f: {  	[tilespmem:s26], [sflag:$0x1] =	stream.linear.gather [spmem:s7], $0x280, $0x38;
	[tilespmem:$0xA200] =	vst v63  }
0x30: {  	_ =	swait.ge [sflag:s23], $0x280  }
0x31: {  	[sflag:s23] =	ssyncset.done $0x0  }
0x32: {  	s26 =	simm.s32 $0x5700;
	[sflag:s23] =	ssyncadd.s32 $0xFFFFFD80  }
0x33: {  	[tilespmem:s26], [sflag:$0x1] =	stream.linear.gather [spmem:s8], $0x280, $0x38;
	[tilespmem:$0xA200] =	vst v63  }
0x34: {  	_ =	swait.ge [sflag:s23], $0x280  }
0x35: {  	[sflag:s23] =	ssyncset.done $0x0  }
0x36: {  	s26 =	simm.s32 $0x5980;
	[sflag:s23] =	ssyncadd.s32 $0xFFFFFD80  }
0x37: {  	[tilespmem:s26], [sflag:$0x1] =	stream.linear.gather [spmem:s9], $0x280, $0x38;
	[tilespmem:$0xA200] =	vst v63  }
0x38: {  	_ =	swait.ge [sflag:s23], $0x280  }
0x39: {  	[sflag:s23] =	ssyncset.done $0x0  }
0x3a: {  	s26 =	simm.s32 $0x5C00;
	[sflag:s23] =	ssyncadd.s32 $0xFFFFFD80  }
0x3b: {  	[tilespmem:s26], [sflag:$0x1] =	stream.linear.gather [spmem:s10], $0x280, $0x38;
	[tilespmem:$0xA200] =	vst v63  }
0x3c: {  	_ =	swait.ge [sflag:s23], $0x280  }
0x3d: {  	[sflag:s23] =	ssyncset.done $0x0  }
0x3e: {  	s26 =	simm.s32 $0x5E80;
	[sflag:s23] =	ssyncadd.s32 $0xFFFFFD80  }
0x3f: {  	[tilespmem:s26], [sflag:$0x1] =	stream.linear.gather [spmem:s11], $0x280, $0x38;
	[tilespmem:$0xA200] =	vst v63  }
0x40: {  	_ =	swait.ge [sflag:s23], $0x280  }
0x41: {  	[sflag:s23] =	ssyncset.done $0x0  }
0x42: {  	s26 =	simm.s32 $0x6100;
	[sflag:s23] =	ssyncadd.s32 $0xFFFFFD80  }
0x43: {  	[tilespmem:s26], [sflag:$0x1] =	stream.linear.gather [spmem:s12], $0x280, $0x38;
	[tilespmem:$0xA200] =	vst v63  }
0x44: {  	_ =	swait.ge [sflag:s23], $0x280  }
0x45: {  	[sflag:s23] =	ssyncset.done $0x0  }
0x46: {  	s26 =	simm.s32 $0x6380;
	[sflag:s23] =	ssyncadd.s32 $0xFFFFFD80  }
0x47: {  	[tilespmem:s26], [sflag:$0x1] =	stream.linear.gather [spmem:s13], $0x280, $0x38;
	[tilespmem:$0xA200] =	vst v63  }
0x48: {  	_ =	swait.ge [sflag:s23], $0x280  }
0x49: {  	[sflag:s23] =	ssyncset.done $0x0  }
0x4a: {  	s26 =	simm.s32 $0x6600;
	[sflag:s23] =	ssyncadd.s32 $0xFFFFFD80  }
0x4b: {  	[tilespmem:s26], [sflag:$0x1] =	stream.linear.gather [spmem:s14], $0x280, $0x38;
	[tilespmem:$0xA200] =	vst v63  }
0x4c: {  	_ =	swait.ge [sflag:s23], $0x280  }
0x4d: {  	[sflag:s23] =	ssyncset.done $0x0  }
0x4e: {  	s26 =	simm.s32 $0x6880;
	[sflag:s23] =	ssyncadd.s32 $0xFFFFFD80  }
0x4f: {  	[tilespmem:s26], [sflag:$0x1] =	stream.linear.gather [spmem:s15], $0x280, $0x38;
	[tilespmem:$0xA200] =	vst v63  }
0x50: {  	_ =	swait.ge [sflag:s23], $0x280  }
0x51: {  	[sflag:s23] =	ssyncset.done $0x0  }
0x52: {  	s26 =	simm.s32 $0x6B00;
	[sflag:s23] =	ssyncadd.s32 $0xFFFFFD80  }
0x53: {  	[tilespmem:s26], [sflag:$0x1] =	stream.linear.gather [spmem:s16], $0x280, $0x38;
	[tilespmem:$0xA200] =	vst v63  }
0x54: {  	_ =	swait.ge [sflag:s23], $0x280  }
0x55: {  	[sflag:s23] =	ssyncset.done $0x0  }
0x56: {  	s26 =	simm.s32 $0x6D80;
	[sflag:s23] =	ssyncadd.s32 $0xFFFFFD80  }
0x57: {  	[tilespmem:s26], [sflag:$0x1] =	stream.linear.gather [spmem:s17], $0x280, $0x38;
	[tilespmem:$0xA200] =	vst v63  }
0x58: {  	_ =	swait.ge [sflag:s23], $0x280  }
0x59: {  	[sflag:s23] =	ssyncset.done $0x0  }
0x5a: {  	[sflag:s23] =	ssyncadd.s32 $0xFFFFFD80  }
0x5b: {  	[tilespmem:s29], [sflag:$0x1] =	stream.linear.gather [spmem:s18], $0x280, $0x38;
	[tilespmem:$0xA200] =	vst v63  }
0x5c: {  	_ =	swait.ge [sflag:s23], $0x280  }
0x5d: {  	[sflag:s23] =	ssyncset.done $0x0  }
0x5e: {  	[sflag:s23] =	ssyncadd.s32 $0xFFFFFD80  }
0x5f: {  	[tilespmem:s30], [sflag:$0x1] =	stream.linear.gather [spmem:s19], $0x280, $0x38;
	[tilespmem:$0xA200] =	vst v63  }
0x60: {  	_ =	swait.ge [sflag:s23], $0x280  }
0x61: {  	[sflag:s23] =	ssyncset.done $0x0  }
0x62: {  	[sflag:s23] =	ssyncadd.s32 $0xFFFFFD80  }
0x63: {  	[tilespmem:s31], [sflag:$0x1] =	stream.linear.gather [spmem:s20], $0x280, $0x38;
	[tilespmem:$0xA200] =	vst v63  }
0x64: {  	_ =	swait.ge [sflag:s23], $0x280  }
0x65: {  	s26 =	simm.s32 $0x0;
	[sflag:s23] =	ssyncset.done $0x0  }
0x66: {  	s25 =	sand.u32 $0x3F0, s26;
	[sflag:s23] =	ssyncadd.s32 $0xFFFFFD80  }
0x67: {  	v2 =	vld [tilespmem:s25+$0x5200]  }
0x68: {  	v3 =	vld [tilespmem:s2+$0x0];
	_ =	sdelay $0x1  }
0x69: {  	v4 =	vld [tilespmem:s25+$0x5480];
	_ =	sdelay $0x1  }
0x6a: {  	v5 =	vld [tilespmem:s25+$0x5700]  }
0x6b: {  	v2 =	vadd.f32 v2, v3  }
0x6c: {  	v3 =	vld [tilespmem:s25+$0x5980]  }
0x6d: {  	v2 =	vadd.f32 v4, v2  }
0x6e: {  	v56 =	vld [tilespmem:s25+$0x5C00]  }
0x6f: {  	v2 =	vadd.f32 v5, v2  }
0x70: {  	v57 =	vld [tilespmem:s25+$0x5E80]  }
0x71: {  	v2 =	vadd.f32 v3, v2  }
0x72: {  	v3 =	vld [tilespmem:s25+$0x6100]  }
0x73: {  	v2 =	vadd.f32 v56, v2  }
0x74: {  	v58 =	vld [tilespmem:s25+$0x6380]  }
0x75: {  	v2 =	vadd.f32 v57, v2  }
0x76: {  	v59 =	vld [tilespmem:s25+$0x6600]  }
0x77: {  	v2 =	vadd.f32 v3, v2  }
0x78: {  	v3 =	vld [tilespmem:s25+$0x6880]  }
0x79: {  	v2 =	vadd.f32 v58, v2  }
0x7a: {  	v60 =	vld [tilespmem:s25+$0x6B00]  }
0x7b: {  	v2 =	vadd.f32 v59, v2  }
0x7c: {  	v61 =	vld [tilespmem:s25+$0x6D80]  }
0x7d: {  	v2 =	vadd.f32 v3, v2  }
0x7e: {  	v3 =	vld [tilespmem:s25+$0x7000]  }
0x7f: {  	v2 =	vadd.f32 v60, v2  }
0x80: {  	v62 =	vld [tilespmem:s25+$0x7280]  }
0x81: {  	v2 =	vadd.f32 v61, v2  }
0x82: {  	v63 =	vld [tilespmem:s25+$0x7500]  }
0x83: {  	v2 =	vadd.f32 v3, v2;
	_ =	sdelay $0x1  }
0x84: {  	v2 =	vadd.f32 v62, v2;
	_ =	sdelay $0x1  }
0x85: {  	v2 =	vadd.f32 v63, v2  }
0x86: {  	s26 =	simm.s32 $0x10;
	s2 =	simm.s32 $0x7780  }
0x87: {  	s25 =	sand.u32 $0x3F0, s26;
	[tilespmem:s2+$0x0] =	vst v2  }
0x88: {  	s28 =	simm.s32 $0x20;
	s26 =	simm.s32 $0x4F90;
	v2 =	vld [tilespmem:s25+$0x5200]  }
.LBB2_6:
0x89: {  	p0 =	sne.s32 s28, $0x270;
	v3 =	vld [tilespmem:s26+$0x0];
	_ =	sdelay $0x1  }
0x8a: {  	v4 =	vld [tilespmem:s25+$0x5480];
	_ =	sdelay $0x1  }
0x8b: {  	v5 =	vld [tilespmem:s25+$0x5700]  }
0x8c: {  	v2 =	vadd.f32 v2, v3  }
0x8d: {  	v3 =	vld [tilespmem:s25+$0x5980]  }
0x8e: {  	v2 =	vadd.f32 v4, v2  }
0x8f: {  	v4 =	vld [tilespmem:s25+$0x5C00]  }
0x90: {  	v2 =	vadd.f32 v5, v2  }
0x91: {  	v5 =	vld [tilespmem:s25+$0x5E80]  }
0x92: {  	v2 =	vadd.f32 v3, v2  }
0x93: {  	v3 =	vld [tilespmem:s25+$0x6100]  }
0x94: {  	v2 =	vadd.f32 v4, v2  }
0x95: {  	v4 =	vld [tilespmem:s25+$0x6380]  }
0x96: {  	v2 =	vadd.f32 v5, v2  }
0x97: {  	v5 =	vld [tilespmem:s25+$0x6600]  }
0x98: {  	v2 =	vadd.f32 v3, v2  }
0x99: {  	v3 =	vld [tilespmem:s25+$0x6880]  }
0x9a: {  	v2 =	vadd.f32 v4, v2  }
0x9b: {  	v4 =	vld [tilespmem:s25+$0x6B00]  }
0x9c: {  	v2 =	vadd.f32 v5, v2  }
0x9d: {  	v5 =	vld [tilespmem:s25+$0x6D80]  }
0x9e: {  	v2 =	vadd.f32 v3, v2  }
0x9f: {  	v3 =	vld [tilespmem:s25+$0x7000]  }
0xa0: {  	v2 =	vadd.f32 v4, v2  }
0xa1: {  	v4 =	vld [tilespmem:s25+$0x7280]  }
0xa2: {  	v2 =	vadd.f32 v5, v2  }
0xa3: {  	v5 =	vld [tilespmem:s25+$0x7500]  }
0xa4: {  	v2 =	vadd.f32 v3, v2;
	_ =	sdelay $0x1  }
0xa5: {  	v2 =	vadd.f32 v4, v2  }
.Ltmp2:
0xa6: {  	(pc) =	sbr.rel @p0 .LBB2_6-.Ltmp2, $4  }
0xa7: {  	v2 =	vadd.f32 v5, v2  }
0xa8: {  	s2 =	sadd.s32 $0x10, s2  }
0xa9: {  	s25 =	sand.u32 $0x3F0, s28;
	[tilespmem:s2+$0x0] =	vst v2  }
0xaa: {  	s26 =	sadd.s32 $0x10, s26;
	s28 =	sadd.s32 $0x10, s28;
	v2 =	vld [tilespmem:s25+$0x5200]  }
0xab: {  	v3 =	vld [tilespmem:s26+$0x0];
	_ =	sdelay $0x1  }
0xac: {  	v4 =	vld [tilespmem:s25+$0x5480];
	_ =	sdelay $0x1  }
0xad: {  	v5 =	vld [tilespmem:s25+$0x5700]  }
0xae: {  	v2 =	vadd.f32 v2, v3  }
0xaf: {  	v3 =	vld [tilespmem:s25+$0x5980]  }
0xb0: {  	v2 =	vadd.f32 v4, v2  }
0xb1: {  	v56 =	vld [tilespmem:s25+$0x5C00]  }
0xb2: {  	v2 =	vadd.f32 v5, v2  }
0xb3: {  	v57 =	vld [tilespmem:s25+$0x5E80]  }
0xb4: {  	v2 =	vadd.f32 v3, v2  }
0xb5: {  	v3 =	vld [tilespmem:s25+$0x6100]  }
0xb6: {  	v2 =	vadd.f32 v56, v2  }
0xb7: {  	v58 =	vld [tilespmem:s25+$0x6380]  }
0xb8: {  	v2 =	vadd.f32 v57, v2  }
0xb9: {  	v59 =	vld [tilespmem:s25+$0x6600]  }
0xba: {  	v2 =	vadd.f32 v3, v2  }
0xbb: {  	v3 =	vld [tilespmem:s25+$0x6880]  }
0xbc: {  	v2 =	vadd.f32 v58, v2  }
0xbd: {  	v60 =	vld [tilespmem:s25+$0x6B00]  }
0xbe: {  	v2 =	vadd.f32 v59, v2  }
0xbf: {  	v61 =	vld [tilespmem:s25+$0x6D80]  }
0xc0: {  	v2 =	vadd.f32 v3, v2  }
0xc1: {  	v3 =	vld [tilespmem:s25+$0x7000]  }
0xc2: {  	v2 =	vadd.f32 v60, v2  }
0xc3: {  	v62 =	vld [tilespmem:s25+$0x7280]  }
0xc4: {  	v2 =	vadd.f32 v61, v2  }
0xc5: {  	v63 =	vld [tilespmem:s25+$0x7500]  }
0xc6: {  	v2 =	vadd.f32 v3, v2;
	_ =	sdelay $0x1  }
0xc7: {  	v2 =	vadd.f32 v62, v2;
	_ =	sdelay $0x1  }
0xc8: {  	s0 =	sadd.s32 $0x1, s0;
	v2 =	vadd.f32 v63, v2  }
0xc9: {  	s2 =	sadd.s32 $0x10, s2;
	p0 =	sne.s32 s0, s22  }
.Ltmp3:
0xca: {  	s28 =	simm.s32 $0x0;
	[tilespmem:s2+$0x0] =	vst v2;
	(pc) =	sbr.rel @p0 .LBB2_1-.Ltmp3, $4  }
0xcb: {  	[hbm4b:s21+s28] =	stream.linear.scatter [tilespmem:s1], [sflag:$0x1], $0x280, $0x38;
	[tilespmem:$0xA200] =	vst v63  }
0xcc: {  	_ =	swait.ge [sflag:s23], $0x280  }
0xcd: {  	[sflag:s23] =	ssyncset.done $0x0  }
0xce: {  	[sflag:s23] =	ssyncadd.s32 $0xFFFFFD80  }
0xcf: {  	_ =	sfence.sel $0x180000  }
0xd0: {  	[bflag:$0x0] =	sbarrier.arrive $0xFFFF  }
0xd1: {  	_ =	strace $0x90000047  }
0xd2: {  	s0 =	stileid.u32;
	[bflag:$0x2] =	sbarrier.arrive $0xFFFF  }
0xd3: {  	p0 =	sne.s32 s0, $0x0;
	s0 =	rddreg [dreg:$0x3]  }
0xd4: {  	s0 =	sadd.s32 @!p0 $0x100000, s0  }
0xd5: {  	[sflag:s0] =	ssyncadd.tile.s32 @!p0 $0x1;
	_ =	shalt  }
.Lfunc_end2:
_tile_overlayer_lowered:
.L_overlay_start_2:
0xd6: {  	(tag) =	ssettag $0x2  }
0xd7: {  	s0 =	rddreg [dreg:$0x0];
	s2 =	stileid.u32  }
0xd8: {  	s1 =	rddreg [dreg:$0x1];
	p0 =	sne.s32 s2, $0x0  }
0xd9: {  	s3 =	rddreg [dreg:$0x2];
	[bflag:$0x3] =	sbarrier.arrive $0xFFFF;
	s2 =	simm.s32 @!p0 $0x1C01  }
0xda: {  	[timem:s3], [sflag:s2] =	dma.local @!p0 [hbm:s0], s1  }
0xdb: {  	s0 =	simm.s32 @!p0 $0x1  }
0xdc: {  	_ =	swait.ge @!p0 [sflag:s0], s1  }
0xdd: {  	s1 =	ssub.s32 @!p0 $0x0, s1;
	[sflag:s0] =	ssyncset.done @!p0 $0x0  }
0xde: {  	[sflag:s0] =	ssyncadd.s32 @!p0 s1  }
0xdf: {  	[bflag:$0x3] =	sbarrier.arrive $0xFFFF  }
0xe0: {  	_ =	shalt  }

</sc_bundles>
